<compile_context>
chip_gen: v7x
topology: tpu7x:2x2x1
jax: 0.10.2.dev20260603
libtpu: 0.0.44.dev20260713+nightly
codegen_flags: <defaults>
</compile_context>

<pallas_src>
import functools

import jax
import jax.numpy as jnp
from jax import lax
from jax.experimental import pallas as pl
from jax.experimental.pallas import tpu as pltpu
from jax.experimental.pallas import tpu_sc as plsc

_B, _H, _W = 4, 224, 224
_S = 196
_Q = 49
_K = 9
_RS = 8
_NST = _H // _RS
_NUNIT = _B * _NST
_UPW = _NUNIT // 16


def _body(sims_hbm, sind_hbm, out_hbm):
    wid = lax.axis_index("s") * 2 + lax.axis_index("c")
    lane16 = wid & 15
    iota = lax.iota(jnp.int32, 16)

    def make_runner(w0, ncol):
        def scoped(bufA, bufB, sind_v, out_v, semA, semB, semO):
            bufs = (bufA, bufB)
            sems = (semA, semB)
            civs = [iota + c0 for c0 in range(0, ncol, 16)]

            def decode(t):
                ust = lane16 * _UPW + t
                b = ust // _NST
                st = ust % _NST
                return b, st * _RS

            def slab_src(b, h0, q):
                return sims_hbm.at[b, pl.ds(q * _Q, _Q),
                                   pl.ds(h0, _RS), pl.ds(w0, ncol)]

            def out_dst(b, h0):
                return out_hbm.at[b, :, pl.ds(h0, _RS), pl.ds(w0, ncol)]

            b0, h00 = decode(0)
            pltpu.async_copy(slab_src(b0, h00, 0), bufA, semA)
            pltpu.async_copy(slab_src(b0, h00, 1), bufB, semB)

            def unit_body(t, carry):
                b, h0 = decode(t)
                tn = jnp.minimum(t + 1, _UPW - 1)
                bn, h0n = decode(tn)
                pltpu.sync_copy(
                    sind_hbm.at[b, :, pl.ds(h0, _RS), pl.ds(w0, ncol)],
                    sind_v)
                for p in range(4):
                    buf, sem = bufs[p & 1], sems[p & 1]
                    pltpu.make_async_copy(
                        slab_src(b, h0, p), buf, sem).wait()
                    if p == 0:
                        @pl.when(t > 0)
                        def _():
                            tp = jnp.maximum(t - 1, 0)
                            bp, h0p = decode(tp)
                            pltpu.make_async_copy(
                                out_v, out_dst(bp, h0p), semO).wait()

                    def kr_body(i, c2):
                        k = i >> 3
                        r = i & 7
                        rvec = jnp.full((16,), r, jnp.int32)
                        for ci in range(ncol // 16):
                            sl = (k, r, pl.ds(ci * 16, 16))
                            sv = sind_v[sl]
                            if p == 0:
                                m = sv < _Q
                                out_v[sl] = plsc.load_gather(
                                    buf, [sv, rvec, civs[ci]], mask=m)
                            else:
                                loc = sv - (p * _Q)
                                m = (loc >= 0) & (loc < _Q)
                                g = plsc.load_gather(
                                    buf, [loc, rvec, civs[ci]], mask=m)
                                plsc.addupdate(out_v.at[sl], g)
                        return c2

                    lax.fori_loop(0, _K * _RS, kr_body, 0)
                    if p < 2:
                        pltpu.async_copy(slab_src(b, h0, p + 2), buf, sem)
                    else:
                        @pl.when(t + 1 < _UPW)
                        def _():
                            pltpu.async_copy(
                                slab_src(bn, h0n, p - 2), buf, sem)
                pltpu.async_copy(out_v, out_dst(b, h0), semO)
                return carry

            lax.fori_loop(0, _UPW, unit_body, 0)
            bl, h0l = decode(_UPW - 1)
            pltpu.make_async_copy(out_v, out_dst(bl, h0l), semO).wait()

        return scoped

    @pl.when(wid < 16)
    def _():
        pl.run_scoped(
            make_runner(0, 128),
            pltpu.VMEM((_Q, _RS, 128), jnp.float32),
            pltpu.VMEM((_Q, _RS, 128), jnp.float32),
            pltpu.VMEM((_K, _RS, 128), jnp.int32),
            pltpu.VMEM((_K, _RS, 128), jnp.float32),
            pltpu.SemaphoreType.DMA,
            pltpu.SemaphoreType.DMA,
            pltpu.SemaphoreType.DMA,
        )

    @pl.when(wid >= 16)
    def _():
        pl.run_scoped(
            make_runner(128, _W - 128),
            pltpu.VMEM((_Q, _RS, _W - 128), jnp.float32),
            pltpu.VMEM((_Q, _RS, _W - 128), jnp.float32),
            pltpu.VMEM((_K, _RS, _W - 128), jnp.int32),
            pltpu.VMEM((_K, _RS, _W - 128), jnp.float32),
            pltpu.SemaphoreType.DMA,
            pltpu.SemaphoreType.DMA,
            pltpu.SemaphoreType.DMA,
        )


@functools.partial(
    pl.kernel,
    out_type=jax.ShapeDtypeStruct((_B, _K, _H, _W), jnp.float32),
    mesh=plsc.VectorSubcoreMesh(core_axis_name="c", subcore_axis_name="s"),
    compiler_params=pltpu.CompilerParams(needs_layout_passes=False),
)
def _gather_sims_sc(sims_hbm, sind_hbm, out_hbm):
    _body(sims_hbm, sind_hbm, out_hbm)


def kernel(sims, sinds):
    b, h, w, sh, sw = sims.shape
    k = sinds.shape[-1]
    sims_t = jnp.transpose(sims, (0, 3, 4, 1, 2)).reshape(b, sh * sw, h, w)
    sind_t = jnp.transpose(sinds.astype(jnp.int32), (0, 3, 1, 2))
    out_t = _gather_sims_sc(sims_t, sind_t)
    return jnp.transpose(out_t, (0, 2, 3, 1))

# --- scband reference (transcript-rebuilt; emitter-appended) ---
"""Pipeline reference for scband-gather-sims-76647986364471 (READ-ONLY COPY).

The authoritative reference and input builder live on the scoring server;
editing this copy changes nothing except your own understanding.
"""

import jax, jax.numpy as jnp
import numpy as np

B, H, W = 4, 224, 224
sH, sW = 14, 14
NSP = 9

def setup_inputs(seed: int = 0) -> dict:
    key = jax.random.key(seed)
    k1, k2 = jax.random.split(key)
    sims = jax.random.uniform(k1, (B, H, W, sH, sW), dtype=jnp.float32)
    sinds = jax.random.randint(k2, (B, H, W, NSP), 0, sH * sW, dtype=jnp.int64)
    return {"sims": sims, "sinds": sinds}

def reference(sims, sinds):
    # GatherSims: for each pixel (b,h,w), gather P(L_i = s) for the 9
    # neighboring superpixels indexed by sinds (flattened sH*sW index).
    b, h, w, sh, sw = sims.shape
    flat = sims.reshape(b, h, w, sh * sw)
    sims_out = jnp.take_along_axis(flat, sinds, axis=-1)
    return sims_out

if __name__ == "__main__":
    import jax
    _d = setup_inputs()
    print(jax.jit(kernel)(*tuple(_d.values())))

</pallas_src>

<mosaic_0001>
#map = affine_map<(d0, d1) -> (0, 0, 0, 0)>
module attributes {stable_mosaic.version = 14 : i64} {
  func.func @_gather_sims_sc(%arg0: i32, %arg1: i32, %arg2: memref<4x196x224x224xf32, #tpu.memory_space<hbm>>, %arg3: memref<4x9x224x224xi32, #tpu.memory_space<hbm>>, %arg4: memref<4x9x224x224xf32, #tpu.memory_space<hbm>>) attributes {dimension_semantics = [#tpu.dimension_semantics<core_parallel>, #tpu.dimension_semantics<subcore_parallel>], iteration_bounds = array<i64: 2, 16>, scalar_prefetch = 0 : i64, scratch_operands = 0 : i64, tpu.core_type = #tpu.core_type<sc_vector_subcore>, window_params = [{transform_indices = #map}, {transform_indices = #map}, {transform_indices = #map}]} {
    %mul3A = arith.constant 2 : i32
    %mul3A_0 = arith.muli %arg1, %mul3A : i32
    %add3A = arith.addi %mul3A_0, %arg0 : i32
    %and3A = arith.constant 15 : i32
    %and3A_1 = arith.andi %add3A, %and3A : i32
    %iota3A = tpu.iota {dimensions = array<i32: 0>} : vector<16xi32>
    %lt3A = arith.constant 16 : i32
    %lt3A_2 = arith.cmpi slt, %add3A, %lt3A : i32
    %convert_element_type3A = arith.extui %lt3A_2 : i1 to i32
    %cond3A = arith.constant 0 : i32
    %cond3A_3 = arith.cmpi ne, %convert_element_type3A, %cond3A : i32
    scf.if %cond3A_3 {
      "tpu.region"() ({
        %run_scoped3A = memref.alloca() : memref<49x8x128xf32, #tpu.memory_space<vmem>>
        %run_scoped3A_8 = memref.alloca() : memref<49x8x128xf32, #tpu.memory_space<vmem>>
        %run_scoped3A_9 = memref.alloca() : memref<9x8x128xi32, #tpu.memory_space<vmem>>
        %run_scoped3A_10 = memref.alloca() : memref<9x8x128xf32, #tpu.memory_space<vmem>>
        %run_scoped3A_11 = tpu.sem_alloc : memref<!tpu.dma_semaphore, #tpu.memory_space<semaphore_mem>>
        %run_scoped3A_12 = tpu.sem_alloc : memref<!tpu.dma_semaphore, #tpu.memory_space<semaphore_mem>>
        %run_scoped3A_13 = tpu.sem_alloc : memref<!tpu.dma_semaphore, #tpu.memory_space<semaphore_mem>>
        %add3A_14 = arith.constant 0 : i32
        %add3A_15 = vector.broadcast %add3A_14 : i32 to vector<16xi32>
        %add3A_16 = arith.addi %iota3A, %add3A_15 : vector<16xi32>
        %add3A_17 = arith.constant 16 : i32
        %add3A_18 = vector.broadcast %add3A_17 : i32 to vector<16xi32>
        %add3A_19 = arith.addi %iota3A, %add3A_18 : vector<16xi32>
        %add3A_20 = arith.constant 32 : i32
        %add3A_21 = vector.broadcast %add3A_20 : i32 to vector<16xi32>
        %add3A_22 = arith.addi %iota3A, %add3A_21 : vector<16xi32>
        %add3A_23 = arith.constant 48 : i32
        %add3A_24 = vector.broadcast %add3A_23 : i32 to vector<16xi32>
        %add3A_25 = arith.addi %iota3A, %add3A_24 : vector<16xi32>
        %add3A_26 = arith.constant 64 : i32
        %add3A_27 = vector.broadcast %add3A_26 : i32 to vector<16xi32>
        %add3A_28 = arith.addi %iota3A, %add3A_27 : vector<16xi32>
        %add3A_29 = arith.constant 80 : i32
        %add3A_30 = vector.broadcast %add3A_29 : i32 to vector<16xi32>
        %add3A_31 = arith.addi %iota3A, %add3A_30 : vector<16xi32>
        %add3A_32 = arith.constant 96 : i32
        %add3A_33 = vector.broadcast %add3A_32 : i32 to vector<16xi32>
        %add3A_34 = arith.addi %iota3A, %add3A_33 : vector<16xi32>
        %add3A_35 = arith.constant 112 : i32
        %add3A_36 = vector.broadcast %add3A_35 : i32 to vector<16xi32>
        %add3A_37 = arith.addi %iota3A, %add3A_36 : vector<16xi32>
        %mul3A_38 = arith.constant 7 : i32
        %mul3A_39 = arith.muli %and3A_1, %mul3A_38 : i32
        %add3A_40 = arith.constant 0 : i32
        %add3A_41 = arith.addi %mul3A_39, %add3A_40 : i32
        %jit3A = arith.constant 28 : i32
        %div3A = arith.divsi %add3A_41, %jit3A : i32
        %sign3A = arith.constant 0 : i32
        %sign3A_42 = arith.cmpi sgt, %add3A_41, %sign3A : i32
        %sign3A_43 = arith.extui %sign3A_42 : i1 to i32
        %sign3A_44 = arith.constant 0 : i32
        %sign3A_45 = arith.cmpi slt, %add3A_41, %sign3A_44 : i32
        %sign3A_46 = arith.extui %sign3A_45 : i1 to i32
        %sign3A_47 = arith.subi %sign3A_43, %sign3A_46 : i32
        %sign3A_48 = arith.constant 0 : i32
        %sign3A_49 = arith.cmpi sgt, %jit3A, %sign3A_48 : i32
        %sign3A_50 = arith.extui %sign3A_49 : i1 to i32
        %sign3A_51 = arith.constant 0 : i32
        %sign3A_52 = arith.cmpi slt, %jit3A, %sign3A_51 : i32
        %sign3A_53 = arith.extui %sign3A_52 : i1 to i32
        %sign3A_54 = arith.subi %sign3A_50, %sign3A_53 : i32
        %ne3A = arith.cmpi ne, %sign3A_47, %sign3A_54 : i32
        %rem3A = arith.remsi %add3A_41, %jit3A : i32
        %ne3A_55 = arith.constant 0 : i32
        %ne3A_56 = arith.cmpi ne, %rem3A, %ne3A_55 : i32
        %and3A_57 = arith.andi %ne3A, %ne3A_56 : i1
        %sub3A = arith.constant 1 : i32
        %sub3A_58 = arith.subi %div3A, %sub3A : i32
        %select_n3A = arith.select %and3A_57, %sub3A_58, %div3A : i32
        %jit3A_59 = arith.constant 28 : i32
        %eq3A = arith.constant 0 : i32
        %eq3A_60 = arith.cmpi eq, %jit3A_59, %eq3A : i32
        %jit3A_61 = arith.constant 1 : i32
        %select_n3A_62 = arith.select %eq3A_60, %jit3A_61, %jit3A_59 : i32
        %rem3A_63 = arith.remsi %add3A_41, %select_n3A_62 : i32
        %ne3A_64 = arith.constant 0 : i32
        %ne3A_65 = arith.cmpi ne, %rem3A_63, %ne3A_64 : i32
        %lt3A_66 = arith.constant 0 : i32
        %lt3A_67 = arith.cmpi slt, %rem3A_63, %lt3A_66 : i32
        %lt3A_68 = arith.constant 0 : i32
        %lt3A_69 = arith.cmpi slt, %select_n3A_62, %lt3A_68 : i32
        %ne3A_70 = arith.xori %lt3A_67, %lt3A_69 : i1
        %and3A_71 = arith.andi %ne3A_70, %ne3A_65 : i1
        %add3A_72 = arith.addi %rem3A_63, %select_n3A_62 : i32
        %select_n3A_73 = arith.select %and3A_71, %add3A_72, %rem3A_63 : i32
        %mul3A_74 = arith.constant 8 : i32
        %mul3A_75 = arith.muli %select_n3A_73, %mul3A_74 : i32
        %dma_start3A = arith.constant 0 : i32
        %dma_start3A_76 = arith.constant 0 : i32
        %dma_start3A_77 = tpu.memref_slice %arg2[%select_n3A, %dma_start3A, %mul3A_75, %dma_start3A_76] : memref<4x196x224x224xf32, #tpu.memory_space<hbm>> -> memref<1x49x8x128xf32, #tpu.memory_space<hbm>>
        %dma_start3A_78 = tpu.memref_squeeze %dma_start3A_77 : memref<1x49x8x128xf32, #tpu.memory_space<hbm>> -> memref<49x8x128xf32, #tpu.memory_space<hbm>>
        %dma_start3A_79 = arith.constant 0 : i32
        %dma_start3A_80 = arith.constant 0 : i32
        %dma_start3A_81 = tpu.memref_slice %arg2[%select_n3A, %dma_start3A_79, %mul3A_75, %dma_start3A_80] : memref<4x196x224x224xf32, #tpu.memory_space<hbm>> -> memref<1x49x8x128xf32, #tpu.memory_space<hbm>>
        %dma_start3A_82 = tpu.memref_squeeze %dma_start3A_81 : memref<1x49x8x128xf32, #tpu.memory_space<hbm>> -> memref<49x8x128xf32, #tpu.memory_space<hbm>>
        tpu.enqueue_dma source(%dma_start3A_82 : memref<49x8x128xf32, #tpu.memory_space<hbm>>) target(%run_scoped3A : memref<49x8x128xf32, #tpu.memory_space<vmem>>) target_semaphore(%run_scoped3A_11 : memref<!tpu.dma_semaphore, #tpu.memory_space<semaphore_mem>>)
        %dma_start3A_83 = arith.constant 49 : i32
        %dma_start3A_84 = arith.constant 0 : i32
        %dma_start3A_85 = tpu.memref_slice %arg2[%select_n3A, %dma_start3A_83, %mul3A_75, %dma_start3A_84] : memref<4x196x224x224xf32, #tpu.memory_space<hbm>> -> memref<1x49x8x128xf32, #tpu.memory_space<hbm>>
        %dma_start3A_86 = tpu.memref_squeeze %dma_start3A_85 : memref<1x49x8x128xf32, #tpu.memory_space<hbm>> -> memref<49x8x128xf32, #tpu.memory_space<hbm>>
        %dma_start3A_87 = arith.constant 49 : i32
        %dma_start3A_88 = arith.constant 0 : i32
        %dma_start3A_89 = tpu.memref_slice %arg2[%select_n3A, %dma_start3A_87, %mul3A_75, %dma_start3A_88] : memref<4x196x224x224xf32, #tpu.memory_space<hbm>> -> memref<1x49x8x128xf32, #tpu.memory_space<hbm>>
        %dma_start3A_90 = tpu.memref_squeeze %dma_start3A_89 : memref<1x49x8x128xf32, #tpu.memory_space<hbm>> -> memref<49x8x128xf32, #tpu.memory_space<hbm>>
        tpu.enqueue_dma source(%dma_start3A_90 : memref<49x8x128xf32, #tpu.memory_space<hbm>>) target(%run_scoped3A_8 : memref<49x8x128xf32, #tpu.memory_space<vmem>>) target_semaphore(%run_scoped3A_12 : memref<!tpu.dma_semaphore, #tpu.memory_space<semaphore_mem>>)
        %scan3A = arith.constant 0 : i32
        %scan3A_91 = arith.constant 0 : i32
        %scan3A_92 = arith.constant 7 : i32
        %scan3A_93 = arith.addi %scan3A_91, %scan3A_92 : i32
        %scan3A_94 = arith.constant 1 : i32
        scf.for %scan3A_149 = %scan3A_91 to %scan3A_93 step %scan3A_94  : i32 {
          %mul3A_150 = arith.constant 7 : i32
          %mul3A_151 = arith.muli %and3A_1, %mul3A_150 : i32
          %add3A_152 = arith.addi %mul3A_151, %scan3A_149 : i32
          %jit3A_153 = arith.constant 28 : i32
          %div3A_154 = arith.divsi %add3A_152, %jit3A_153 : i32
          %sign3A_155 = arith.constant 0 : i32
          %sign3A_156 = arith.cmpi sgt, %add3A_152, %sign3A_155 : i32
          %sign3A_157 = arith.extui %sign3A_156 : i1 to i32
          %sign3A_158 = arith.constant 0 : i32
          %sign3A_159 = arith.cmpi slt, %add3A_152, %sign3A_158 : i32
          %sign3A_160 = arith.extui %sign3A_159 : i1 to i32
          %sign3A_161 = arith.subi %sign3A_157, %sign3A_160 : i32
          %sign3A_162 = arith.constant 0 : i32
          %sign3A_163 = arith.cmpi sgt, %jit3A_153, %sign3A_162 : i32
          %sign3A_164 = arith.extui %sign3A_163 : i1 to i32
          %sign3A_165 = arith.constant 0 : i32
          %sign3A_166 = arith.cmpi slt, %jit3A_153, %sign3A_165 : i32
          %sign3A_167 = arith.extui %sign3A_166 : i1 to i32
          %sign3A_168 = arith.subi %sign3A_164, %sign3A_167 : i32
          %ne3A_169 = arith.cmpi ne, %sign3A_161, %sign3A_168 : i32
          %rem3A_170 = arith.remsi %add3A_152, %jit3A_153 : i32
          %ne3A_171 = arith.constant 0 : i32
          %ne3A_172 = arith.cmpi ne, %rem3A_170, %ne3A_171 : i32
          %and3A_173 = arith.andi %ne3A_169, %ne3A_172 : i1
          %sub3A_174 = arith.constant 1 : i32
          %sub3A_175 = arith.subi %div3A_154, %sub3A_174 : i32
          %select_n3A_176 = arith.select %and3A_173, %sub3A_175, %div3A_154 : i32
          %jit3A_177 = arith.constant 28 : i32
          %eq3A_178 = arith.constant 0 : i32
          %eq3A_179 = arith.cmpi eq, %jit3A_177, %eq3A_178 : i32
          %jit3A_180 = arith.constant 1 : i32
          %select_n3A_181 = arith.select %eq3A_179, %jit3A_180, %jit3A_177 : i32
          %rem3A_182 = arith.remsi %add3A_152, %select_n3A_181 : i32
          %ne3A_183 = arith.constant 0 : i32
          %ne3A_184 = arith.cmpi ne, %rem3A_182, %ne3A_183 : i32
          %lt3A_185 = arith.constant 0 : i32
          %lt3A_186 = arith.cmpi slt, %rem3A_182, %lt3A_185 : i32
          %lt3A_187 = arith.constant 0 : i32
          %lt3A_188 = arith.cmpi slt, %select_n3A_181, %lt3A_187 : i32
          %ne3A_189 = arith.xori %lt3A_186, %lt3A_188 : i1
          %and3A_190 = arith.andi %ne3A_189, %ne3A_184 : i1
          %add3A_191 = arith.addi %rem3A_182, %select_n3A_181 : i32
          %select_n3A_192 = arith.select %and3A_190, %add3A_191, %rem3A_182 : i32
          %mul3A_193 = arith.constant 8 : i32
          %mul3A_194 = arith.muli %select_n3A_192, %mul3A_193 : i32
          %add3A_195 = arith.constant 1 : i32
          %add3A_196 = arith.addi %scan3A_149, %add3A_195 : i32
          %min3A = arith.constant 6 : i32
          %min3A_197 = arith.minsi %add3A_196, %min3A : i32
          %mul3A_198 = arith.constant 7 : i32
          %mul3A_199 = arith.muli %and3A_1, %mul3A_198 : i32
          %add3A_200 = arith.addi %mul3A_199, %min3A_197 : i32
          %jit3A_201 = arith.constant 28 : i32
          %div3A_202 = arith.divsi %add3A_200, %jit3A_201 : i32
          %sign3A_203 = arith.constant 0 : i32
          %sign3A_204 = arith.cmpi sgt, %add3A_200, %sign3A_203 : i32
          %sign3A_205 = arith.extui %sign3A_204 : i1 to i32
          %sign3A_206 = arith.constant 0 : i32
          %sign3A_207 = arith.cmpi slt, %add3A_200, %sign3A_206 : i32
          %sign3A_208 = arith.extui %sign3A_207 : i1 to i32
          %sign3A_209 = arith.subi %sign3A_205, %sign3A_208 : i32
          %sign3A_210 = arith.constant 0 : i32
          %sign3A_211 = arith.cmpi sgt, %jit3A_201, %sign3A_210 : i32
          %sign3A_212 = arith.extui %sign3A_211 : i1 to i32
          %sign3A_213 = arith.constant 0 : i32
          %sign3A_214 = arith.cmpi slt, %jit3A_201, %sign3A_213 : i32
          %sign3A_215 = arith.extui %sign3A_214 : i1 to i32
          %sign3A_216 = arith.subi %sign3A_212, %sign3A_215 : i32
          %ne3A_217 = arith.cmpi ne, %sign3A_209, %sign3A_216 : i32
          %rem3A_218 = arith.remsi %add3A_200, %jit3A_201 : i32
          %ne3A_219 = arith.constant 0 : i32
          %ne3A_220 = arith.cmpi ne, %rem3A_218, %ne3A_219 : i32
          %and3A_221 = arith.andi %ne3A_217, %ne3A_220 : i1
          %sub3A_222 = arith.constant 1 : i32
          %sub3A_223 = arith.subi %div3A_202, %sub3A_222 : i32
          %select_n3A_224 = arith.select %and3A_221, %sub3A_223, %div3A_202 : i32
          %jit3A_225 = arith.constant 28 : i32
          %eq3A_226 = arith.constant 0 : i32
          %eq3A_227 = arith.cmpi eq, %jit3A_225, %eq3A_226 : i32
          %jit3A_228 = arith.constant 1 : i32
          %select_n3A_229 = arith.select %eq3A_227, %jit3A_228, %jit3A_225 : i32
          %rem3A_230 = arith.remsi %add3A_200, %select_n3A_229 : i32
          %ne3A_231 = arith.constant 0 : i32
          %ne3A_232 = arith.cmpi ne, %rem3A_230, %ne3A_231 : i32
          %lt3A_233 = arith.constant 0 : i32
          %lt3A_234 = arith.cmpi slt, %rem3A_230, %lt3A_233 : i32
          %lt3A_235 = arith.constant 0 : i32
          %lt3A_236 = arith.cmpi slt, %select_n3A_229, %lt3A_235 : i32
          %ne3A_237 = arith.xori %lt3A_234, %lt3A_236 : i1
          %and3A_238 = arith.andi %ne3A_237, %ne3A_232 : i1
          %add3A_239 = arith.addi %rem3A_230, %select_n3A_229 : i32
          %select_n3A_240 = arith.select %and3A_238, %add3A_239, %rem3A_230 : i32
          %mul3A_241 = arith.constant 8 : i32
          %mul3A_242 = arith.muli %select_n3A_240, %mul3A_241 : i32
          "tpu.region"() ({
            %run_scoped3A_341 = tpu.sem_alloc : memref<!tpu.dma_semaphore, #tpu.memory_space<semaphore_mem>>
            %dma_start3A_342 = arith.constant 0 : i32
            %dma_start3A_343 = arith.constant 0 : i32
            %dma_start3A_344 = tpu.memref_slice %arg3[%select_n3A_176, %dma_start3A_342, %mul3A_194, %dma_start3A_343] : memref<4x9x224x224xi32, #tpu.memory_space<hbm>> -> memref<1x9x8x128xi32, #tpu.memory_space<hbm>>
            %dma_start3A_345 = tpu.memref_squeeze %dma_start3A_344 : memref<1x9x8x128xi32, #tpu.memory_space<hbm>> -> memref<9x8x128xi32, #tpu.memory_space<hbm>>
            %dma_start3A_346 = arith.constant 0 : i32
            %dma_start3A_347 = arith.constant 0 : i32
            %dma_start3A_348 = tpu.memref_slice %arg3[%select_n3A_176, %dma_start3A_346, %mul3A_194, %dma_start3A_347] : memref<4x9x224x224xi32, #tpu.memory_space<hbm>> -> memref<1x9x8x128xi32, #tpu.memory_space<hbm>>
            %dma_start3A_349 = tpu.memref_squeeze %dma_start3A_348 : memref<1x9x8x128xi32, #tpu.memory_space<hbm>> -> memref<9x8x128xi32, #tpu.memory_space<hbm>>
            tpu.enqueue_dma source(%dma_start3A_349 : memref<9x8x128xi32, #tpu.memory_space<hbm>>) target(%run_scoped3A_9 : memref<9x8x128xi32, #tpu.memory_space<vmem>>) target_semaphore(%run_scoped3A_341 : memref<!tpu.dma_semaphore, #tpu.memory_space<semaphore_mem>>)
            %dma_wait3A_350 = arith.constant 0 : i32
            %dma_wait3A_351 = arith.constant 0 : i32
            %dma_wait3A_352 = tpu.memref_slice %arg3[%select_n3A_176, %dma_wait3A_350, %mul3A_194, %dma_wait3A_351] : memref<4x9x224x224xi32, #tpu.memory_space<hbm>> -> memref<1x9x8x128xi32, #tpu.memory_space<hbm>>
            %dma_wait3A_353 = tpu.memref_squeeze %dma_wait3A_352 : memref<1x9x8x128xi32, #tpu.memory_space<hbm>> -> memref<9x8x128xi32, #tpu.memory_space<hbm>>
            %dma_wait3A_354 = arith.constant 0 : i32
            %dma_wait3A_355 = arith.constant 0 : i32
            %dma_wait3A_356 = tpu.memref_slice %arg3[%select_n3A_176, %dma_wait3A_354, %mul3A_194, %dma_wait3A_355] : memref<4x9x224x224xi32, #tpu.memory_space<hbm>> -> memref<1x9x8x128xi32, #tpu.memory_space<hbm>>
            %dma_wait3A_357 = tpu.memref_squeeze %dma_wait3A_356 : memref<1x9x8x128xi32, #tpu.memory_space<hbm>> -> memref<9x8x128xi32, #tpu.memory_space<hbm>>
            tpu.wait_dma2 semaphore(%run_scoped3A_341 : memref<!tpu.dma_semaphore, #tpu.memory_space<semaphore_mem>>) src(%dma_wait3A_357 : memref<9x8x128xi32, #tpu.memory_space<hbm>>) dst(%run_scoped3A_9 : memref<9x8x128xi32, #tpu.memory_space<vmem>>)
            tpu.yield
          }) : () -> ()
          %dma_wait3A_243 = arith.constant 0 : i32
          %dma_wait3A_244 = arith.constant 0 : i32
          %dma_wait3A_245 = tpu.memref_slice %arg2[%select_n3A_176, %dma_wait3A_243, %mul3A_194, %dma_wait3A_244] : memref<4x196x224x224xf32, #tpu.memory_space<hbm>> -> memref<1x49x8x128xf32, #tpu.memory_space<hbm>>
          %dma_wait3A_246 = tpu.memref_squeeze %dma_wait3A_245 : memref<1x49x8x128xf32, #tpu.memory_space<hbm>> -> memref<49x8x128xf32, #tpu.memory_space<hbm>>
          %dma_wait3A_247 = arith.constant 0 : i32
          %dma_wait3A_248 = arith.constant 0 : i32
          %dma_wait3A_249 = tpu.memref_slice %arg2[%select_n3A_176, %dma_wait3A_247, %mul3A_194, %dma_wait3A_248] : memref<4x196x224x224xf32, #tpu.memory_space<hbm>> -> memref<1x49x8x128xf32, #tpu.memory_space<hbm>>
          %dma_wait3A_250 = tpu.memref_squeeze %dma_wait3A_249 : memref<1x49x8x128xf32, #tpu.memory_space<hbm>> -> memref<49x8x128xf32, #tpu.memory_space<hbm>>
          tpu.wait_dma2 semaphore(%run_scoped3A_11 : memref<!tpu.dma_semaphore, #tpu.memory_space<semaphore_mem>>) src(%dma_wait3A_250 : memref<49x8x128xf32, #tpu.memory_space<hbm>>) dst(%run_scoped3A : memref<49x8x128xf32, #tpu.memory_space<vmem>>)
          %gt3A = arith.constant 0 : i32
          %gt3A_251 = arith.cmpi sgt, %scan3A_149, %gt3A : i32
          %convert_element_type3A_252 = arith.extui %gt3A_251 : i1 to i32
          %cond3A_253 = arith.constant 0 : i32
          %cond3A_254 = arith.cmpi ne, %convert_element_type3A_252, %cond3A_253 : i32
          scf.if %cond3A_254 {
            %sub3A_341 = arith.constant 1 : i32
            %sub3A_342 = arith.subi %scan3A_149, %sub3A_341 : i32
            %max3A = arith.constant 0 : i32
            %max3A_343 = arith.maxsi %sub3A_342, %max3A : i32
            %mul3A_344 = arith.constant 7 : i32
            %mul3A_345 = arith.muli %and3A_1, %mul3A_344 : i32
            %add3A_346 = arith.addi %mul3A_345, %max3A_343 : i32
            %jit3A_347 = arith.constant 28 : i32
            %div3A_348 = arith.divsi %add3A_346, %jit3A_347 : i32
            %sign3A_349 = arith.constant 0 : i32
            %sign3A_350 = arith.cmpi sgt, %add3A_346, %sign3A_349 : i32
            %sign3A_351 = arith.extui %sign3A_350 : i1 to i32
            %sign3A_352 = arith.constant 0 : i32
            %sign3A_353 = arith.cmpi slt, %add3A_346, %sign3A_352 : i32
            %sign3A_354 = arith.extui %sign3A_353 : i1 to i32
            %sign3A_355 = arith.subi %sign3A_351, %sign3A_354 : i32
            %sign3A_356 = arith.constant 0 : i32
            %sign3A_357 = arith.cmpi sgt, %jit3A_347, %sign3A_356 : i32
            %sign3A_358 = arith.extui %sign3A_357 : i1 to i32
            %sign3A_359 = arith.constant 0 : i32
            %sign3A_360 = arith.cmpi slt, %jit3A_347, %sign3A_359 : i32
            %sign3A_361 = arith.extui %sign3A_360 : i1 to i32
            %sign3A_362 = arith.subi %sign3A_358, %sign3A_361 : i32
            %ne3A_363 = arith.cmpi ne, %sign3A_355, %sign3A_362 : i32
            %rem3A_364 = arith.remsi %add3A_346, %jit3A_347 : i32
            %ne3A_365 = arith.constant 0 : i32
            %ne3A_366 = arith.cmpi ne, %rem3A_364, %ne3A_365 : i32
            %and3A_367 = arith.andi %ne3A_363, %ne3A_366 : i1
            %sub3A_368 = arith.constant 1 : i32
            %sub3A_369 = arith.subi %div3A_348, %sub3A_368 : i32
            %select_n3A_370 = arith.select %and3A_367, %sub3A_369, %div3A_348 : i32
            %jit3A_371 = arith.constant 28 : i32
            %eq3A_372 = arith.constant 0 : i32
            %eq3A_373 = arith.cmpi eq, %jit3A_371, %eq3A_372 : i32
            %jit3A_374 = arith.constant 1 : i32
            %select_n3A_375 = arith.select %eq3A_373, %jit3A_374, %jit3A_371 : i32
            %rem3A_376 = arith.remsi %add3A_346, %select_n3A_375 : i32
            %ne3A_377 = arith.constant 0 : i32
            %ne3A_378 = arith.cmpi ne, %rem3A_376, %ne3A_377 : i32
            %lt3A_379 = arith.constant 0 : i32
            %lt3A_380 = arith.cmpi slt, %rem3A_376, %lt3A_379 : i32
            %lt3A_381 = arith.constant 0 : i32
            %lt3A_382 = arith.cmpi slt, %select_n3A_375, %lt3A_381 : i32
            %ne3A_383 = arith.xori %lt3A_380, %lt3A_382 : i1
            %and3A_384 = arith.andi %ne3A_383, %ne3A_378 : i1
            %add3A_385 = arith.addi %rem3A_376, %select_n3A_375 : i32
            %select_n3A_386 = arith.select %and3A_384, %add3A_385, %rem3A_376 : i32
            %mul3A_387 = arith.constant 8 : i32
            %mul3A_388 = arith.muli %select_n3A_386, %mul3A_387 : i32
            %dma_wait3A_389 = arith.constant 0 : i32
            %dma_wait3A_390 = arith.constant 0 : i32
            %dma_wait3A_391 = tpu.memref_slice %arg4[%select_n3A_370, %dma_wait3A_389, %mul3A_388, %dma_wait3A_390] : memref<4x9x224x224xf32, #tpu.memory_space<hbm>> -> memref<1x9x8x128xf32, #tpu.memory_space<hbm>>
            %dma_wait3A_392 = tpu.memref_squeeze %dma_wait3A_391 : memref<1x9x8x128xf32, #tpu.memory_space<hbm>> -> memref<9x8x128xf32, #tpu.memory_space<hbm>>
            %dma_wait3A_393 = arith.constant 0 : i32
            %dma_wait3A_394 = arith.constant 0 : i32
            %dma_wait3A_395 = tpu.memref_slice %arg4[%select_n3A_370, %dma_wait3A_393, %mul3A_388, %dma_wait3A_394] : memref<4x9x224x224xf32, #tpu.memory_space<hbm>> -> memref<1x9x8x128xf32, #tpu.memory_space<hbm>>
            %dma_wait3A_396 = tpu.memref_squeeze %dma_wait3A_395 : memref<1x9x8x128xf32, #tpu.memory_space<hbm>> -> memref<9x8x128xf32, #tpu.memory_space<hbm>>
            tpu.wait_dma2 semaphore(%run_scoped3A_13 : memref<!tpu.dma_semaphore, #tpu.memory_space<semaphore_mem>>) src(%run_scoped3A_10 : memref<9x8x128xf32, #tpu.memory_space<vmem>>) dst(%dma_wait3A_396 : memref<9x8x128xf32, #tpu.memory_space<hbm>>)
          } else {
          }
          %scan3A_255 = arith.constant 0 : i32
          %scan3A_256 = arith.constant 0 : i32
          %scan3A_257 = arith.constant 72 : i32
          %scan3A_258 = arith.addi %scan3A_256, %scan3A_257 : i32
          %scan3A_259 = arith.constant 1 : i32
          scf.for %scan3A_341 = %scan3A_256 to %scan3A_258 step %scan3A_259  : i32 {
            %shift_right_arithmetic3A = arith.constant 3 : i32
            %shift_right_arithmetic3A_342 = arith.shrsi %scan3A_341, %shift_right_arithmetic3A : i32
            %and3A_343 = arith.constant 7 : i32
            %and3A_344 = arith.andi %scan3A_341, %and3A_343 : i32
            %broadcast_in_dim3A = vector.broadcast %and3A_344 : i32 to vector<16xi32>
            %get3A = arith.index_cast %shift_right_arithmetic3A_342 : i32 to index
            %get3A_345 = arith.index_cast %and3A_344 : i32 to index
            %get3A_346 = arith.constant 0 : index
            %get3A_347 = tpu.vector_load %run_scoped3A_9[%get3A, %get3A_345, %get3A_346] {strides = array<i32>} : memref<9x8x128xi32, #tpu.memory_space<vmem>>, vector<16xi32>,
            %lt3A_348 = arith.constant 49 : i32
            %lt3A_349 = vector.broadcast %lt3A_348 : i32 to vector<16xi32>
            %lt3A_350 = arith.cmpi slt, %get3A_347, %lt3A_349 : vector<16xi32>
            %gather3A = tpu.vector_load_idx %run_scoped3A[%get3A_347, %broadcast_in_dim3A, %add3A_16] masked %lt3A_350 : memref<49x8x128xf32, #tpu.memory_space<vmem>>[vector<16xi32>, vector<16xi32>, vector<16xi32>], vector<16xf32>, vector<16xi1>
            %swap3A = arith.index_cast %shift_right_arithmetic3A_342 : i32 to index
            %swap3A_351 = arith.index_cast %and3A_344 : i32 to index
            %swap3A_352 = arith.constant 0 : index
            %swap3A_353 = tpu.vector_load %run_scoped3A_10[%swap3A, %swap3A_351, %swap3A_352] {strides = array<i32>} : memref<9x8x128xf32, #tpu.memory_space<vmem>>, vector<16xf32>,
            tpu.vector_store %run_scoped3A_10[%swap3A, %swap3A_351, %swap3A_352], %gather3A {strides = array<i32>} : memref<9x8x128xf32, #tpu.memory_space<vmem>>, vector<16xf32>,
            %get3A_354 = arith.index_cast %shift_right_arithmetic3A_342 : i32 to index
            %get3A_355 = arith.index_cast %and3A_344 : i32 to index
            %get3A_356 = arith.constant 16 : index
            %get3A_357 = tpu.vector_load %run_scoped3A_9[%get3A_354, %get3A_355, %get3A_356] {strides = array<i32>} : memref<9x8x128xi32, #tpu.memory_space<vmem>>, vector<16xi32>,
            %lt3A_358 = arith.constant 49 : i32
            %lt3A_359 = vector.broadcast %lt3A_358 : i32 to vector<16xi32>
            %lt3A_360 = arith.cmpi slt, %get3A_357, %lt3A_359 : vector<16xi32>
            %gather3A_361 = tpu.vector_load_idx %run_scoped3A[%get3A_357, %broadcast_in_dim3A, %add3A_19] masked %lt3A_360 : memref<49x8x128xf32, #tpu.memory_space<vmem>>[vector<16xi32>, vector<16xi32>, vector<16xi32>], vector<16xf32>, vector<16xi1>
            %swap3A_362 = arith.index_cast %shift_right_arithmetic3A_342 : i32 to index
            %swap3A_363 = arith.index_cast %and3A_344 : i32 to index
            %swap3A_364 = arith.constant 16 : index
            %swap3A_365 = tpu.vector_load %run_scoped3A_10[%swap3A_362, %swap3A_363, %swap3A_364] {strides = array<i32>} : memref<9x8x128xf32, #tpu.memory_space<vmem>>, vector<16xf32>,
            tpu.vector_store %run_scoped3A_10[%swap3A_362, %swap3A_363, %swap3A_364], %gather3A_361 {strides = array<i32>} : memref<9x8x128xf32, #tpu.memory_space<vmem>>, vector<16xf32>,
            %get3A_366 = arith.index_cast %shift_right_arithmetic3A_342 : i32 to index
            %get3A_367 = arith.index_cast %and3A_344 : i32 to index
            %get3A_368 = arith.constant 32 : index
            %get3A_369 = tpu.vector_load %run_scoped3A_9[%get3A_366, %get3A_367, %get3A_368] {strides = array<i32>} : memref<9x8x128xi32, #tpu.memory_space<vmem>>, vector<16xi32>,
            %lt3A_370 = arith.constant 49 : i32
            %lt3A_371 = vector.broadcast %lt3A_370 : i32 to vector<16xi32>
            %lt3A_372 = arith.cmpi slt, %get3A_369, %lt3A_371 : vector<16xi32>
            %gather3A_373 = tpu.vector_load_idx %run_scoped3A[%get3A_369, %broadcast_in_dim3A, %add3A_22] masked %lt3A_372 : memref<49x8x128xf32, #tpu.memory_space<vmem>>[vector<16xi32>, vector<16xi32>, vector<16xi32>], vector<16xf32>, vector<16xi1>
            %swap3A_374 = arith.index_cast %shift_right_arithmetic3A_342 : i32 to index
            %swap3A_375 = arith.index_cast %and3A_344 : i32 to index
            %swap3A_376 = arith.constant 32 : index
            %swap3A_377 = tpu.vector_load %run_scoped3A_10[%swap3A_374, %swap3A_375, %swap3A_376] {strides = array<i32>} : memref<9x8x128xf32, #tpu.memory_space<vmem>>, vector<16xf32>,
            tpu.vector_store %run_scoped3A_10[%swap3A_374, %swap3A_375, %swap3A_376], %gather3A_373 {strides = array<i32>} : memref<9x8x128xf32, #tpu.memory_space<vmem>>, vector<16xf32>,
            %get3A_378 = arith.index_cast %shift_right_arithmetic3A_342 : i32 to index
            %get3A_379 = arith.index_cast %and3A_344 : i32 to index
            %get3A_380 = arith.constant 48 : index
            %get3A_381 = tpu.vector_load %run_scoped3A_9[%get3A_378, %get3A_379, %get3A_380] {strides = array<i32>} : memref<9x8x128xi32, #tpu.memory_space<vmem>>, vector<16xi32>,
            %lt3A_382 = arith.constant 49 : i32
            %lt3A_383 = vector.broadcast %lt3A_382 : i32 to vector<16xi32>
            %lt3A_384 = arith.cmpi slt, %get3A_381, %lt3A_383 : vector<16xi32>
            %gather3A_385 = tpu.vector_load_idx %run_scoped3A[%get3A_381, %broadcast_in_dim3A, %add3A_25] masked %lt3A_384 : memref<49x8x128xf32, #tpu.memory_space<vmem>>[vector<16xi32>, vector<16xi32>, vector<16xi32>], vector<16xf32>, vector<16xi1>
            %swap3A_386 = arith.index_cast %shift_right_arithmetic3A_342 : i32 to index
            %swap3A_387 = arith.index_cast %and3A_344 : i32 to index
            %swap3A_388 = arith.constant 48 : index
            %swap3A_389 = tpu.vector_load %run_scoped3A_10[%swap3A_386, %swap3A_387, %swap3A_388] {strides = array<i32>} : memref<9x8x128xf32, #tpu.memory_space<vmem>>, vector<16xf32>,
            tpu.vector_store %run_scoped3A_10[%swap3A_386, %swap3A_387, %swap3A_388], %gather3A_385 {strides = array<i32>} : memref<9x8x128xf32, #tpu.memory_space<vmem>>, vector<16xf32>,
            %get3A_390 = arith.index_cast %shift_right_arithmetic3A_342 : i32 to index
            %get3A_391 = arith.index_cast %and3A_344 : i32 to index
            %get3A_392 = arith.constant 64 : index
            %get3A_393 = tpu.vector_load %run_scoped3A_9[%get3A_390, %get3A_391, %get3A_392] {strides = array<i32>} : memref<9x8x128xi32, #tpu.memory_space<vmem>>, vector<16xi32>,
            %lt3A_394 = arith.constant 49 : i32
            %lt3A_395 = vector.broadcast %lt3A_394 : i32 to vector<16xi32>
            %lt3A_396 = arith.cmpi slt, %get3A_393, %lt3A_395 : vector<16xi32>
            %gather3A_397 = tpu.vector_load_idx %run_scoped3A[%get3A_393, %broadcast_in_dim3A, %add3A_28] masked %lt3A_396 : memref<49x8x128xf32, #tpu.memory_space<vmem>>[vector<16xi32>, vector<16xi32>, vector<16xi32>], vector<16xf32>, vector<16xi1>
            %swap3A_398 = arith.index_cast %shift_right_arithmetic3A_342 : i32 to index
            %swap3A_399 = arith.index_cast %and3A_344 : i32 to index
            %swap3A_400 = arith.constant 64 : index
            %swap3A_401 = tpu.vector_load %run_scoped3A_10[%swap3A_398, %swap3A_399, %swap3A_400] {strides = array<i32>} : memref<9x8x128xf32, #tpu.memory_space<vmem>>, vector<16xf32>,
            tpu.vector_store %run_scoped3A_10[%swap3A_398, %swap3A_399, %swap3A_400], %gather3A_397 {strides = array<i32>} : memref<9x8x128xf32, #tpu.memory_space<vmem>>, vector<16xf32>,
            %get3A_402 = arith.index_cast %shift_right_arithmetic3A_342 : i32 to index
            %get3A_403 = arith.index_cast %and3A_344 : i32 to index
            %get3A_404 = arith.constant 80 : index
            %get3A_405 = tpu.vector_load %run_scoped3A_9[%get3A_402, %get3A_403, %get3A_404] {strides = array<i32>} : memref<9x8x128xi32, #tpu.memory_space<vmem>>, vector<16xi32>,
            %lt3A_406 = arith.constant 49 : i32
            %lt3A_407 = vector.broadcast %lt3A_406 : i32 to vector<16xi32>
            %lt3A_408 = arith.cmpi slt, %get3A_405, %lt3A_407 : vector<16xi32>
            %gather3A_409 = tpu.vector_load_idx %run_scoped3A[%get3A_405, %broadcast_in_dim3A, %add3A_31] masked %lt3A_408 : memref<49x8x128xf32, #tpu.memory_space<vmem>>[vector<16xi32>, vector<16xi32>, vector<16xi32>], vector<16xf32>, vector<16xi1>
            %swap3A_410 = arith.index_cast %shift_right_arithmetic3A_342 : i32 to index
            %swap3A_411 = arith.index_cast %and3A_344 : i32 to index
            %swap3A_412 = arith.constant 80 : index
            %swap3A_413 = tpu.vector_load %run_scoped3A_10[%swap3A_410, %swap3A_411, %swap3A_412] {strides = array<i32>} : memref<9x8x128xf32, #tpu.memory_space<vmem>>, vector<16xf32>,
            tpu.vector_store %run_scoped3A_10[%swap3A_410, %swap3A_411, %swap3A_412], %gather3A_409 {strides = array<i32>} : memref<9x8x128xf32, #tpu.memory_space<vmem>>, vector<16xf32>,
            %get3A_414 = arith.index_cast %shift_right_arithmetic3A_342 : i32 to index
            %get3A_415 = arith.index_cast %and3A_344 : i32 to index
            %get3A_416 = arith.constant 96 : index
            %get3A_417 = tpu.vector_load %run_scoped3A_9[%get3A_414, %get3A_415, %get3A_416] {strides = array<i32>} : memref<9x8x128xi32, #tpu.memory_space<vmem>>, vector<16xi32>,
            %lt3A_418 = arith.constant 49 : i32
            %lt3A_419 = vector.broadcast %lt3A_418 : i32 to vector<16xi32>
            %lt3A_420 = arith.cmpi slt, %get3A_417, %lt3A_419 : vector<16xi32>
            %gather3A_421 = tpu.vector_load_idx %run_scoped3A[%get3A_417, %broadcast_in_dim3A, %add3A_34] masked %lt3A_420 : memref<49x8x128xf32, #tpu.memory_space<vmem>>[vector<16xi32>, vector<16xi32>, vector<16xi32>], vector<16xf32>, vector<16xi1>
            %swap3A_422 = arith.index_cast %shift_right_arithmetic3A_342 : i32 to index
            %swap3A_423 = arith.index_cast %and3A_344 : i32 to index
            %swap3A_424 = arith.constant 96 : index
            %swap3A_425 = tpu.vector_load %run_scoped3A_10[%swap3A_422, %swap3A_423, %swap3A_424] {strides = array<i32>} : memref<9x8x128xf32, #tpu.memory_space<vmem>>, vector<16xf32>,
            tpu.vector_store %run_scoped3A_10[%swap3A_422, %swap3A_423, %swap3A_424], %gather3A_421 {strides = array<i32>} : memref<9x8x128xf32, #tpu.memory_space<vmem>>, vector<16xf32>,
            %get3A_426 = arith.index_cast %shift_right_arithmetic3A_342 : i32 to index
            %get3A_427 = arith.index_cast %and3A_344 : i32 to index
            %get3A_428 = arith.constant 112 : index
            %get3A_429 = tpu.vector_load %run_scoped3A_9[%get3A_426, %get3A_427, %get3A_428] {strides = array<i32>} : memref<9x8x128xi32, #tpu.memory_space<vmem>>, vector<16xi32>,
            %lt3A_430 = arith.constant 49 : i32
            %lt3A_431 = vector.broadcast %lt3A_430 : i32 to vector<16xi32>
            %lt3A_432 = arith.cmpi slt, %get3A_429, %lt3A_431 : vector<16xi32>
            %gather3A_433 = tpu.vector_load_idx %run_scoped3A[%get3A_429, %broadcast_in_dim3A, %add3A_37] masked %lt3A_432 : memref<49x8x128xf32, #tpu.memory_space<vmem>>[vector<16xi32>, vector<16xi32>, vector<16xi32>], vector<16xf32>, vector<16xi1>
            %swap3A_434 = arith.index_cast %shift_right_arithmetic3A_342 : i32 to index
            %swap3A_435 = arith.index_cast %and3A_344 : i32 to index
            %swap3A_436 = arith.constant 112 : index
            %swap3A_437 = tpu.vector_load %run_scoped3A_10[%swap3A_434, %swap3A_435, %swap3A_436] {strides = array<i32>} : memref<9x8x128xf32, #tpu.memory_space<vmem>>, vector<16xf32>,
            tpu.vector_store %run_scoped3A_10[%swap3A_434, %swap3A_435, %swap3A_436], %gather3A_433 {strides = array<i32>} : memref<9x8x128xf32, #tpu.memory_space<vmem>>, vector<16xf32>,
          }
          %scan3A_260 = arith.constant 72 : i32
          %dma_start3A_261 = arith.constant 98 : i32
          %dma_start3A_262 = arith.constant 0 : i32
          %dma_start3A_263 = tpu.memref_slice %arg2[%select_n3A_176, %dma_start3A_261, %mul3A_194, %dma_start3A_262] : memref<4x196x224x224xf32, #tpu.memory_space<hbm>> -> memref<1x49x8x128xf32, #tpu.memory_space<hbm>>
          %dma_start3A_264 = tpu.memref_squeeze %dma_start3A_263 : memref<1x49x8x128xf32, #tpu.memory_space<hbm>> -> memref<49x8x128xf32, #tpu.memory_space<hbm>>
          %dma_start3A_265 = arith.constant 98 : i32
          %dma_start3A_266 = arith.constant 0 : i32
          %dma_start3A_267 = tpu.memref_slice %arg2[%select_n3A_176, %dma_start3A_265, %mul3A_194, %dma_start3A_266] : memref<4x196x224x224xf32, #tpu.memory_space<hbm>> -> memref<1x49x8x128xf32, #tpu.memory_space<hbm>>
          %dma_start3A_268 = tpu.memref_squeeze %dma_start3A_267 : memref<1x49x8x128xf32, #tpu.memory_space<hbm>> -> memref<49x8x128xf32, #tpu.memory_space<hbm>>
          tpu.enqueue_dma source(%dma_start3A_268 : memref<49x8x128xf32, #tpu.memory_space<hbm>>) target(%run_scoped3A : memref<49x8x128xf32, #tpu.memory_space<vmem>>) target_semaphore(%run_scoped3A_11 : memref<!tpu.dma_semaphore, #tpu.memory_space<semaphore_mem>>)
          %dma_wait3A_269 = arith.constant 49 : i32
          %dma_wait3A_270 = arith.constant 0 : i32
          %dma_wait3A_271 = tpu.memref_slice %arg2[%select_n3A_176, %dma_wait3A_269, %mul3A_194, %dma_wait3A_270] : memref<4x196x224x224xf32, #tpu.memory_space<hbm>> -> memref<1x49x8x128xf32, #tpu.memory_space<hbm>>
          %dma_wait3A_272 = tpu.memref_squeeze %dma_wait3A_271 : memref<1x49x8x128xf32, #tpu.memory_space<hbm>> -> memref<49x8x128xf32, #tpu.memory_space<hbm>>
          %dma_wait3A_273 = arith.constant 49 : i32
          %dma_wait3A_274 = arith.constant 0 : i32
          %dma_wait3A_275 = tpu.memref_slice %arg2[%select_n3A_176, %dma_wait3A_273, %mul3A_194, %dma_wait3A_274] : memref<4x196x224x224xf32, #tpu.memory_space<hbm>> -> memref<1x49x8x128xf32, #tpu.memory_space<hbm>>
          %dma_wait3A_276 = tpu.memref_squeeze %dma_wait3A_275 : memref<1x49x8x128xf32, #tpu.memory_space<hbm>> -> memref<49x8x128xf32, #tpu.memory_space<hbm>>
          tpu.wait_dma2 semaphore(%run_scoped3A_12 : memref<!tpu.dma_semaphore, #tpu.memory_space<semaphore_mem>>) src(%dma_wait3A_276 : memref<49x8x128xf32, #tpu.memory_space<hbm>>) dst(%run_scoped3A_8 : memref<49x8x128xf32, #tpu.memory_space<vmem>>)
          %scan3A_277 = arith.constant 0 : i32
          %scan3A_278 = arith.constant 0 : i32
          %scan3A_279 = arith.constant 72 : i32
          %scan3A_280 = arith.addi %scan3A_278, %scan3A_279 : i32
          %scan3A_281 = arith.constant 1 : i32
          scf.for %scan3A_341 = %scan3A_278 to %scan3A_280 step %scan3A_281  : i32 {
            %shift_right_arithmetic3A = arith.constant 3 : i32
            %shift_right_arithmetic3A_342 = arith.shrsi %scan3A_341, %shift_right_arithmetic3A : i32
            %and3A_343 = arith.constant 7 : i32
            %and3A_344 = arith.andi %scan3A_341, %and3A_343 : i32
            %broadcast_in_dim3A = vector.broadcast %and3A_344 : i32 to vector<16xi32>
            %get3A = arith.index_cast %shift_right_arithmetic3A_342 : i32 to index
            %get3A_345 = arith.index_cast %and3A_344 : i32 to index
            %get3A_346 = arith.constant 0 : index
            %get3A_347 = tpu.vector_load %run_scoped3A_9[%get3A, %get3A_345, %get3A_346] {strides = array<i32>} : memref<9x8x128xi32, #tpu.memory_space<vmem>>, vector<16xi32>,
            %sub3A_348 = arith.constant 49 : i32
            %sub3A_349 = vector.broadcast %sub3A_348 : i32 to vector<16xi32>
            %sub3A_350 = arith.subi %get3A_347, %sub3A_349 : vector<16xi32>
            %ge3A_351 = arith.constant 0 : i32
            %ge3A_352 = vector.broadcast %ge3A_351 : i32 to vector<16xi32>
            %ge3A_353 = arith.cmpi sge, %sub3A_350, %ge3A_352 : vector<16xi32>
            %lt3A_354 = arith.constant 49 : i32
            %lt3A_355 = vector.broadcast %lt3A_354 : i32 to vector<16xi32>
            %lt3A_356 = arith.cmpi slt, %sub3A_350, %lt3A_355 : vector<16xi32>
            %and3A_357 = arith.andi %ge3A_353, %lt3A_356 : vector<16xi1>
            %gather3A = tpu.vector_load_idx %run_scoped3A_8[%sub3A_350, %broadcast_in_dim3A, %add3A_16] masked %and3A_357 : memref<49x8x128xf32, #tpu.memory_space<vmem>>[vector<16xi32>, vector<16xi32>, vector<16xi32>], vector<16xf32>, vector<16xi1>
            %swap3A = arith.index_cast %shift_right_arithmetic3A_342 : i32 to index
            %swap3A_358 = arith.index_cast %and3A_344 : i32 to index
            %swap3A_359 = arith.constant 0 : index
            %swap3A_360 = tpu.vector_load %run_scoped3A_10[%swap3A, %swap3A_358, %swap3A_359] {strides = array<i32>} : memref<9x8x128xf32, #tpu.memory_space<vmem>>, vector<16xf32>,
            tpu.vector_store %run_scoped3A_10[%swap3A, %swap3A_358, %swap3A_359], %gather3A {add = true, strides = array<i32>} : memref<9x8x128xf32, #tpu.memory_space<vmem>>, vector<16xf32>,
            %get3A_361 = arith.index_cast %shift_right_arithmetic3A_342 : i32 to index
            %get3A_362 = arith.index_cast %and3A_344 : i32 to index
            %get3A_363 = arith.constant 16 : index
            %get3A_364 = tpu.vector_load %run_scoped3A_9[%get3A_361, %get3A_362, %get3A_363] {strides = array<i32>} : memref<9x8x128xi32, #tpu.memory_space<vmem>>, vector<16xi32>,
            %sub3A_365 = arith.constant 49 : i32
            %sub3A_366 = vector.broadcast %sub3A_365 : i32 to vector<16xi32>
            %sub3A_367 = arith.subi %get3A_364, %sub3A_366 : vector<16xi32>
            %ge3A_368 = arith.constant 0 : i32
            %ge3A_369 = vector.broadcast %ge3A_368 : i32 to vector<16xi32>
            %ge3A_370 = arith.cmpi sge, %sub3A_367, %ge3A_369 : vector<16xi32>
            %lt3A_371 = arith.constant 49 : i32
            %lt3A_372 = vector.broadcast %lt3A_371 : i32 to vector<16xi32>
            %lt3A_373 = arith.cmpi slt, %sub3A_367, %lt3A_372 : vector<16xi32>
            %and3A_374 = arith.andi %ge3A_370, %lt3A_373 : vector<16xi1>
            %gather3A_375 = tpu.vector_load_idx %run_scoped3A_8[%sub3A_367, %broadcast_in_dim3A, %add3A_19] masked %and3A_374 : memref<49x8x128xf32, #tpu.memory_space<vmem>>[vector<16xi32>, vector<16xi32>, vector<16xi32>], vector<16xf32>, vector<16xi1>
            %swap3A_376 = arith.index_cast %shift_right_arithmetic3A_342 : i32 to index
            %swap3A_377 = arith.index_cast %and3A_344 : i32 to index
            %swap3A_378 = arith.constant 16 : index
            %swap3A_379 = tpu.vector_load %run_scoped3A_10[%swap3A_376, %swap3A_377, %swap3A_378] {strides = array<i32>} : memref<9x8x128xf32, #tpu.memory_space<vmem>>, vector<16xf32>,
            tpu.vector_store %run_scoped3A_10[%swap3A_376, %swap3A_377, %swap3A_378], %gather3A_375 {add = true, strides = array<i32>} : memref<9x8x128xf32, #tpu.memory_space<vmem>>, vector<16xf32>,
            %get3A_380 = arith.index_cast %shift_right_arithmetic3A_342 : i32 to index
            %get3A_381 = arith.index_cast %and3A_344 : i32 to index
            %get3A_382 = arith.constant 32 : index
            %get3A_383 = tpu.vector_load %run_scoped3A_9[%get3A_380, %get3A_381, %get3A_382] {strides = array<i32>} : memref<9x8x128xi32, #tpu.memory_space<vmem>>, vector<16xi32>,
            %sub3A_384 = arith.constant 49 : i32
            %sub3A_385 = vector.broadcast %sub3A_384 : i32 to vector<16xi32>
            %sub3A_386 = arith.subi %get3A_383, %sub3A_385 : vector<16xi32>
            %ge3A_387 = arith.constant 0 : i32
            %ge3A_388 = vector.broadcast %ge3A_387 : i32 to vector<16xi32>
            %ge3A_389 = arith.cmpi sge, %sub3A_386, %ge3A_388 : vector<16xi32>
            %lt3A_390 = arith.constant 49 : i32
            %lt3A_391 = vector.broadcast %lt3A_390 : i32 to vector<16xi32>
            %lt3A_392 = arith.cmpi slt, %sub3A_386, %lt3A_391 : vector<16xi32>
            %and3A_393 = arith.andi %ge3A_389, %lt3A_392 : vector<16xi1>
            %gather3A_394 = tpu.vector_load_idx %run_scoped3A_8[%sub3A_386, %broadcast_in_dim3A, %add3A_22] masked %and3A_393 : memref<49x8x128xf32, #tpu.memory_space<vmem>>[vector<16xi32>, vector<16xi32>, vector<16xi32>], vector<16xf32>, vector<16xi1>
            %swap3A_395 = arith.index_cast %shift_right_arithmetic3A_342 : i32 to index
            %swap3A_396 = arith.index_cast %and3A_344 : i32 to index
            %swap3A_397 = arith.constant 32 : index
            %swap3A_398 = tpu.vector_load %run_scoped3A_10[%swap3A_395, %swap3A_396, %swap3A_397] {strides = array<i32>} : memref<9x8x128xf32, #tpu.memory_space<vmem>>, vector<16xf32>,
            tpu.vector_store %run_scoped3A_10[%swap3A_395, %swap3A_396, %swap3A_397], %gather3A_394 {add = true, strides = array<i32>} : memref<9x8x128xf32, #tpu.memory_space<vmem>>, vector<16xf32>,
            %get3A_399 = arith.index_cast %shift_right_arithmetic3A_342 : i32 to index
            %get3A_400 = arith.index_cast %and3A_344 : i32 to index
            %get3A_401 = arith.constant 48 : index
            %get3A_402 = tpu.vector_load %run_scoped3A_9[%get3A_399, %get3A_400, %get3A_401] {strides = array<i32>} : memref<9x8x128xi32, #tpu.memory_space<vmem>>, vector<16xi32>,
            %sub3A_403 = arith.constant 49 : i32
            %sub3A_404 = vector.broadcast %sub3A_403 : i32 to vector<16xi32>
            %sub3A_405 = arith.subi %get3A_402, %sub3A_404 : vector<16xi32>
            %ge3A_406 = arith.constant 0 : i32
            %ge3A_407 = vector.broadcast %ge3A_406 : i32 to vector<16xi32>
            %ge3A_408 = arith.cmpi sge, %sub3A_405, %ge3A_407 : vector<16xi32>
            %lt3A_409 = arith.constant 49 : i32
            %lt3A_410 = vector.broadcast %lt3A_409 : i32 to vector<16xi32>
            %lt3A_411 = arith.cmpi slt, %sub3A_405, %lt3A_410 : vector<16xi32>
            %and3A_412 = arith.andi %ge3A_408, %lt3A_411 : vector<16xi1>
            %gather3A_413 = tpu.vector_load_idx %run_scoped3A_8[%sub3A_405, %broadcast_in_dim3A, %add3A_25] masked %and3A_412 : memref<49x8x128xf32, #tpu.memory_space<vmem>>[vector<16xi32>, vector<16xi32>, vector<16xi32>], vector<16xf32>, vector<16xi1>
            %swap3A_414 = arith.index_cast %shift_right_arithmetic3A_342 : i32 to index
            %swap3A_415 = arith.index_cast %and3A_344 : i32 to index
            %swap3A_416 = arith.constant 48 : index
            %swap3A_417 = tpu.vector_load %run_scoped3A_10[%swap3A_414, %swap3A_415, %swap3A_416] {strides = array<i32>} : memref<9x8x128xf32, #tpu.memory_space<vmem>>, vector<16xf32>,
            tpu.vector_store %run_scoped3A_10[%swap3A_414, %swap3A_415, %swap3A_416], %gather3A_413 {add = true, strides = array<i32>} : memref<9x8x128xf32, #tpu.memory_space<vmem>>, vector<16xf32>,
            %get3A_418 = arith.index_cast %shift_right_arithmetic3A_342 : i32 to index
            %get3A_419 = arith.index_cast %and3A_344 : i32 to index
            %get3A_420 = arith.constant 64 : index
            %get3A_421 = tpu.vector_load %run_scoped3A_9[%get3A_418, %get3A_419, %get3A_420] {strides = array<i32>} : memref<9x8x128xi32, #tpu.memory_space<vmem>>, vector<16xi32>,
            %sub3A_422 = arith.constant 49 : i32
            %sub3A_423 = vector.broadcast %sub3A_422 : i32 to vector<16xi32>
            %sub3A_424 = arith.subi %get3A_421, %sub3A_423 : vector<16xi32>
            %ge3A_425 = arith.constant 0 : i32
            %ge3A_426 = vector.broadcast %ge3A_425 : i32 to vector<16xi32>
            %ge3A_427 = arith.cmpi sge, %sub3A_424, %ge3A_426 : vector<16xi32>
            %lt3A_428 = arith.constant 49 : i32
            %lt3A_429 = vector.broadcast %lt3A_428 : i32 to vector<16xi32>
            %lt3A_430 = arith.cmpi slt, %sub3A_424, %lt3A_429 : vector<16xi32>
            %and3A_431 = arith.andi %ge3A_427, %lt3A_430 : vector<16xi1>
            %gather3A_432 = tpu.vector_load_idx %run_scoped3A_8[%sub3A_424, %broadcast_in_dim3A, %add3A_28] masked %and3A_431 : memref<49x8x128xf32, #tpu.memory_space<vmem>>[vector<16xi32>, vector<16xi32>, vector<16xi32>], vector<16xf32>, vector<16xi1>
            %swap3A_433 = arith.index_cast %shift_right_arithmetic3A_342 : i32 to index
            %swap3A_434 = arith.index_cast %and3A_344 : i32 to index
            %swap3A_435 = arith.constant 64 : index
            %swap3A_436 = tpu.vector_load %run_scoped3A_10[%swap3A_433, %swap3A_434, %swap3A_435] {strides = array<i32>} : memref<9x8x128xf32, #tpu.memory_space<vmem>>, vector<16xf32>,
            tpu.vector_store %run_scoped3A_10[%swap3A_433, %swap3A_434, %swap3A_435], %gather3A_432 {add = true, strides = array<i32>} : memref<9x8x128xf32, #tpu.memory_space<vmem>>, vector<16xf32>,
            %get3A_437 = arith.index_cast %shift_right_arithmetic3A_342 : i32 to index
            %get3A_438 = arith.index_cast %and3A_344 : i32 to index
            %get3A_439 = arith.constant 80 : index
            %get3A_440 = tpu.vector_load %run_scoped3A_9[%get3A_437, %get3A_438, %get3A_439] {strides = array<i32>} : memref<9x8x128xi32, #tpu.memory_space<vmem>>, vector<16xi32>,
            %sub3A_441 = arith.constant 49 : i32
            %sub3A_442 = vector.broadcast %sub3A_441 : i32 to vector<16xi32>
            %sub3A_443 = arith.subi %get3A_440, %sub3A_442 : vector<16xi32>
            %ge3A_444 = arith.constant 0 : i32
            %ge3A_445 = vector.broadcast %ge3A_444 : i32 to vector<16xi32>
            %ge3A_446 = arith.cmpi sge, %sub3A_443, %ge3A_445 : vector<16xi32>
            %lt3A_447 = arith.constant 49 : i32
            %lt3A_448 = vector.broadcast %lt3A_447 : i32 to vector<16xi32>
            %lt3A_449 = arith.cmpi slt, %sub3A_443, %lt3A_448 : vector<16xi32>
            %and3A_450 = arith.andi %ge3A_446, %lt3A_449 : vector<16xi1>
            %gather3A_451 = tpu.vector_load_idx %run_scoped3A_8[%sub3A_443, %broadcast_in_dim3A, %add3A_31] masked %and3A_450 : memref<49x8x128xf32, #tpu.memory_space<vmem>>[vector<16xi32>, vector<16xi32>, vector<16xi32>], vector<16xf32>, vector<16xi1>
            %swap3A_452 = arith.index_cast %shift_right_arithmetic3A_342 : i32 to index
            %swap3A_453 = arith.index_cast %and3A_344 : i32 to index
            %swap3A_454 = arith.constant 80 : index
            %swap3A_455 = tpu.vector_load %run_scoped3A_10[%swap3A_452, %swap3A_453, %swap3A_454] {strides = array<i32>} : memref<9x8x128xf32, #tpu.memory_space<vmem>>, vector<16xf32>,
            tpu.vector_store %run_scoped3A_10[%swap3A_452, %swap3A_453, %swap3A_454], %gather3A_451 {add = true, strides = array<i32>} : memref<9x8x128xf32, #tpu.memory_space<vmem>>, vector<16xf32>,
            %get3A_456 = arith.index_cast %shift_right_arithmetic3A_342 : i32 to index
            %get3A_457 = arith.index_cast %and3A_344 : i32 to index
            %get3A_458 = arith.constant 96 : index
            %get3A_459 = tpu.vector_load %run_scoped3A_9[%get3A_456, %get3A_457, %get3A_458] {strides = array<i32>} : memref<9x8x128xi32, #tpu.memory_space<vmem>>, vector<16xi32>,
            %sub3A_460 = arith.constant 49 : i32
            %sub3A_461 = vector.broadcast %sub3A_460 : i32 to vector<16xi32>
            %sub3A_462 = arith.subi %get3A_459, %sub3A_461 : vector<16xi32>
            %ge3A_463 = arith.constant 0 : i32
            %ge3A_464 = vector.broadcast %ge3A_463 : i32 to vector<16xi32>
            %ge3A_465 = arith.cmpi sge, %sub3A_462, %ge3A_464 : vector<16xi32>
            %lt3A_466 = arith.constant 49 : i32
            %lt3A_467 = vector.broadcast %lt3A_466 : i32 to vector<16xi32>
            %lt3A_468 = arith.cmpi slt, %sub3A_462, %lt3A_467 : vector<16xi32>
            %and3A_469 = arith.andi %ge3A_465, %lt3A_468 : vector<16xi1>
            %gather3A_470 = tpu.vector_load_idx %run_scoped3A_8[%sub3A_462, %broadcast_in_dim3A, %add3A_34] masked %and3A_469 : memref<49x8x128xf32, #tpu.memory_space<vmem>>[vector<16xi32>, vector<16xi32>, vector<16xi32>], vector<16xf32>, vector<16xi1>
            %swap3A_471 = arith.index_cast %shift_right_arithmetic3A_342 : i32 to index
            %swap3A_472 = arith.index_cast %and3A_344 : i32 to index
            %swap3A_473 = arith.constant 96 : index
            %swap3A_474 = tpu.vector_load %run_scoped3A_10[%swap3A_471, %swap3A_472, %swap3A_473] {strides = array<i32>} : memref<9x8x128xf32, #tpu.memory_space<vmem>>, vector<16xf32>,
            tpu.vector_store %run_scoped3A_10[%swap3A_471, %swap3A_472, %swap3A_473], %gather3A_470 {add = true, strides = array<i32>} : memref<9x8x128xf32, #tpu.memory_space<vmem>>, vector<16xf32>,
            %get3A_475 = arith.index_cast %shift_right_arithmetic3A_342 : i32 to index
            %get3A_476 = arith.index_cast %and3A_344 : i32 to index
            %get3A_477 = arith.constant 112 : index
            %get3A_478 = tpu.vector_load %run_scoped3A_9[%get3A_475, %get3A_476, %get3A_477] {strides = array<i32>} : memref<9x8x128xi32, #tpu.memory_space<vmem>>, vector<16xi32>,
            %sub3A_479 = arith.constant 49 : i32
            %sub3A_480 = vector.broadcast %sub3A_479 : i32 to vector<16xi32>
            %sub3A_481 = arith.subi %get3A_478, %sub3A_480 : vector<16xi32>
            %ge3A_482 = arith.constant 0 : i32
            %ge3A_483 = vector.broadcast %ge3A_482 : i32 to vector<16xi32>
            %ge3A_484 = arith.cmpi sge, %sub3A_481, %ge3A_483 : vector<16xi32>
            %lt3A_485 = arith.constant 49 : i32
            %lt3A_486 = vector.broadcast %lt3A_485 : i32 to vector<16xi32>
            %lt3A_487 = arith.cmpi slt, %sub3A_481, %lt3A_486 : vector<16xi32>
            %and3A_488 = arith.andi %ge3A_484, %lt3A_487 : vector<16xi1>
            %gather3A_489 = tpu.vector_load_idx %run_scoped3A_8[%sub3A_481, %broadcast_in_dim3A, %add3A_37] masked %and3A_488 : memref<49x8x128xf32, #tpu.memory_space<vmem>>[vector<16xi32>, vector<16xi32>, vector<16xi32>], vector<16xf32>, vector<16xi1>
            %swap3A_490 = arith.index_cast %shift_right_arithmetic3A_342 : i32 to index
            %swap3A_491 = arith.index_cast %and3A_344 : i32 to index
            %swap3A_492 = arith.constant 112 : index
            %swap3A_493 = tpu.vector_load %run_scoped3A_10[%swap3A_490, %swap3A_491, %swap3A_492] {strides = array<i32>} : memref<9x8x128xf32, #tpu.memory_space<vmem>>, vector<16xf32>,
            tpu.vector_store %run_scoped3A_10[%swap3A_490, %swap3A_491, %swap3A_492], %gather3A_489 {add = true, strides = array<i32>} : memref<9x8x128xf32, #tpu.memory_space<vmem>>, vector<16xf32>,
          }
          %scan3A_282 = arith.constant 72 : i32
          %dma_start3A_283 = arith.constant 147 : i32
          %dma_start3A_284 = arith.constant 0 : i32
          %dma_start3A_285 = tpu.memref_slice %arg2[%select_n3A_176, %dma_start3A_283, %mul3A_194, %dma_start3A_284] : memref<4x196x224x224xf32, #tpu.memory_space<hbm>> -> memref<1x49x8x128xf32, #tpu.memory_space<hbm>>
          %dma_start3A_286 = tpu.memref_squeeze %dma_start3A_285 : memref<1x49x8x128xf32, #tpu.memory_space<hbm>> -> memref<49x8x128xf32, #tpu.memory_space<hbm>>
          %dma_start3A_287 = arith.constant 147 : i32
          %dma_start3A_288 = arith.constant 0 : i32
          %dma_start3A_289 = tpu.memref_slice %arg2[%select_n3A_176, %dma_start3A_287, %mul3A_194, %dma_start3A_288] : memref<4x196x224x224xf32, #tpu.memory_space<hbm>> -> memref<1x49x8x128xf32, #tpu.memory_space<hbm>>
          %dma_start3A_290 = tpu.memref_squeeze %dma_start3A_289 : memref<1x49x8x128xf32, #tpu.memory_space<hbm>> -> memref<49x8x128xf32, #tpu.memory_space<hbm>>
          tpu.enqueue_dma source(%dma_start3A_290 : memref<49x8x128xf32, #tpu.memory_space<hbm>>) target(%run_scoped3A_8 : memref<49x8x128xf32, #tpu.memory_space<vmem>>) target_semaphore(%run_scoped3A_12 : memref<!tpu.dma_semaphore, #tpu.memory_space<semaphore_mem>>)
          %dma_wait3A_291 = arith.constant 98 : i32
          %dma_wait3A_292 = arith.constant 0 : i32
          %dma_wait3A_293 = tpu.memref_slice %arg2[%select_n3A_176, %dma_wait3A_291, %mul3A_194, %dma_wait3A_292] : memref<4x196x224x224xf32, #tpu.memory_space<hbm>> -> memref<1x49x8x128xf32, #tpu.memory_space<hbm>>
          %dma_wait3A_294 = tpu.memref_squeeze %dma_wait3A_293 : memref<1x49x8x128xf32, #tpu.memory_space<hbm>> -> memref<49x8x128xf32, #tpu.memory_space<hbm>>
          %dma_wait3A_295 = arith.constant 98 : i32
          %dma_wait3A_296 = arith.constant 0 : i32
          %dma_wait3A_297 = tpu.memref_slice %arg2[%select_n3A_176, %dma_wait3A_295, %mul3A_194, %dma_wait3A_296] : memref<4x196x224x224xf32, #tpu.memory_space<hbm>> -> memref<1x49x8x128xf32, #tpu.memory_space<hbm>>
          %dma_wait3A_298 = tpu.memref_squeeze %dma_wait3A_297 : memref<1x49x8x128xf32, #tpu.memory_space<hbm>> -> memref<49x8x128xf32, #tpu.memory_space<hbm>>
          tpu.wait_dma2 semaphore(%run_scoped3A_11 : memref<!tpu.dma_semaphore, #tpu.memory_space<semaphore_mem>>) src(%dma_wait3A_298 : memref<49x8x128xf32, #tpu.memory_space<hbm>>) dst(%run_scoped3A : memref<49x8x128xf32, #tpu.memory_space<vmem>>)
          %scan3A_299 = arith.constant 0 : i32
          %scan3A_300 = arith.constant 0 : i32
          %scan3A_301 = arith.constant 72 : i32
          %scan3A_302 = arith.addi %scan3A_300, %scan3A_301 : i32
          %scan3A_303 = arith.constant 1 : i32
          scf.for %scan3A_341 = %scan3A_300 to %scan3A_302 step %scan3A_303  : i32 {
            %shift_right_arithmetic3A = arith.constant 3 : i32
            %shift_right_arithmetic3A_342 = arith.shrsi %scan3A_341, %shift_right_arithmetic3A : i32
            %and3A_343 = arith.constant 7 : i32
            %and3A_344 = arith.andi %scan3A_341, %and3A_343 : i32
            %broadcast_in_dim3A = vector.broadcast %and3A_344 : i32 to vector<16xi32>
            %get3A = arith.index_cast %shift_right_arithmetic3A_342 : i32 to index
            %get3A_345 = arith.index_cast %and3A_344 : i32 to index
            %get3A_346 = arith.constant 0 : index
            %get3A_347 = tpu.vector_load %run_scoped3A_9[%get3A, %get3A_345, %get3A_346] {strides = array<i32>} : memref<9x8x128xi32, #tpu.memory_space<vmem>>, vector<16xi32>,
            %sub3A_348 = arith.constant 98 : i32
            %sub3A_349 = vector.broadcast %sub3A_348 : i32 to vector<16xi32>
            %sub3A_350 = arith.subi %get3A_347, %sub3A_349 : vector<16xi32>
            %ge3A_351 = arith.constant 0 : i32
            %ge3A_352 = vector.broadcast %ge3A_351 : i32 to vector<16xi32>
            %ge3A_353 = arith.cmpi sge, %sub3A_350, %ge3A_352 : vector<16xi32>
            %lt3A_354 = arith.constant 49 : i32
            %lt3A_355 = vector.broadcast %lt3A_354 : i32 to vector<16xi32>
            %lt3A_356 = arith.cmpi slt, %sub3A_350, %lt3A_355 : vector<16xi32>
            %and3A_357 = arith.andi %ge3A_353, %lt3A_356 : vector<16xi1>
            %gather3A = tpu.vector_load_idx %run_scoped3A[%sub3A_350, %broadcast_in_dim3A, %add3A_16] masked %and3A_357 : memref<49x8x128xf32, #tpu.memory_space<vmem>>[vector<16xi32>, vector<16xi32>, vector<16xi32>], vector<16xf32>, vector<16xi1>
            %swap3A = arith.index_cast %shift_right_arithmetic3A_342 : i32 to index
            %swap3A_358 = arith.index_cast %and3A_344 : i32 to index
            %swap3A_359 = arith.constant 0 : index
            %swap3A_360 = tpu.vector_load %run_scoped3A_10[%swap3A, %swap3A_358, %swap3A_359] {strides = array<i32>} : memref<9x8x128xf32, #tpu.memory_space<vmem>>, vector<16xf32>,
            tpu.vector_store %run_scoped3A_10[%swap3A, %swap3A_358, %swap3A_359], %gather3A {add = true, strides = array<i32>} : memref<9x8x128xf32, #tpu.memory_space<vmem>>, vector<16xf32>,
            %get3A_361 = arith.index_cast %shift_right_arithmetic3A_342 : i32 to index
            %get3A_362 = arith.index_cast %and3A_344 : i32 to index
            %get3A_363 = arith.constant 16 : index
            %get3A_364 = tpu.vector_load %run_scoped3A_9[%get3A_361, %get3A_362, %get3A_363] {strides = array<i32>} : memref<9x8x128xi32, #tpu.memory_space<vmem>>, vector<16xi32>,
            %sub3A_365 = arith.constant 98 : i32
            %sub3A_366 = vector.broadcast %sub3A_365 : i32 to vector<16xi32>
            %sub3A_367 = arith.subi %get3A_364, %sub3A_366 : vector<16xi32>
            %ge3A_368 = arith.constant 0 : i32
            %ge3A_369 = vector.broadcast %ge3A_368 : i32 to vector<16xi32>
            %ge3A_370 = arith.cmpi sge, %sub3A_367, %ge3A_369 : vector<16xi32>
            %lt3A_371 = arith.constant 49 : i32
            %lt3A_372 = vector.broadcast %lt3A_371 : i32 to vector<16xi32>
            %lt3A_373 = arith.cmpi slt, %sub3A_367, %lt3A_372 : vector<16xi32>
            %and3A_374 = arith.andi %ge3A_370, %lt3A_373 : vector<16xi1>
            %gather3A_375 = tpu.vector_load_idx %run_scoped3A[%sub3A_367, %broadcast_in_dim3A, %add3A_19] masked %and3A_374 : memref<49x8x128xf32, #tpu.memory_space<vmem>>[vector<16xi32>, vector<16xi32>, vector<16xi32>], vector<16xf32>, vector<16xi1>
            %swap3A_376 = arith.index_cast %shift_right_arithmetic3A_342 : i32 to index
            %swap3A_377 = arith.index_cast %and3A_344 : i32 to index
            %swap3A_378 = arith.constant 16 : index
            %swap3A_379 = tpu.vector_load %run_scoped3A_10[%swap3A_376, %swap3A_377, %swap3A_378] {strides = array<i32>} : memref<9x8x128xf32, #tpu.memory_space<vmem>>, vector<16xf32>,
            tpu.vector_store %run_scoped3A_10[%swap3A_376, %swap3A_377, %swap3A_378], %gather3A_375 {add = true, strides = array<i32>} : memref<9x8x128xf32, #tpu.memory_space<vmem>>, vector<16xf32>,
            %get3A_380 = arith.index_cast %shift_right_arithmetic3A_342 : i32 to index
            %get3A_381 = arith.index_cast %and3A_344 : i32 to index
            %get3A_382 = arith.constant 32 : index
            %get3A_383 = tpu.vector_load %run_scoped3A_9[%get3A_380, %get3A_381, %get3A_382] {strides = array<i32>} : memref<9x8x128xi32, #tpu.memory_space<vmem>>, vector<16xi32>,
            %sub3A_384 = arith.constant 98 : i32
            %sub3A_385 = vector.broadcast %sub3A_384 : i32 to vector<16xi32>
            %sub3A_386 = arith.subi %get3A_383, %sub3A_385 : vector<16xi32>
            %ge3A_387 = arith.constant 0 : i32
            %ge3A_388 = vector.broadcast %ge3A_387 : i32 to vector<16xi32>
            %ge3A_389 = arith.cmpi sge, %sub3A_386, %ge3A_388 : vector<16xi32>
            %lt3A_390 = arith.constant 49 : i32
            %lt3A_391 = vector.broadcast %lt3A_390 : i32 to vector<16xi32>
            %lt3A_392 = arith.cmpi slt, %sub3A_386, %lt3A_391 : vector<16xi32>
            %and3A_393 = arith.andi %ge3A_389, %lt3A_392 : vector<16xi1>
            %gather3A_394 = tpu.vector_load_idx %run_scoped3A[%sub3A_386, %broadcast_in_dim3A, %add3A_22] masked %and3A_393 : memref<49x8x128xf32, #tpu.memory_space<vmem>>[vector<16xi32>, vector<16xi32>, vector<16xi32>], vector<16xf32>, vector<16xi1>
            %swap3A_395 = arith.index_cast %shift_right_arithmetic3A_342 : i32 to index
            %swap3A_396 = arith.index_cast %and3A_344 : i32 to index
            %swap3A_397 = arith.constant 32 : index
            %swap3A_398 = tpu.vector_load %run_scoped3A_10[%swap3A_395, %swap3A_396, %swap3A_397] {strides = array<i32>} : memref<9x8x128xf32, #tpu.memory_space<vmem>>, vector<16xf32>,
            tpu.vector_store %run_scoped3A_10[%swap3A_395, %swap3A_396, %swap3A_397], %gather3A_394 {add = true, strides = array<i32>} : memref<9x8x128xf32, #tpu.memory_space<vmem>>, vector<16xf32>,
            %get3A_399 = arith.index_cast %shift_right_arithmetic3A_342 : i32 to index
            %get3A_400 = arith.index_cast %and3A_344 : i32 to index
            %get3A_401 = arith.constant 48 : index
            %get3A_402 = tpu.vector_load %run_scoped3A_9[%get3A_399, %get3A_400, %get3A_401] {strides = array<i32>} : memref<9x8x128xi32, #tpu.memory_space<vmem>>, vector<16xi32>,
            %sub3A_403 = arith.constant 98 : i32
            %sub3A_404 = vector.broadcast %sub3A_403 : i32 to vector<16xi32>
            %sub3A_405 = arith.subi %get3A_402, %sub3A_404 : vector<16xi32>
            %ge3A_406 = arith.constant 0 : i32
            %ge3A_407 = vector.broadcast %ge3A_406 : i32 to vector<16xi32>
            %ge3A_408 = arith.cmpi sge, %sub3A_405, %ge3A_407 : vector<16xi32>
            %lt3A_409 = arith.constant 49 : i32
            %lt3A_410 = vector.broadcast %lt3A_409 : i32 to vector<16xi32>
            %lt3A_411 = arith.cmpi slt, %sub3A_405, %lt3A_410 : vector<16xi32>
            %and3A_412 = arith.andi %ge3A_408, %lt3A_411 : vector<16xi1>
            %gather3A_413 = tpu.vector_load_idx %run_scoped3A[%sub3A_405, %broadcast_in_dim3A, %add3A_25] masked %and3A_412 : memref<49x8x128xf32, #tpu.memory_space<vmem>>[vector<16xi32>, vector<16xi32>, vector<16xi32>], vector<16xf32>, vector<16xi1>
            %swap3A_414 = arith.index_cast %shift_right_arithmetic3A_342 : i32 to index
            %swap3A_415 = arith.index_cast %and3A_344 : i32 to index
            %swap3A_416 = arith.constant 48 : index
            %swap3A_417 = tpu.vector_load %run_scoped3A_10[%swap3A_414, %swap3A_415, %swap3A_416] {strides = array<i32>} : memref<9x8x128xf32, #tpu.memory_space<vmem>>, vector<16xf32>,
            tpu.vector_store %run_scoped3A_10[%swap3A_414, %swap3A_415, %swap3A_416], %gather3A_413 {add = true, strides = array<i32>} : memref<9x8x128xf32, #tpu.memory_space<vmem>>, vector<16xf32>,
            %get3A_418 = arith.index_cast %shift_right_arithmetic3A_342 : i32 to index
            %get3A_419 = arith.index_cast %and3A_344 : i32 to index
            %get3A_420 = arith.constant 64 : index
            %get3A_421 = tpu.vector_load %run_scoped3A_9[%get3A_418, %get3A_419, %get3A_420] {strides = array<i32>} : memref<9x8x128xi32, #tpu.memory_space<vmem>>, vector<16xi32>,
            %sub3A_422 = arith.constant 98 : i32
            %sub3A_423 = vector.broadcast %sub3A_422 : i32 to vector<16xi32>
            %sub3A_424 = arith.subi %get3A_421, %sub3A_423 : vector<16xi32>
            %ge3A_425 = arith.constant 0 : i32
            %ge3A_426 = vector.broadcast %ge3A_425 : i32 to vector<16xi32>
            %ge3A_427 = arith.cmpi sge, %sub3A_424, %ge3A_426 : vector<16xi32>
            %lt3A_428 = arith.constant 49 : i32
            %lt3A_429 = vector.broadcast %lt3A_428 : i32 to vector<16xi32>
            %lt3A_430 = arith.cmpi slt, %sub3A_424, %lt3A_429 : vector<16xi32>
            %and3A_431 = arith.andi %ge3A_427, %lt3A_430 : vector<16xi1>
            %gather3A_432 = tpu.vector_load_idx %run_scoped3A[%sub3A_424, %broadcast_in_dim3A, %add3A_28] masked %and3A_431 : memref<49x8x128xf32, #tpu.memory_space<vmem>>[vector<16xi32>, vector<16xi32>, vector<16xi32>], vector<16xf32>, vector<16xi1>
            %swap3A_433 = arith.index_cast %shift_right_arithmetic3A_342 : i32 to index
            %swap3A_434 = arith.index_cast %and3A_344 : i32 to index
            %swap3A_435 = arith.constant 64 : index
            %swap3A_436 = tpu.vector_load %run_scoped3A_10[%swap3A_433, %swap3A_434, %swap3A_435] {strides = array<i32>} : memref<9x8x128xf32, #tpu.memory_space<vmem>>, vector<16xf32>,
            tpu.vector_store %run_scoped3A_10[%swap3A_433, %swap3A_434, %swap3A_435], %gather3A_432 {add = true, strides = array<i32>} : memref<9x8x128xf32, #tpu.memory_space<vmem>>, vector<16xf32>,
            %get3A_437 = arith.index_cast %shift_right_arithmetic3A_342 : i32 to index
            %get3A_438 = arith.index_cast %and3A_344 : i32 to index
            %get3A_439 = arith.constant 80 : index
            %get3A_440 = tpu.vector_load %run_scoped3A_9[%get3A_437, %get3A_438, %get3A_439] {strides = array<i32>} : memref<9x8x128xi32, #tpu.memory_space<vmem>>, vector<16xi32>,
            %sub3A_441 = arith.constant 98 : i32
            %sub3A_442 = vector.broadcast %sub3A_441 : i32 to vector<16xi32>
            %sub3A_443 = arith.subi %get3A_440, %sub3A_442 : vector<16xi32>
            %ge3A_444 = arith.constant 0 : i32
            %ge3A_445 = vector.broadcast %ge3A_444 : i32 to vector<16xi32>
            %ge3A_446 = arith.cmpi sge, %sub3A_443, %ge3A_445 : vector<16xi32>
            %lt3A_447 = arith.constant 49 : i32
            %lt3A_448 = vector.broadcast %lt3A_447 : i32 to vector<16xi32>
            %lt3A_449 = arith.cmpi slt, %sub3A_443, %lt3A_448 : vector<16xi32>
            %and3A_450 = arith.andi %ge3A_446, %lt3A_449 : vector<16xi1>
            %gather3A_451 = tpu.vector_load_idx %run_scoped3A[%sub3A_443, %broadcast_in_dim3A, %add3A_31] masked %and3A_450 : memref<49x8x128xf32, #tpu.memory_space<vmem>>[vector<16xi32>, vector<16xi32>, vector<16xi32>], vector<16xf32>, vector<16xi1>
            %swap3A_452 = arith.index_cast %shift_right_arithmetic3A_342 : i32 to index
            %swap3A_453 = arith.index_cast %and3A_344 : i32 to index
            %swap3A_454 = arith.constant 80 : index
            %swap3A_455 = tpu.vector_load %run_scoped3A_10[%swap3A_452, %swap3A_453, %swap3A_454] {strides = array<i32>} : memref<9x8x128xf32, #tpu.memory_space<vmem>>, vector<16xf32>,
            tpu.vector_store %run_scoped3A_10[%swap3A_452, %swap3A_453, %swap3A_454], %gather3A_451 {add = true, strides = array<i32>} : memref<9x8x128xf32, #tpu.memory_space<vmem>>, vector<16xf32>,
            %get3A_456 = arith.index_cast %shift_right_arithmetic3A_342 : i32 to index
            %get3A_457 = arith.index_cast %and3A_344 : i32 to index
            %get3A_458 = arith.constant 96 : index
            %get3A_459 = tpu.vector_load %run_scoped3A_9[%get3A_456, %get3A_457, %get3A_458] {strides = array<i32>} : memref<9x8x128xi32, #tpu.memory_space<vmem>>, vector<16xi32>,
            %sub3A_460 = arith.constant 98 : i32
            %sub3A_461 = vector.broadcast %sub3A_460 : i32 to vector<16xi32>
            %sub3A_462 = arith.subi %get3A_459, %sub3A_461 : vector<16xi32>
            %ge3A_463 = arith.constant 0 : i32
            %ge3A_464 = vector.broadcast %ge3A_463 : i32 to vector<16xi32>
            %ge3A_465 = arith.cmpi sge, %sub3A_462, %ge3A_464 : vector<16xi32>
            %lt3A_466 = arith.constant 49 : i32
            %lt3A_467 = vector.broadcast %lt3A_466 : i32 to vector<16xi32>
            %lt3A_468 = arith.cmpi slt, %sub3A_462, %lt3A_467 : vector<16xi32>
            %and3A_469 = arith.andi %ge3A_465, %lt3A_468 : vector<16xi1>
            %gather3A_470 = tpu.vector_load_idx %run_scoped3A[%sub3A_462, %broadcast_in_dim3A, %add3A_34] masked %and3A_469 : memref<49x8x128xf32, #tpu.memory_space<vmem>>[vector<16xi32>, vector<16xi32>, vector<16xi32>], vector<16xf32>, vector<16xi1>
            %swap3A_471 = arith.index_cast %shift_right_arithmetic3A_342 : i32 to index
            %swap3A_472 = arith.index_cast %and3A_344 : i32 to index
            %swap3A_473 = arith.constant 96 : index
            %swap3A_474 = tpu.vector_load %run_scoped3A_10[%swap3A_471, %swap3A_472, %swap3A_473] {strides = array<i32>} : memref<9x8x128xf32, #tpu.memory_space<vmem>>, vector<16xf32>,
            tpu.vector_store %run_scoped3A_10[%swap3A_471, %swap3A_472, %swap3A_473], %gather3A_470 {add = true, strides = array<i32>} : memref<9x8x128xf32, #tpu.memory_space<vmem>>, vector<16xf32>,
            %get3A_475 = arith.index_cast %shift_right_arithmetic3A_342 : i32 to index
            %get3A_476 = arith.index_cast %and3A_344 : i32 to index
            %get3A_477 = arith.constant 112 : index
            %get3A_478 = tpu.vector_load %run_scoped3A_9[%get3A_475, %get3A_476, %get3A_477] {strides = array<i32>} : memref<9x8x128xi32, #tpu.memory_space<vmem>>, vector<16xi32>,
            %sub3A_479 = arith.constant 98 : i32
            %sub3A_480 = vector.broadcast %sub3A_479 : i32 to vector<16xi32>
            %sub3A_481 = arith.subi %get3A_478, %sub3A_480 : vector<16xi32>
            %ge3A_482 = arith.constant 0 : i32
            %ge3A_483 = vector.broadcast %ge3A_482 : i32 to vector<16xi32>
            %ge3A_484 = arith.cmpi sge, %sub3A_481, %ge3A_483 : vector<16xi32>
            %lt3A_485 = arith.constant 49 : i32
            %lt3A_486 = vector.broadcast %lt3A_485 : i32 to vector<16xi32>
            %lt3A_487 = arith.cmpi slt, %sub3A_481, %lt3A_486 : vector<16xi32>
            %and3A_488 = arith.andi %ge3A_484, %lt3A_487 : vector<16xi1>
            %gather3A_489 = tpu.vector_load_idx %run_scoped3A[%sub3A_481, %broadcast_in_dim3A, %add3A_37] masked %and3A_488 : memref<49x8x128xf32, #tpu.memory_space<vmem>>[vector<16xi32>, vector<16xi32>, vector<16xi32>], vector<16xf32>, vector<16xi1>
            %swap3A_490 = arith.index_cast %shift_right_arithmetic3A_342 : i32 to index
            %swap3A_491 = arith.index_cast %and3A_344 : i32 to index
            %swap3A_492 = arith.constant 112 : index
            %swap3A_493 = tpu.vector_load %run_scoped3A_10[%swap3A_490, %swap3A_491, %swap3A_492] {strides = array<i32>} : memref<9x8x128xf32, #tpu.memory_space<vmem>>, vector<16xf32>,
            tpu.vector_store %run_scoped3A_10[%swap3A_490, %swap3A_491, %swap3A_492], %gather3A_489 {add = true, strides = array<i32>} : memref<9x8x128xf32, #tpu.memory_space<vmem>>, vector<16xf32>,
          }
          %scan3A_304 = arith.constant 72 : i32
          %add3A_305 = arith.constant 1 : i32
          %add3A_306 = arith.addi %scan3A_149, %add3A_305 : i32
          %lt3A_307 = arith.constant 7 : i32
          %lt3A_308 = arith.cmpi slt, %add3A_306, %lt3A_307 : i32
          %convert_element_type3A_309 = arith.extui %lt3A_308 : i1 to i32
          %cond3A_310 = arith.constant 0 : i32
          %cond3A_311 = arith.cmpi ne, %convert_element_type3A_309, %cond3A_310 : i32
          scf.if %cond3A_311 {
            %dma_start3A_341 = arith.constant 0 : i32
            %dma_start3A_342 = arith.constant 0 : i32
            %dma_start3A_343 = tpu.memref_slice %arg2[%select_n3A_224, %dma_start3A_341, %mul3A_242, %dma_start3A_342] : memref<4x196x224x224xf32, #tpu.memory_space<hbm>> -> memref<1x49x8x128xf32, #tpu.memory_space<hbm>>
            %dma_start3A_344 = tpu.memref_squeeze %dma_start3A_343 : memref<1x49x8x128xf32, #tpu.memory_space<hbm>> -> memref<49x8x128xf32, #tpu.memory_space<hbm>>
            %dma_start3A_345 = arith.constant 0 : i32
            %dma_start3A_346 = arith.constant 0 : i32
            %dma_start3A_347 = tpu.memref_slice %arg2[%select_n3A_224, %dma_start3A_345, %mul3A_242, %dma_start3A_346] : memref<4x196x224x224xf32, #tpu.memory_space<hbm>> -> memref<1x49x8x128xf32, #tpu.memory_space<hbm>>
            %dma_start3A_348 = tpu.memref_squeeze %dma_start3A_347 : memref<1x49x8x128xf32, #tpu.memory_space<hbm>> -> memref<49x8x128xf32, #tpu.memory_space<hbm>>
            tpu.enqueue_dma source(%dma_start3A_348 : memref<49x8x128xf32, #tpu.memory_space<hbm>>) target(%run_scoped3A : memref<49x8x128xf32, #tpu.memory_space<vmem>>) target_semaphore(%run_scoped3A_11 : memref<!tpu.dma_semaphore, #tpu.memory_space<semaphore_mem>>)
          } else {
          }
          %dma_wait3A_312 = arith.constant 147 : i32
          %dma_wait3A_313 = arith.constant 0 : i32
          %dma_wait3A_314 = tpu.memref_slice %arg2[%select_n3A_176, %dma_wait3A_312, %mul3A_194, %dma_wait3A_313] : memref<4x196x224x224xf32, #tpu.memory_space<hbm>> -> memref<1x49x8x128xf32, #tpu.memory_space<hbm>>
          %dma_wait3A_315 = tpu.memref_squeeze %dma_wait3A_314 : memref<1x49x8x128xf32, #tpu.memory_space<hbm>> -> memref<49x8x128xf32, #tpu.memory_space<hbm>>
          %dma_wait3A_316 = arith.constant 147 : i32
          %dma_wait3A_317 = arith.constant 0 : i32
          %dma_wait3A_318 = tpu.memref_slice %arg2[%select_n3A_176, %dma_wait3A_316, %mul3A_194, %dma_wait3A_317] : memref<4x196x224x224xf32, #tpu.memory_space<hbm>> -> memref<1x49x8x128xf32, #tpu.memory_space<hbm>>
          %dma_wait3A_319 = tpu.memref_squeeze %dma_wait3A_318 : memref<1x49x8x128xf32, #tpu.memory_space<hbm>> -> memref<49x8x128xf32, #tpu.memory_space<hbm>>
          tpu.wait_dma2 semaphore(%run_scoped3A_12 : memref<!tpu.dma_semaphore, #tpu.memory_space<semaphore_mem>>) src(%dma_wait3A_319 : memref<49x8x128xf32, #tpu.memory_space<hbm>>) dst(%run_scoped3A_8 : memref<49x8x128xf32, #tpu.memory_space<vmem>>)
          %scan3A_320 = arith.constant 0 : i32
          %scan3A_321 = arith.constant 0 : i32
          %scan3A_322 = arith.constant 72 : i32
          %scan3A_323 = arith.addi %scan3A_321, %scan3A_322 : i32
          %scan3A_324 = arith.constant 1 : i32
          scf.for %scan3A_341 = %scan3A_321 to %scan3A_323 step %scan3A_324  : i32 {
            %shift_right_arithmetic3A = arith.constant 3 : i32
            %shift_right_arithmetic3A_342 = arith.shrsi %scan3A_341, %shift_right_arithmetic3A : i32
            %and3A_343 = arith.constant 7 : i32
            %and3A_344 = arith.andi %scan3A_341, %and3A_343 : i32
            %broadcast_in_dim3A = vector.broadcast %and3A_344 : i32 to vector<16xi32>
            %get3A = arith.index_cast %shift_right_arithmetic3A_342 : i32 to index
            %get3A_345 = arith.index_cast %and3A_344 : i32 to index
            %get3A_346 = arith.constant 0 : index
            %get3A_347 = tpu.vector_load %run_scoped3A_9[%get3A, %get3A_345, %get3A_346] {strides = array<i32>} : memref<9x8x128xi32, #tpu.memory_space<vmem>>, vector<16xi32>,
            %sub3A_348 = arith.constant 147 : i32
            %sub3A_349 = vector.broadcast %sub3A_348 : i32 to vector<16xi32>
            %sub3A_350 = arith.subi %get3A_347, %sub3A_349 : vector<16xi32>
            %ge3A_351 = arith.constant 0 : i32
            %ge3A_352 = vector.broadcast %ge3A_351 : i32 to vector<16xi32>
            %ge3A_353 = arith.cmpi sge, %sub3A_350, %ge3A_352 : vector<16xi32>
            %lt3A_354 = arith.constant 49 : i32
            %lt3A_355 = vector.broadcast %lt3A_354 : i32 to vector<16xi32>
            %lt3A_356 = arith.cmpi slt, %sub3A_350, %lt3A_355 : vector<16xi32>
            %and3A_357 = arith.andi %ge3A_353, %lt3A_356 : vector<16xi1>
            %gather3A = tpu.vector_load_idx %run_scoped3A_8[%sub3A_350, %broadcast_in_dim3A, %add3A_16] masked %and3A_357 : memref<49x8x128xf32, #tpu.memory_space<vmem>>[vector<16xi32>, vector<16xi32>, vector<16xi32>], vector<16xf32>, vector<16xi1>
            %swap3A = arith.index_cast %shift_right_arithmetic3A_342 : i32 to index
            %swap3A_358 = arith.index_cast %and3A_344 : i32 to index
            %swap3A_359 = arith.constant 0 : index
            %swap3A_360 = tpu.vector_load %run_scoped3A_10[%swap3A, %swap3A_358, %swap3A_359] {strides = array<i32>} : memref<9x8x128xf32, #tpu.memory_space<vmem>>, vector<16xf32>,
            tpu.vector_store %run_scoped3A_10[%swap3A, %swap3A_358, %swap3A_359], %gather3A {add = true, strides = array<i32>} : memref<9x8x128xf32, #tpu.memory_space<vmem>>, vector<16xf32>,
            %get3A_361 = arith.index_cast %shift_right_arithmetic3A_342 : i32 to index
            %get3A_362 = arith.index_cast %and3A_344 : i32 to index
            %get3A_363 = arith.constant 16 : index
            %get3A_364 = tpu.vector_load %run_scoped3A_9[%get3A_361, %get3A_362, %get3A_363] {strides = array<i32>} : memref<9x8x128xi32, #tpu.memory_space<vmem>>, vector<16xi32>,
            %sub3A_365 = arith.constant 147 : i32
            %sub3A_366 = vector.broadcast %sub3A_365 : i32 to vector<16xi32>
            %sub3A_367 = arith.subi %get3A_364, %sub3A_366 : vector<16xi32>
            %ge3A_368 = arith.constant 0 : i32
            %ge3A_369 = vector.broadcast %ge3A_368 : i32 to vector<16xi32>
            %ge3A_370 = arith.cmpi sge, %sub3A_367, %ge3A_369 : vector<16xi32>
            %lt3A_371 = arith.constant 49 : i32
            %lt3A_372 = vector.broadcast %lt3A_371 : i32 to vector<16xi32>
            %lt3A_373 = arith.cmpi slt, %sub3A_367, %lt3A_372 : vector<16xi32>
            %and3A_374 = arith.andi %ge3A_370, %lt3A_373 : vector<16xi1>
            %gather3A_375 = tpu.vector_load_idx %run_scoped3A_8[%sub3A_367, %broadcast_in_dim3A, %add3A_19] masked %and3A_374 : memref<49x8x128xf32, #tpu.memory_space<vmem>>[vector<16xi32>, vector<16xi32>, vector<16xi32>], vector<16xf32>, vector<16xi1>
            %swap3A_376 = arith.index_cast %shift_right_arithmetic3A_342 : i32 to index
            %swap3A_377 = arith.index_cast %and3A_344 : i32 to index
            %swap3A_378 = arith.constant 16 : index
            %swap3A_379 = tpu.vector_load %run_scoped3A_10[%swap3A_376, %swap3A_377, %swap3A_378] {strides = array<i32>} : memref<9x8x128xf32, #tpu.memory_space<vmem>>, vector<16xf32>,
            tpu.vector_store %run_scoped3A_10[%swap3A_376, %swap3A_377, %swap3A_378], %gather3A_375 {add = true, strides = array<i32>} : memref<9x8x128xf32, #tpu.memory_space<vmem>>, vector<16xf32>,
            %get3A_380 = arith.index_cast %shift_right_arithmetic3A_342 : i32 to index
            %get3A_381 = arith.index_cast %and3A_344 : i32 to index
            %get3A_382 = arith.constant 32 : index
            %get3A_383 = tpu.vector_load %run_scoped3A_9[%get3A_380, %get3A_381, %get3A_382] {strides = array<i32>} : memref<9x8x128xi32, #tpu.memory_space<vmem>>, vector<16xi32>,
            %sub3A_384 = arith.constant 147 : i32
            %sub3A_385 = vector.broadcast %sub3A_384 : i32 to vector<16xi32>
            %sub3A_386 = arith.subi %get3A_383, %sub3A_385 : vector<16xi32>
            %ge3A_387 = arith.constant 0 : i32
            %ge3A_388 = vector.broadcast %ge3A_387 : i32 to vector<16xi32>
            %ge3A_389 = arith.cmpi sge, %sub3A_386, %ge3A_388 : vector<16xi32>
            %lt3A_390 = arith.constant 49 : i32
            %lt3A_391 = vector.broadcast %lt3A_390 : i32 to vector<16xi32>
            %lt3A_392 = arith.cmpi slt, %sub3A_386, %lt3A_391 : vector<16xi32>
            %and3A_393 = arith.andi %ge3A_389, %lt3A_392 : vector<16xi1>
            %gather3A_394 = tpu.vector_load_idx %run_scoped3A_8[%sub3A_386, %broadcast_in_dim3A, %add3A_22] masked %and3A_393 : memref<49x8x128xf32, #tpu.memory_space<vmem>>[vector<16xi32>, vector<16xi32>, vector<16xi32>], vector<16xf32>, vector<16xi1>
            %swap3A_395 = arith.index_cast %shift_right_arithmetic3A_342 : i32 to index
            %swap3A_396 = arith.index_cast %and3A_344 : i32 to index
            %swap3A_397 = arith.constant 32 : index
            %swap3A_398 = tpu.vector_load %run_scoped3A_10[%swap3A_395, %swap3A_396, %swap3A_397] {strides = array<i32>} : memref<9x8x128xf32, #tpu.memory_space<vmem>>, vector<16xf32>,
            tpu.vector_store %run_scoped3A_10[%swap3A_395, %swap3A_396, %swap3A_397], %gather3A_394 {add = true, strides = array<i32>} : memref<9x8x128xf32, #tpu.memory_space<vmem>>, vector<16xf32>,
            %get3A_399 = arith.index_cast %shift_right_arithmetic3A_342 : i32 to index
            %get3A_400 = arith.index_cast %and3A_344 : i32 to index
            %get3A_401 = arith.constant 48 : index
            %get3A_402 = tpu.vector_load %run_scoped3A_9[%get3A_399, %get3A_400, %get3A_401] {strides = array<i32>} : memref<9x8x128xi32, #tpu.memory_space<vmem>>, vector<16xi32>,
            %sub3A_403 = arith.constant 147 : i32
            %sub3A_404 = vector.broadcast %sub3A_403 : i32 to vector<16xi32>
            %sub3A_405 = arith.subi %get3A_402, %sub3A_404 : vector<16xi32>
            %ge3A_406 = arith.constant 0 : i32
            %ge3A_407 = vector.broadcast %ge3A_406 : i32 to vector<16xi32>
            %ge3A_408 = arith.cmpi sge, %sub3A_405, %ge3A_407 : vector<16xi32>
            %lt3A_409 = arith.constant 49 : i32
            %lt3A_410 = vector.broadcast %lt3A_409 : i32 to vector<16xi32>
            %lt3A_411 = arith.cmpi slt, %sub3A_405, %lt3A_410 : vector<16xi32>
            %and3A_412 = arith.andi %ge3A_408, %lt3A_411 : vector<16xi1>
            %gather3A_413 = tpu.vector_load_idx %run_scoped3A_8[%sub3A_405, %broadcast_in_dim3A, %add3A_25] masked %and3A_412 : memref<49x8x128xf32, #tpu.memory_space<vmem>>[vector<16xi32>, vector<16xi32>, vector<16xi32>], vector<16xf32>, vector<16xi1>
            %swap3A_414 = arith.index_cast %shift_right_arithmetic3A_342 : i32 to index
            %swap3A_415 = arith.index_cast %and3A_344 : i32 to index
            %swap3A_416 = arith.constant 48 : index
            %swap3A_417 = tpu.vector_load %run_scoped3A_10[%swap3A_414, %swap3A_415, %swap3A_416] {strides = array<i32>} : memref<9x8x128xf32, #tpu.memory_space<vmem>>, vector<16xf32>,
            tpu.vector_store %run_scoped3A_10[%swap3A_414, %swap3A_415, %swap3A_416], %gather3A_413 {add = true, strides = array<i32>} : memref<9x8x128xf32, #tpu.memory_space<vmem>>, vector<16xf32>,
            %get3A_418 = arith.index_cast %shift_right_arithmetic3A_342 : i32 to index
            %get3A_419 = arith.index_cast %and3A_344 : i32 to index
            %get3A_420 = arith.constant 64 : index
            %get3A_421 = tpu.vector_load %run_scoped3A_9[%get3A_418, %get3A_419, %get3A_420] {strides = array<i32>} : memref<9x8x128xi32, #tpu.memory_space<vmem>>, vector<16xi32>,
            %sub3A_422 = arith.constant 147 : i32
            %sub3A_423 = vector.broadcast %sub3A_422 : i32 to vector<16xi32>
            %sub3A_424 = arith.subi %get3A_421, %sub3A_423 : vector<16xi32>
            %ge3A_425 = arith.constant 0 : i32
            %ge3A_426 = vector.broadcast %ge3A_425 : i32 to vector<16xi32>
            %ge3A_427 = arith.cmpi sge, %sub3A_424, %ge3A_426 : vector<16xi32>
            %lt3A_428 = arith.constant 49 : i32
            %lt3A_429 = vector.broadcast %lt3A_428 : i32 to vector<16xi32>
            %lt3A_430 = arith.cmpi slt, %sub3A_424, %lt3A_429 : vector<16xi32>
            %and3A_431 = arith.andi %ge3A_427, %lt3A_430 : vector<16xi1>
            %gather3A_432 = tpu.vector_load_idx %run_scoped3A_8[%sub3A_424, %broadcast_in_dim3A, %add3A_28] masked %and3A_431 : memref<49x8x128xf32, #tpu.memory_space<vmem>>[vector<16xi32>, vector<16xi32>, vector<16xi32>], vector<16xf32>, vector<16xi1>
            %swap3A_433 = arith.index_cast %shift_right_arithmetic3A_342 : i32 to index
            %swap3A_434 = arith.index_cast %and3A_344 : i32 to index
            %swap3A_435 = arith.constant 64 : index
            %swap3A_436 = tpu.vector_load %run_scoped3A_10[%swap3A_433, %swap3A_434, %swap3A_435] {strides = array<i32>} : memref<9x8x128xf32, #tpu.memory_space<vmem>>, vector<16xf32>,
            tpu.vector_store %run_scoped3A_10[%swap3A_433, %swap3A_434, %swap3A_435], %gather3A_432 {add = true, strides = array<i32>} : memref<9x8x128xf32, #tpu.memory_space<vmem>>, vector<16xf32>,
            %get3A_437 = arith.index_cast %shift_right_arithmetic3A_342 : i32 to index
            %get3A_438 = arith.index_cast %and3A_344 : i32 to index
            %get3A_439 = arith.constant 80 : index
            %get3A_440 = tpu.vector_load %run_scoped3A_9[%get3A_437, %get3A_438, %get3A_439] {strides = array<i32>} : memref<9x8x128xi32, #tpu.memory_space<vmem>>, vector<16xi32>,
            %sub3A_441 = arith.constant 147 : i32
            %sub3A_442 = vector.broadcast %sub3A_441 : i32 to vector<16xi32>
            %sub3A_443 = arith.subi %get3A_440, %sub3A_442 : vector<16xi32>
            %ge3A_444 = arith.constant 0 : i32
            %ge3A_445 = vector.broadcast %ge3A_444 : i32 to vector<16xi32>
            %ge3A_446 = arith.cmpi sge, %sub3A_443, %ge3A_445 : vector<16xi32>
            %lt3A_447 = arith.constant 49 : i32
            %lt3A_448 = vector.broadcast %lt3A_447 : i32 to vector<16xi32>
            %lt3A_449 = arith.cmpi slt, %sub3A_443, %lt3A_448 : vector<16xi32>
            %and3A_450 = arith.andi %ge3A_446, %lt3A_449 : vector<16xi1>
            %gather3A_451 = tpu.vector_load_idx %run_scoped3A_8[%sub3A_443, %broadcast_in_dim3A, %add3A_31] masked %and3A_450 : memref<49x8x128xf32, #tpu.memory_space<vmem>>[vector<16xi32>, vector<16xi32>, vector<16xi32>], vector<16xf32>, vector<16xi1>
            %swap3A_452 = arith.index_cast %shift_right_arithmetic3A_342 : i32 to index
            %swap3A_453 = arith.index_cast %and3A_344 : i32 to index
            %swap3A_454 = arith.constant 80 : index
            %swap3A_455 = tpu.vector_load %run_scoped3A_10[%swap3A_452, %swap3A_453, %swap3A_454] {strides = array<i32>} : memref<9x8x128xf32, #tpu.memory_space<vmem>>, vector<16xf32>,
            tpu.vector_store %run_scoped3A_10[%swap3A_452, %swap3A_453, %swap3A_454], %gather3A_451 {add = true, strides = array<i32>} : memref<9x8x128xf32, #tpu.memory_space<vmem>>, vector<16xf32>,
            %get3A_456 = arith.index_cast %shift_right_arithmetic3A_342 : i32 to index
            %get3A_457 = arith.index_cast %and3A_344 : i32 to index
            %get3A_458 = arith.constant 96 : index
            %get3A_459 = tpu.vector_load %run_scoped3A_9[%get3A_456, %get3A_457, %get3A_458] {strides = array<i32>} : memref<9x8x128xi32, #tpu.memory_space<vmem>>, vector<16xi32>,
            %sub3A_460 = arith.constant 147 : i32
            %sub3A_461 = vector.broadcast %sub3A_460 : i32 to vector<16xi32>
            %sub3A_462 = arith.subi %get3A_459, %sub3A_461 : vector<16xi32>
            %ge3A_463 = arith.constant 0 : i32
            %ge3A_464 = vector.broadcast %ge3A_463 : i32 to vector<16xi32>
            %ge3A_465 = arith.cmpi sge, %sub3A_462, %ge3A_464 : vector<16xi32>
            %lt3A_466 = arith.constant 49 : i32
            %lt3A_467 = vector.broadcast %lt3A_466 : i32 to vector<16xi32>
            %lt3A_468 = arith.cmpi slt, %sub3A_462, %lt3A_467 : vector<16xi32>
            %and3A_469 = arith.andi %ge3A_465, %lt3A_468 : vector<16xi1>
            %gather3A_470 = tpu.vector_load_idx %run_scoped3A_8[%sub3A_462, %broadcast_in_dim3A, %add3A_34] masked %and3A_469 : memref<49x8x128xf32, #tpu.memory_space<vmem>>[vector<16xi32>, vector<16xi32>, vector<16xi32>], vector<16xf32>, vector<16xi1>
            %swap3A_471 = arith.index_cast %shift_right_arithmetic3A_342 : i32 to index
            %swap3A_472 = arith.index_cast %and3A_344 : i32 to index
            %swap3A_473 = arith.constant 96 : index
            %swap3A_474 = tpu.vector_load %run_scoped3A_10[%swap3A_471, %swap3A_472, %swap3A_473] {strides = array<i32>} : memref<9x8x128xf32, #tpu.memory_space<vmem>>, vector<16xf32>,
            tpu.vector_store %run_scoped3A_10[%swap3A_471, %swap3A_472, %swap3A_473], %gather3A_470 {add = true, strides = array<i32>} : memref<9x8x128xf32, #tpu.memory_space<vmem>>, vector<16xf32>,
            %get3A_475 = arith.index_cast %shift_right_arithmetic3A_342 : i32 to index
            %get3A_476 = arith.index_cast %and3A_344 : i32 to index
            %get3A_477 = arith.constant 112 : index
            %get3A_478 = tpu.vector_load %run_scoped3A_9[%get3A_475, %get3A_476, %get3A_477] {strides = array<i32>} : memref<9x8x128xi32, #tpu.memory_space<vmem>>, vector<16xi32>,
            %sub3A_479 = arith.constant 147 : i32
            %sub3A_480 = vector.broadcast %sub3A_479 : i32 to vector<16xi32>
            %sub3A_481 = arith.subi %get3A_478, %sub3A_480 : vector<16xi32>
            %ge3A_482 = arith.constant 0 : i32
            %ge3A_483 = vector.broadcast %ge3A_482 : i32 to vector<16xi32>
            %ge3A_484 = arith.cmpi sge, %sub3A_481, %ge3A_483 : vector<16xi32>
            %lt3A_485 = arith.constant 49 : i32
            %lt3A_486 = vector.broadcast %lt3A_485 : i32 to vector<16xi32>
            %lt3A_487 = arith.cmpi slt, %sub3A_481, %lt3A_486 : vector<16xi32>
            %and3A_488 = arith.andi %ge3A_484, %lt3A_487 : vector<16xi1>
            %gather3A_489 = tpu.vector_load_idx %run_scoped3A_8[%sub3A_481, %broadcast_in_dim3A, %add3A_37] masked %and3A_488 : memref<49x8x128xf32, #tpu.memory_space<vmem>>[vector<16xi32>, vector<16xi32>, vector<16xi32>], vector<16xf32>, vector<16xi1>
            %swap3A_490 = arith.index_cast %shift_right_arithmetic3A_342 : i32 to index
            %swap3A_491 = arith.index_cast %and3A_344 : i32 to index
            %swap3A_492 = arith.constant 112 : index
            %swap3A_493 = tpu.vector_load %run_scoped3A_10[%swap3A_490, %swap3A_491, %swap3A_492] {strides = array<i32>} : memref<9x8x128xf32, #tpu.memory_space<vmem>>, vector<16xf32>,
            tpu.vector_store %run_scoped3A_10[%swap3A_490, %swap3A_491, %swap3A_492], %gather3A_489 {add = true, strides = array<i32>} : memref<9x8x128xf32, #tpu.memory_space<vmem>>, vector<16xf32>,
          }
          %scan3A_325 = arith.constant 72 : i32
          %add3A_326 = arith.constant 1 : i32
          %add3A_327 = arith.addi %scan3A_149, %add3A_326 : i32
          %lt3A_328 = arith.constant 7 : i32
          %lt3A_329 = arith.cmpi slt, %add3A_327, %lt3A_328 : i32
          %convert_element_type3A_330 = arith.extui %lt3A_329 : i1 to i32
          %cond3A_331 = arith.constant 0 : i32
          %cond3A_332 = arith.cmpi ne, %convert_element_type3A_330, %cond3A_331 : i32
          scf.if %cond3A_332 {
            %dma_start3A_341 = arith.constant 49 : i32
            %dma_start3A_342 = arith.constant 0 : i32
            %dma_start3A_343 = tpu.memref_slice %arg2[%select_n3A_224, %dma_start3A_341, %mul3A_242, %dma_start3A_342] : memref<4x196x224x224xf32, #tpu.memory_space<hbm>> -> memref<1x49x8x128xf32, #tpu.memory_space<hbm>>
            %dma_start3A_344 = tpu.memref_squeeze %dma_start3A_343 : memref<1x49x8x128xf32, #tpu.memory_space<hbm>> -> memref<49x8x128xf32, #tpu.memory_space<hbm>>
            %dma_start3A_345 = arith.constant 49 : i32
            %dma_start3A_346 = arith.constant 0 : i32
            %dma_start3A_347 = tpu.memref_slice %arg2[%select_n3A_224, %dma_start3A_345, %mul3A_242, %dma_start3A_346] : memref<4x196x224x224xf32, #tpu.memory_space<hbm>> -> memref<1x49x8x128xf32, #tpu.memory_space<hbm>>
            %dma_start3A_348 = tpu.memref_squeeze %dma_start3A_347 : memref<1x49x8x128xf32, #tpu.memory_space<hbm>> -> memref<49x8x128xf32, #tpu.memory_space<hbm>>
            tpu.enqueue_dma source(%dma_start3A_348 : memref<49x8x128xf32, #tpu.memory_space<hbm>>) target(%run_scoped3A_8 : memref<49x8x128xf32, #tpu.memory_space<vmem>>) target_semaphore(%run_scoped3A_12 : memref<!tpu.dma_semaphore, #tpu.memory_space<semaphore_mem>>)
          } else {
          }
          %dma_start3A_333 = arith.constant 0 : i32
          %dma_start3A_334 = arith.constant 0 : i32
          %dma_start3A_335 = tpu.memref_slice %arg4[%select_n3A_176, %dma_start3A_333, %mul3A_194, %dma_start3A_334] : memref<4x9x224x224xf32, #tpu.memory_space<hbm>> -> memref<1x9x8x128xf32, #tpu.memory_space<hbm>>
          %dma_start3A_336 = tpu.memref_squeeze %dma_start3A_335 : memref<1x9x8x128xf32, #tpu.memory_space<hbm>> -> memref<9x8x128xf32, #tpu.memory_space<hbm>>
          %dma_start3A_337 = arith.constant 0 : i32
          %dma_start3A_338 = arith.constant 0 : i32
          %dma_start3A_339 = tpu.memref_slice %arg4[%select_n3A_176, %dma_start3A_337, %mul3A_194, %dma_start3A_338] : memref<4x9x224x224xf32, #tpu.memory_space<hbm>> -> memref<1x9x8x128xf32, #tpu.memory_space<hbm>>
          %dma_start3A_340 = tpu.memref_squeeze %dma_start3A_339 : memref<1x9x8x128xf32, #tpu.memory_space<hbm>> -> memref<9x8x128xf32, #tpu.memory_space<hbm>>
          tpu.enqueue_dma source(%run_scoped3A_10 : memref<9x8x128xf32, #tpu.memory_space<vmem>>) target(%dma_start3A_340 : memref<9x8x128xf32, #tpu.memory_space<hbm>>) target_semaphore(%run_scoped3A_13 : memref<!tpu.dma_semaphore, #tpu.memory_space<semaphore_mem>>)
        }
        %scan3A_95 = arith.constant 7 : i32
        %mul3A_96 = arith.constant 7 : i32
        %mul3A_97 = arith.muli %and3A_1, %mul3A_96 : i32
        %add3A_98 = arith.constant 6 : i32
        %add3A_99 = arith.addi %mul3A_97, %add3A_98 : i32
        %jit3A_100 = arith.constant 28 : i32
        %div3A_101 = arith.divsi %add3A_99, %jit3A_100 : i32
        %sign3A_102 = arith.constant 0 : i32
        %sign3A_103 = arith.cmpi sgt, %add3A_99, %sign3A_102 : i32
        %sign3A_104 = arith.extui %sign3A_103 : i1 to i32
        %sign3A_105 = arith.constant 0 : i32
        %sign3A_106 = arith.cmpi slt, %add3A_99, %sign3A_105 : i32
        %sign3A_107 = arith.extui %sign3A_106 : i1 to i32
        %sign3A_108 = arith.subi %sign3A_104, %sign3A_107 : i32
        %sign3A_109 = arith.constant 0 : i32
        %sign3A_110 = arith.cmpi sgt, %jit3A_100, %sign3A_109 : i32
        %sign3A_111 = arith.extui %sign3A_110 : i1 to i32
        %sign3A_112 = arith.constant 0 : i32
        %sign3A_113 = arith.cmpi slt, %jit3A_100, %sign3A_112 : i32
        %sign3A_114 = arith.extui %sign3A_113 : i1 to i32
        %sign3A_115 = arith.subi %sign3A_111, %sign3A_114 : i32
        %ne3A_116 = arith.cmpi ne, %sign3A_108, %sign3A_115 : i32
        %rem3A_117 = arith.remsi %add3A_99, %jit3A_100 : i32
        %ne3A_118 = arith.constant 0 : i32
        %ne3A_119 = arith.cmpi ne, %rem3A_117, %ne3A_118 : i32
        %and3A_120 = arith.andi %ne3A_116, %ne3A_119 : i1
        %sub3A_121 = arith.constant 1 : i32
        %sub3A_122 = arith.subi %div3A_101, %sub3A_121 : i32
        %select_n3A_123 = arith.select %and3A_120, %sub3A_122, %div3A_101 : i32
        %jit3A_124 = arith.constant 28 : i32
        %eq3A_125 = arith.constant 0 : i32
        %eq3A_126 = arith.cmpi eq, %jit3A_124, %eq3A_125 : i32
        %jit3A_127 = arith.constant 1 : i32
        %select_n3A_128 = arith.select %eq3A_126, %jit3A_127, %jit3A_124 : i32
        %rem3A_129 = arith.remsi %add3A_99, %select_n3A_128 : i32
        %ne3A_130 = arith.constant 0 : i32
        %ne3A_131 = arith.cmpi ne, %rem3A_129, %ne3A_130 : i32
        %lt3A_132 = arith.constant 0 : i32
        %lt3A_133 = arith.cmpi slt, %rem3A_129, %lt3A_132 : i32
        %lt3A_134 = arith.constant 0 : i32
        %lt3A_135 = arith.cmpi slt, %select_n3A_128, %lt3A_134 : i32
        %ne3A_136 = arith.xori %lt3A_133, %lt3A_135 : i1
        %and3A_137 = arith.andi %ne3A_136, %ne3A_131 : i1
        %add3A_138 = arith.addi %rem3A_129, %select_n3A_128 : i32
        %select_n3A_139 = arith.select %and3A_137, %add3A_138, %rem3A_129 : i32
        %mul3A_140 = arith.constant 8 : i32
        %mul3A_141 = arith.muli %select_n3A_139, %mul3A_140 : i32
        %dma_wait3A = arith.constant 0 : i32
        %dma_wait3A_142 = arith.constant 0 : i32
        %dma_wait3A_143 = tpu.memref_slice %arg4[%select_n3A_123, %dma_wait3A, %mul3A_141, %dma_wait3A_142] : memref<4x9x224x224xf32, #tpu.memory_space<hbm>> -> memref<1x9x8x128xf32, #tpu.memory_space<hbm>>
        %dma_wait3A_144 = tpu.memref_squeeze %dma_wait3A_143 : memref<1x9x8x128xf32, #tpu.memory_space<hbm>> -> memref<9x8x128xf32, #tpu.memory_space<hbm>>
        %dma_wait3A_145 = arith.constant 0 : i32
        %dma_wait3A_146 = arith.constant 0 : i32
        %dma_wait3A_147 = tpu.memref_slice %arg4[%select_n3A_123, %dma_wait3A_145, %mul3A_141, %dma_wait3A_146] : memref<4x9x224x224xf32, #tpu.memory_space<hbm>> -> memref<1x9x8x128xf32, #tpu.memory_space<hbm>>
        %dma_wait3A_148 = tpu.memref_squeeze %dma_wait3A_147 : memref<1x9x8x128xf32, #tpu.memory_space<hbm>> -> memref<9x8x128xf32, #tpu.memory_space<hbm>>
        tpu.wait_dma2 semaphore(%run_scoped3A_13 : memref<!tpu.dma_semaphore, #tpu.memory_space<semaphore_mem>>) src(%run_scoped3A_10 : memref<9x8x128xf32, #tpu.memory_space<vmem>>) dst(%dma_wait3A_148 : memref<9x8x128xf32, #tpu.memory_space<hbm>>)
        tpu.yield
      }) : () -> ()
    } else {
    }
    %ge3A = arith.constant 16 : i32
    %ge3A_4 = arith.cmpi sge, %add3A, %ge3A : i32
    %convert_element_type3A_5 = arith.extui %ge3A_4 : i1 to i32
    %cond3A_6 = arith.constant 0 : i32
    %cond3A_7 = arith.cmpi ne, %convert_element_type3A_5, %cond3A_6 : i32
    scf.if %cond3A_7 {
      "tpu.region"() ({
        %run_scoped3A = memref.alloca() : memref<49x8x96xf32, #tpu.memory_space<vmem>>
        %run_scoped3A_8 = memref.alloca() : memref<49x8x96xf32, #tpu.memory_space<vmem>>
        %run_scoped3A_9 = memref.alloca() : memref<9x8x96xi32, #tpu.memory_space<vmem>>
        %run_scoped3A_10 = memref.alloca() : memref<9x8x96xf32, #tpu.memory_space<vmem>>
        %run_scoped3A_11 = tpu.sem_alloc : memref<!tpu.dma_semaphore, #tpu.memory_space<semaphore_mem>>
        %run_scoped3A_12 = tpu.sem_alloc : memref<!tpu.dma_semaphore, #tpu.memory_space<semaphore_mem>>
        %run_scoped3A_13 = tpu.sem_alloc : memref<!tpu.dma_semaphore, #tpu.memory_space<semaphore_mem>>
        %add3A_14 = arith.constant 0 : i32
        %add3A_15 = vector.broadcast %add3A_14 : i32 to vector<16xi32>
        %add3A_16 = arith.addi %iota3A, %add3A_15 : vector<16xi32>
        %add3A_17 = arith.constant 16 : i32
        %add3A_18 = vector.broadcast %add3A_17 : i32 to vector<16xi32>
        %add3A_19 = arith.addi %iota3A, %add3A_18 : vector<16xi32>
        %add3A_20 = arith.constant 32 : i32
        %add3A_21 = vector.broadcast %add3A_20 : i32 to vector<16xi32>
        %add3A_22 = arith.addi %iota3A, %add3A_21 : vector<16xi32>
        %add3A_23 = arith.constant 48 : i32
        %add3A_24 = vector.broadcast %add3A_23 : i32 to vector<16xi32>
        %add3A_25 = arith.addi %iota3A, %add3A_24 : vector<16xi32>
        %add3A_26 = arith.constant 64 : i32
        %add3A_27 = vector.broadcast %add3A_26 : i32 to vector<16xi32>
        %add3A_28 = arith.addi %iota3A, %add3A_27 : vector<16xi32>
        %add3A_29 = arith.constant 80 : i32
        %add3A_30 = vector.broadcast %add3A_29 : i32 to vector<16xi32>
        %add3A_31 = arith.addi %iota3A, %add3A_30 : vector<16xi32>
        %mul3A_32 = arith.constant 7 : i32
        %mul3A_33 = arith.muli %and3A_1, %mul3A_32 : i32
        %add3A_34 = arith.constant 0 : i32
        %add3A_35 = arith.addi %mul3A_33, %add3A_34 : i32
        %jit3A = arith.constant 28 : i32
        %div3A = arith.divsi %add3A_35, %jit3A : i32
        %sign3A = arith.constant 0 : i32
        %sign3A_36 = arith.cmpi sgt, %add3A_35, %sign3A : i32
        %sign3A_37 = arith.extui %sign3A_36 : i1 to i32
        %sign3A_38 = arith.constant 0 : i32
        %sign3A_39 = arith.cmpi slt, %add3A_35, %sign3A_38 : i32
        %sign3A_40 = arith.extui %sign3A_39 : i1 to i32
        %sign3A_41 = arith.subi %sign3A_37, %sign3A_40 : i32
        %sign3A_42 = arith.constant 0 : i32
        %sign3A_43 = arith.cmpi sgt, %jit3A, %sign3A_42 : i32
        %sign3A_44 = arith.extui %sign3A_43 : i1 to i32
        %sign3A_45 = arith.constant 0 : i32
        %sign3A_46 = arith.cmpi slt, %jit3A, %sign3A_45 : i32
        %sign3A_47 = arith.extui %sign3A_46 : i1 to i32
        %sign3A_48 = arith.subi %sign3A_44, %sign3A_47 : i32
        %ne3A = arith.cmpi ne, %sign3A_41, %sign3A_48 : i32
        %rem3A = arith.remsi %add3A_35, %jit3A : i32
        %ne3A_49 = arith.constant 0 : i32
        %ne3A_50 = arith.cmpi ne, %rem3A, %ne3A_49 : i32
        %and3A_51 = arith.andi %ne3A, %ne3A_50 : i1
        %sub3A = arith.constant 1 : i32
        %sub3A_52 = arith.subi %div3A, %sub3A : i32
        %select_n3A = arith.select %and3A_51, %sub3A_52, %div3A : i32
        %jit3A_53 = arith.constant 28 : i32
        %eq3A = arith.constant 0 : i32
        %eq3A_54 = arith.cmpi eq, %jit3A_53, %eq3A : i32
        %jit3A_55 = arith.constant 1 : i32
        %select_n3A_56 = arith.select %eq3A_54, %jit3A_55, %jit3A_53 : i32
        %rem3A_57 = arith.remsi %add3A_35, %select_n3A_56 : i32
        %ne3A_58 = arith.constant 0 : i32
        %ne3A_59 = arith.cmpi ne, %rem3A_57, %ne3A_58 : i32
        %lt3A_60 = arith.constant 0 : i32
        %lt3A_61 = arith.cmpi slt, %rem3A_57, %lt3A_60 : i32
        %lt3A_62 = arith.constant 0 : i32
        %lt3A_63 = arith.cmpi slt, %select_n3A_56, %lt3A_62 : i32
        %ne3A_64 = arith.xori %lt3A_61, %lt3A_63 : i1
        %and3A_65 = arith.andi %ne3A_64, %ne3A_59 : i1
        %add3A_66 = arith.addi %rem3A_57, %select_n3A_56 : i32
        %select_n3A_67 = arith.select %and3A_65, %add3A_66, %rem3A_57 : i32
        %mul3A_68 = arith.constant 8 : i32
        %mul3A_69 = arith.muli %select_n3A_67, %mul3A_68 : i32
        %dma_start3A = arith.constant 0 : i32
        %dma_start3A_70 = arith.constant 128 : i32
        %dma_start3A_71 = tpu.memref_slice %arg2[%select_n3A, %dma_start3A, %mul3A_69, %dma_start3A_70] : memref<4x196x224x224xf32, #tpu.memory_space<hbm>> -> memref<1x49x8x96xf32, #tpu.memory_space<hbm>>
        %dma_start3A_72 = tpu.memref_squeeze %dma_start3A_71 : memref<1x49x8x96xf32, #tpu.memory_space<hbm>> -> memref<49x8x96xf32, #tpu.memory_space<hbm>>
        %dma_start3A_73 = arith.constant 0 : i32
        %dma_start3A_74 = arith.constant 128 : i32
        %dma_start3A_75 = tpu.memref_slice %arg2[%select_n3A, %dma_start3A_73, %mul3A_69, %dma_start3A_74] : memref<4x196x224x224xf32, #tpu.memory_space<hbm>> -> memref<1x49x8x96xf32, #tpu.memory_space<hbm>>
        %dma_start3A_76 = tpu.memref_squeeze %dma_start3A_75 : memref<1x49x8x96xf32, #tpu.memory_space<hbm>> -> memref<49x8x96xf32, #tpu.memory_space<hbm>>
        tpu.enqueue_dma source(%dma_start3A_76 : memref<49x8x96xf32, #tpu.memory_space<hbm>>) target(%run_scoped3A : memref<49x8x96xf32, #tpu.memory_space<vmem>>) target_semaphore(%run_scoped3A_11 : memref<!tpu.dma_semaphore, #tpu.memory_space<semaphore_mem>>)
        %dma_start3A_77 = arith.constant 49 : i32
        %dma_start3A_78 = arith.constant 128 : i32
        %dma_start3A_79 = tpu.memref_slice %arg2[%select_n3A, %dma_start3A_77, %mul3A_69, %dma_start3A_78] : memref<4x196x224x224xf32, #tpu.memory_space<hbm>> -> memref<1x49x8x96xf32, #tpu.memory_space<hbm>>
        %dma_start3A_80 = tpu.memref_squeeze %dma_start3A_79 : memref<1x49x8x96xf32, #tpu.memory_space<hbm>> -> memref<49x8x96xf32, #tpu.memory_space<hbm>>
        %dma_start3A_81 = arith.constant 49 : i32
        %dma_start3A_82 = arith.constant 128 : i32
        %dma_start3A_83 = tpu.memref_slice %arg2[%select_n3A, %dma_start3A_81, %mul3A_69, %dma_start3A_82] : memref<4x196x224x224xf32, #tpu.memory_space<hbm>> -> memref<1x49x8x96xf32, #tpu.memory_space<hbm>>
        %dma_start3A_84 = tpu.memref_squeeze %dma_start3A_83 : memref<1x49x8x96xf32, #tpu.memory_space<hbm>> -> memref<49x8x96xf32, #tpu.memory_space<hbm>>
        tpu.enqueue_dma source(%dma_start3A_84 : memref<49x8x96xf32, #tpu.memory_space<hbm>>) target(%run_scoped3A_8 : memref<49x8x96xf32, #tpu.memory_space<vmem>>) target_semaphore(%run_scoped3A_12 : memref<!tpu.dma_semaphore, #tpu.memory_space<semaphore_mem>>)
        %scan3A = arith.constant 0 : i32
        %scan3A_85 = arith.constant 0 : i32
        %scan3A_86 = arith.constant 7 : i32
        %scan3A_87 = arith.addi %scan3A_85, %scan3A_86 : i32
        %scan3A_88 = arith.constant 1 : i32
        scf.for %scan3A_143 = %scan3A_85 to %scan3A_87 step %scan3A_88  : i32 {
          %mul3A_144 = arith.constant 7 : i32
          %mul3A_145 = arith.muli %and3A_1, %mul3A_144 : i32
          %add3A_146 = arith.addi %mul3A_145, %scan3A_143 : i32
          %jit3A_147 = arith.constant 28 : i32
          %div3A_148 = arith.divsi %add3A_146, %jit3A_147 : i32
          %sign3A_149 = arith.constant 0 : i32
          %sign3A_150 = arith.cmpi sgt, %add3A_146, %sign3A_149 : i32
          %sign3A_151 = arith.extui %sign3A_150 : i1 to i32
          %sign3A_152 = arith.constant 0 : i32
          %sign3A_153 = arith.cmpi slt, %add3A_146, %sign3A_152 : i32
          %sign3A_154 = arith.extui %sign3A_153 : i1 to i32
          %sign3A_155 = arith.subi %sign3A_151, %sign3A_154 : i32
          %sign3A_156 = arith.constant 0 : i32
          %sign3A_157 = arith.cmpi sgt, %jit3A_147, %sign3A_156 : i32
          %sign3A_158 = arith.extui %sign3A_157 : i1 to i32
          %sign3A_159 = arith.constant 0 : i32
          %sign3A_160 = arith.cmpi slt, %jit3A_147, %sign3A_159 : i32
          %sign3A_161 = arith.extui %sign3A_160 : i1 to i32
          %sign3A_162 = arith.subi %sign3A_158, %sign3A_161 : i32
          %ne3A_163 = arith.cmpi ne, %sign3A_155, %sign3A_162 : i32
          %rem3A_164 = arith.remsi %add3A_146, %jit3A_147 : i32
          %ne3A_165 = arith.constant 0 : i32
          %ne3A_166 = arith.cmpi ne, %rem3A_164, %ne3A_165 : i32
          %and3A_167 = arith.andi %ne3A_163, %ne3A_166 : i1
          %sub3A_168 = arith.constant 1 : i32
          %sub3A_169 = arith.subi %div3A_148, %sub3A_168 : i32
          %select_n3A_170 = arith.select %and3A_167, %sub3A_169, %div3A_148 : i32
          %jit3A_171 = arith.constant 28 : i32
          %eq3A_172 = arith.constant 0 : i32
          %eq3A_173 = arith.cmpi eq, %jit3A_171, %eq3A_172 : i32
          %jit3A_174 = arith.constant 1 : i32
          %select_n3A_175 = arith.select %eq3A_173, %jit3A_174, %jit3A_171 : i32
          %rem3A_176 = arith.remsi %add3A_146, %select_n3A_175 : i32
          %ne3A_177 = arith.constant 0 : i32
          %ne3A_178 = arith.cmpi ne, %rem3A_176, %ne3A_177 : i32
          %lt3A_179 = arith.constant 0 : i32
          %lt3A_180 = arith.cmpi slt, %rem3A_176, %lt3A_179 : i32
          %lt3A_181 = arith.constant 0 : i32
          %lt3A_182 = arith.cmpi slt, %select_n3A_175, %lt3A_181 : i32
          %ne3A_183 = arith.xori %lt3A_180, %lt3A_182 : i1
          %and3A_184 = arith.andi %ne3A_183, %ne3A_178 : i1
          %add3A_185 = arith.addi %rem3A_176, %select_n3A_175 : i32
          %select_n3A_186 = arith.select %and3A_184, %add3A_185, %rem3A_176 : i32
          %mul3A_187 = arith.constant 8 : i32
          %mul3A_188 = arith.muli %select_n3A_186, %mul3A_187 : i32
          %add3A_189 = arith.constant 1 : i32
          %add3A_190 = arith.addi %scan3A_143, %add3A_189 : i32
          %min3A = arith.constant 6 : i32
          %min3A_191 = arith.minsi %add3A_190, %min3A : i32
          %mul3A_192 = arith.constant 7 : i32
          %mul3A_193 = arith.muli %and3A_1, %mul3A_192 : i32
          %add3A_194 = arith.addi %mul3A_193, %min3A_191 : i32
          %jit3A_195 = arith.constant 28 : i32
          %div3A_196 = arith.divsi %add3A_194, %jit3A_195 : i32
          %sign3A_197 = arith.constant 0 : i32
          %sign3A_198 = arith.cmpi sgt, %add3A_194, %sign3A_197 : i32
          %sign3A_199 = arith.extui %sign3A_198 : i1 to i32
          %sign3A_200 = arith.constant 0 : i32
          %sign3A_201 = arith.cmpi slt, %add3A_194, %sign3A_200 : i32
          %sign3A_202 = arith.extui %sign3A_201 : i1 to i32
          %sign3A_203 = arith.subi %sign3A_199, %sign3A_202 : i32
          %sign3A_204 = arith.constant 0 : i32
          %sign3A_205 = arith.cmpi sgt, %jit3A_195, %sign3A_204 : i32
          %sign3A_206 = arith.extui %sign3A_205 : i1 to i32
          %sign3A_207 = arith.constant 0 : i32
          %sign3A_208 = arith.cmpi slt, %jit3A_195, %sign3A_207 : i32
          %sign3A_209 = arith.extui %sign3A_208 : i1 to i32
          %sign3A_210 = arith.subi %sign3A_206, %sign3A_209 : i32
          %ne3A_211 = arith.cmpi ne, %sign3A_203, %sign3A_210 : i32
          %rem3A_212 = arith.remsi %add3A_194, %jit3A_195 : i32
          %ne3A_213 = arith.constant 0 : i32
          %ne3A_214 = arith.cmpi ne, %rem3A_212, %ne3A_213 : i32
          %and3A_215 = arith.andi %ne3A_211, %ne3A_214 : i1
          %sub3A_216 = arith.constant 1 : i32
          %sub3A_217 = arith.subi %div3A_196, %sub3A_216 : i32
          %select_n3A_218 = arith.select %and3A_215, %sub3A_217, %div3A_196 : i32
          %jit3A_219 = arith.constant 28 : i32
          %eq3A_220 = arith.constant 0 : i32
          %eq3A_221 = arith.cmpi eq, %jit3A_219, %eq3A_220 : i32
          %jit3A_222 = arith.constant 1 : i32
          %select_n3A_223 = arith.select %eq3A_221, %jit3A_222, %jit3A_219 : i32
          %rem3A_224 = arith.remsi %add3A_194, %select_n3A_223 : i32
          %ne3A_225 = arith.constant 0 : i32
          %ne3A_226 = arith.cmpi ne, %rem3A_224, %ne3A_225 : i32
          %lt3A_227 = arith.constant 0 : i32
          %lt3A_228 = arith.cmpi slt, %rem3A_224, %lt3A_227 : i32
          %lt3A_229 = arith.constant 0 : i32
          %lt3A_230 = arith.cmpi slt, %select_n3A_223, %lt3A_229 : i32
          %ne3A_231 = arith.xori %lt3A_228, %lt3A_230 : i1
          %and3A_232 = arith.andi %ne3A_231, %ne3A_226 : i1
          %add3A_233 = arith.addi %rem3A_224, %select_n3A_223 : i32
          %select_n3A_234 = arith.select %and3A_232, %add3A_233, %rem3A_224 : i32
          %mul3A_235 = arith.constant 8 : i32
          %mul3A_236 = arith.muli %select_n3A_234, %mul3A_235 : i32
          "tpu.region"() ({
            %run_scoped3A_335 = tpu.sem_alloc : memref<!tpu.dma_semaphore, #tpu.memory_space<semaphore_mem>>
            %dma_start3A_336 = arith.constant 0 : i32
            %dma_start3A_337 = arith.constant 128 : i32
            %dma_start3A_338 = tpu.memref_slice %arg3[%select_n3A_170, %dma_start3A_336, %mul3A_188, %dma_start3A_337] : memref<4x9x224x224xi32, #tpu.memory_space<hbm>> -> memref<1x9x8x96xi32, #tpu.memory_space<hbm>>
            %dma_start3A_339 = tpu.memref_squeeze %dma_start3A_338 : memref<1x9x8x96xi32, #tpu.memory_space<hbm>> -> memref<9x8x96xi32, #tpu.memory_space<hbm>>
            %dma_start3A_340 = arith.constant 0 : i32
            %dma_start3A_341 = arith.constant 128 : i32
            %dma_start3A_342 = tpu.memref_slice %arg3[%select_n3A_170, %dma_start3A_340, %mul3A_188, %dma_start3A_341] : memref<4x9x224x224xi32, #tpu.memory_space<hbm>> -> memref<1x9x8x96xi32, #tpu.memory_space<hbm>>
            %dma_start3A_343 = tpu.memref_squeeze %dma_start3A_342 : memref<1x9x8x96xi32, #tpu.memory_space<hbm>> -> memref<9x8x96xi32, #tpu.memory_space<hbm>>
            tpu.enqueue_dma source(%dma_start3A_343 : memref<9x8x96xi32, #tpu.memory_space<hbm>>) target(%run_scoped3A_9 : memref<9x8x96xi32, #tpu.memory_space<vmem>>) target_semaphore(%run_scoped3A_335 : memref<!tpu.dma_semaphore, #tpu.memory_space<semaphore_mem>>)
            %dma_wait3A_344 = arith.constant 0 : i32
            %dma_wait3A_345 = arith.constant 128 : i32
            %dma_wait3A_346 = tpu.memref_slice %arg3[%select_n3A_170, %dma_wait3A_344, %mul3A_188, %dma_wait3A_345] : memref<4x9x224x224xi32, #tpu.memory_space<hbm>> -> memref<1x9x8x96xi32, #tpu.memory_space<hbm>>
            %dma_wait3A_347 = tpu.memref_squeeze %dma_wait3A_346 : memref<1x9x8x96xi32, #tpu.memory_space<hbm>> -> memref<9x8x96xi32, #tpu.memory_space<hbm>>
            %dma_wait3A_348 = arith.constant 0 : i32
            %dma_wait3A_349 = arith.constant 128 : i32
            %dma_wait3A_350 = tpu.memref_slice %arg3[%select_n3A_170, %dma_wait3A_348, %mul3A_188, %dma_wait3A_349] : memref<4x9x224x224xi32, #tpu.memory_space<hbm>> -> memref<1x9x8x96xi32, #tpu.memory_space<hbm>>
            %dma_wait3A_351 = tpu.memref_squeeze %dma_wait3A_350 : memref<1x9x8x96xi32, #tpu.memory_space<hbm>> -> memref<9x8x96xi32, #tpu.memory_space<hbm>>
            tpu.wait_dma2 semaphore(%run_scoped3A_335 : memref<!tpu.dma_semaphore, #tpu.memory_space<semaphore_mem>>) src(%dma_wait3A_351 : memref<9x8x96xi32, #tpu.memory_space<hbm>>) dst(%run_scoped3A_9 : memref<9x8x96xi32, #tpu.memory_space<vmem>>)
            tpu.yield
          }) : () -> ()
          %dma_wait3A_237 = arith.constant 0 : i32
          %dma_wait3A_238 = arith.constant 128 : i32
          %dma_wait3A_239 = tpu.memref_slice %arg2[%select_n3A_170, %dma_wait3A_237, %mul3A_188, %dma_wait3A_238] : memref<4x196x224x224xf32, #tpu.memory_space<hbm>> -> memref<1x49x8x96xf32, #tpu.memory_space<hbm>>
          %dma_wait3A_240 = tpu.memref_squeeze %dma_wait3A_239 : memref<1x49x8x96xf32, #tpu.memory_space<hbm>> -> memref<49x8x96xf32, #tpu.memory_space<hbm>>
          %dma_wait3A_241 = arith.constant 0 : i32
          %dma_wait3A_242 = arith.constant 128 : i32
          %dma_wait3A_243 = tpu.memref_slice %arg2[%select_n3A_170, %dma_wait3A_241, %mul3A_188, %dma_wait3A_242] : memref<4x196x224x224xf32, #tpu.memory_space<hbm>> -> memref<1x49x8x96xf32, #tpu.memory_space<hbm>>
          %dma_wait3A_244 = tpu.memref_squeeze %dma_wait3A_243 : memref<1x49x8x96xf32, #tpu.memory_space<hbm>> -> memref<49x8x96xf32, #tpu.memory_space<hbm>>
          tpu.wait_dma2 semaphore(%run_scoped3A_11 : memref<!tpu.dma_semaphore, #tpu.memory_space<semaphore_mem>>) src(%dma_wait3A_244 : memref<49x8x96xf32, #tpu.memory_space<hbm>>) dst(%run_scoped3A : memref<49x8x96xf32, #tpu.memory_space<vmem>>)
          %gt3A = arith.constant 0 : i32
          %gt3A_245 = arith.cmpi sgt, %scan3A_143, %gt3A : i32
          %convert_element_type3A_246 = arith.extui %gt3A_245 : i1 to i32
          %cond3A_247 = arith.constant 0 : i32
          %cond3A_248 = arith.cmpi ne, %convert_element_type3A_246, %cond3A_247 : i32
          scf.if %cond3A_248 {
            %sub3A_335 = arith.constant 1 : i32
            %sub3A_336 = arith.subi %scan3A_143, %sub3A_335 : i32
            %max3A = arith.constant 0 : i32
            %max3A_337 = arith.maxsi %sub3A_336, %max3A : i32
            %mul3A_338 = arith.constant 7 : i32
            %mul3A_339 = arith.muli %and3A_1, %mul3A_338 : i32
            %add3A_340 = arith.addi %mul3A_339, %max3A_337 : i32
            %jit3A_341 = arith.constant 28 : i32
            %div3A_342 = arith.divsi %add3A_340, %jit3A_341 : i32
            %sign3A_343 = arith.constant 0 : i32
            %sign3A_344 = arith.cmpi sgt, %add3A_340, %sign3A_343 : i32
            %sign3A_345 = arith.extui %sign3A_344 : i1 to i32
            %sign3A_346 = arith.constant 0 : i32
            %sign3A_347 = arith.cmpi slt, %add3A_340, %sign3A_346 : i32
            %sign3A_348 = arith.extui %sign3A_347 : i1 to i32
            %sign3A_349 = arith.subi %sign3A_345, %sign3A_348 : i32
            %sign3A_350 = arith.constant 0 : i32
            %sign3A_351 = arith.cmpi sgt, %jit3A_341, %sign3A_350 : i32
            %sign3A_352 = arith.extui %sign3A_351 : i1 to i32
            %sign3A_353 = arith.constant 0 : i32
            %sign3A_354 = arith.cmpi slt, %jit3A_341, %sign3A_353 : i32
            %sign3A_355 = arith.extui %sign3A_354 : i1 to i32
            %sign3A_356 = arith.subi %sign3A_352, %sign3A_355 : i32
            %ne3A_357 = arith.cmpi ne, %sign3A_349, %sign3A_356 : i32
            %rem3A_358 = arith.remsi %add3A_340, %jit3A_341 : i32
            %ne3A_359 = arith.constant 0 : i32
            %ne3A_360 = arith.cmpi ne, %rem3A_358, %ne3A_359 : i32
            %and3A_361 = arith.andi %ne3A_357, %ne3A_360 : i1
            %sub3A_362 = arith.constant 1 : i32
            %sub3A_363 = arith.subi %div3A_342, %sub3A_362 : i32
            %select_n3A_364 = arith.select %and3A_361, %sub3A_363, %div3A_342 : i32
            %jit3A_365 = arith.constant 28 : i32
            %eq3A_366 = arith.constant 0 : i32
            %eq3A_367 = arith.cmpi eq, %jit3A_365, %eq3A_366 : i32
            %jit3A_368 = arith.constant 1 : i32
            %select_n3A_369 = arith.select %eq3A_367, %jit3A_368, %jit3A_365 : i32
            %rem3A_370 = arith.remsi %add3A_340, %select_n3A_369 : i32
            %ne3A_371 = arith.constant 0 : i32
            %ne3A_372 = arith.cmpi ne, %rem3A_370, %ne3A_371 : i32
            %lt3A_373 = arith.constant 0 : i32
            %lt3A_374 = arith.cmpi slt, %rem3A_370, %lt3A_373 : i32
            %lt3A_375 = arith.constant 0 : i32
            %lt3A_376 = arith.cmpi slt, %select_n3A_369, %lt3A_375 : i32
            %ne3A_377 = arith.xori %lt3A_374, %lt3A_376 : i1
            %and3A_378 = arith.andi %ne3A_377, %ne3A_372 : i1
            %add3A_379 = arith.addi %rem3A_370, %select_n3A_369 : i32
            %select_n3A_380 = arith.select %and3A_378, %add3A_379, %rem3A_370 : i32
            %mul3A_381 = arith.constant 8 : i32
            %mul3A_382 = arith.muli %select_n3A_380, %mul3A_381 : i32
            %dma_wait3A_383 = arith.constant 0 : i32
            %dma_wait3A_384 = arith.constant 128 : i32
            %dma_wait3A_385 = tpu.memref_slice %arg4[%select_n3A_364, %dma_wait3A_383, %mul3A_382, %dma_wait3A_384] : memref<4x9x224x224xf32, #tpu.memory_space<hbm>> -> memref<1x9x8x96xf32, #tpu.memory_space<hbm>>
            %dma_wait3A_386 = tpu.memref_squeeze %dma_wait3A_385 : memref<1x9x8x96xf32, #tpu.memory_space<hbm>> -> memref<9x8x96xf32, #tpu.memory_space<hbm>>
            %dma_wait3A_387 = arith.constant 0 : i32
            %dma_wait3A_388 = arith.constant 128 : i32
            %dma_wait3A_389 = tpu.memref_slice %arg4[%select_n3A_364, %dma_wait3A_387, %mul3A_382, %dma_wait3A_388] : memref<4x9x224x224xf32, #tpu.memory_space<hbm>> -> memref<1x9x8x96xf32, #tpu.memory_space<hbm>>
            %dma_wait3A_390 = tpu.memref_squeeze %dma_wait3A_389 : memref<1x9x8x96xf32, #tpu.memory_space<hbm>> -> memref<9x8x96xf32, #tpu.memory_space<hbm>>
            tpu.wait_dma2 semaphore(%run_scoped3A_13 : memref<!tpu.dma_semaphore, #tpu.memory_space<semaphore_mem>>) src(%run_scoped3A_10 : memref<9x8x96xf32, #tpu.memory_space<vmem>>) dst(%dma_wait3A_390 : memref<9x8x96xf32, #tpu.memory_space<hbm>>)
          } else {
          }
          %scan3A_249 = arith.constant 0 : i32
          %scan3A_250 = arith.constant 0 : i32
          %scan3A_251 = arith.constant 72 : i32
          %scan3A_252 = arith.addi %scan3A_250, %scan3A_251 : i32
          %scan3A_253 = arith.constant 1 : i32
          scf.for %scan3A_335 = %scan3A_250 to %scan3A_252 step %scan3A_253  : i32 {
            %shift_right_arithmetic3A = arith.constant 3 : i32
            %shift_right_arithmetic3A_336 = arith.shrsi %scan3A_335, %shift_right_arithmetic3A : i32
            %and3A_337 = arith.constant 7 : i32
            %and3A_338 = arith.andi %scan3A_335, %and3A_337 : i32
            %broadcast_in_dim3A = vector.broadcast %and3A_338 : i32 to vector<16xi32>
            %get3A = arith.index_cast %shift_right_arithmetic3A_336 : i32 to index
            %get3A_339 = arith.index_cast %and3A_338 : i32 to index
            %get3A_340 = arith.constant 0 : index
            %get3A_341 = tpu.vector_load %run_scoped3A_9[%get3A, %get3A_339, %get3A_340] {strides = array<i32>} : memref<9x8x96xi32, #tpu.memory_space<vmem>>, vector<16xi32>,
            %lt3A_342 = arith.constant 49 : i32
            %lt3A_343 = vector.broadcast %lt3A_342 : i32 to vector<16xi32>
            %lt3A_344 = arith.cmpi slt, %get3A_341, %lt3A_343 : vector<16xi32>
            %gather3A = tpu.vector_load_idx %run_scoped3A[%get3A_341, %broadcast_in_dim3A, %add3A_16] masked %lt3A_344 : memref<49x8x96xf32, #tpu.memory_space<vmem>>[vector<16xi32>, vector<16xi32>, vector<16xi32>], vector<16xf32>, vector<16xi1>
            %swap3A = arith.index_cast %shift_right_arithmetic3A_336 : i32 to index
            %swap3A_345 = arith.index_cast %and3A_338 : i32 to index
            %swap3A_346 = arith.constant 0 : index
            %swap3A_347 = tpu.vector_load %run_scoped3A_10[%swap3A, %swap3A_345, %swap3A_346] {strides = array<i32>} : memref<9x8x96xf32, #tpu.memory_space<vmem>>, vector<16xf32>,
            tpu.vector_store %run_scoped3A_10[%swap3A, %swap3A_345, %swap3A_346], %gather3A {strides = array<i32>} : memref<9x8x96xf32, #tpu.memory_space<vmem>>, vector<16xf32>,
            %get3A_348 = arith.index_cast %shift_right_arithmetic3A_336 : i32 to index
            %get3A_349 = arith.index_cast %and3A_338 : i32 to index
            %get3A_350 = arith.constant 16 : index
            %get3A_351 = tpu.vector_load %run_scoped3A_9[%get3A_348, %get3A_349, %get3A_350] {strides = array<i32>} : memref<9x8x96xi32, #tpu.memory_space<vmem>>, vector<16xi32>,
            %lt3A_352 = arith.constant 49 : i32
            %lt3A_353 = vector.broadcast %lt3A_352 : i32 to vector<16xi32>
            %lt3A_354 = arith.cmpi slt, %get3A_351, %lt3A_353 : vector<16xi32>
            %gather3A_355 = tpu.vector_load_idx %run_scoped3A[%get3A_351, %broadcast_in_dim3A, %add3A_19] masked %lt3A_354 : memref<49x8x96xf32, #tpu.memory_space<vmem>>[vector<16xi32>, vector<16xi32>, vector<16xi32>], vector<16xf32>, vector<16xi1>
            %swap3A_356 = arith.index_cast %shift_right_arithmetic3A_336 : i32 to index
            %swap3A_357 = arith.index_cast %and3A_338 : i32 to index
            %swap3A_358 = arith.constant 16 : index
            %swap3A_359 = tpu.vector_load %run_scoped3A_10[%swap3A_356, %swap3A_357, %swap3A_358] {strides = array<i32>} : memref<9x8x96xf32, #tpu.memory_space<vmem>>, vector<16xf32>,
            tpu.vector_store %run_scoped3A_10[%swap3A_356, %swap3A_357, %swap3A_358], %gather3A_355 {strides = array<i32>} : memref<9x8x96xf32, #tpu.memory_space<vmem>>, vector<16xf32>,
            %get3A_360 = arith.index_cast %shift_right_arithmetic3A_336 : i32 to index
            %get3A_361 = arith.index_cast %and3A_338 : i32 to index
            %get3A_362 = arith.constant 32 : index
            %get3A_363 = tpu.vector_load %run_scoped3A_9[%get3A_360, %get3A_361, %get3A_362] {strides = array<i32>} : memref<9x8x96xi32, #tpu.memory_space<vmem>>, vector<16xi32>,
            %lt3A_364 = arith.constant 49 : i32
            %lt3A_365 = vector.broadcast %lt3A_364 : i32 to vector<16xi32>
            %lt3A_366 = arith.cmpi slt, %get3A_363, %lt3A_365 : vector<16xi32>
            %gather3A_367 = tpu.vector_load_idx %run_scoped3A[%get3A_363, %broadcast_in_dim3A, %add3A_22] masked %lt3A_366 : memref<49x8x96xf32, #tpu.memory_space<vmem>>[vector<16xi32>, vector<16xi32>, vector<16xi32>], vector<16xf32>, vector<16xi1>
            %swap3A_368 = arith.index_cast %shift_right_arithmetic3A_336 : i32 to index
            %swap3A_369 = arith.index_cast %and3A_338 : i32 to index
            %swap3A_370 = arith.constant 32 : index
            %swap3A_371 = tpu.vector_load %run_scoped3A_10[%swap3A_368, %swap3A_369, %swap3A_370] {strides = array<i32>} : memref<9x8x96xf32, #tpu.memory_space<vmem>>, vector<16xf32>,
            tpu.vector_store %run_scoped3A_10[%swap3A_368, %swap3A_369, %swap3A_370], %gather3A_367 {strides = array<i32>} : memref<9x8x96xf32, #tpu.memory_space<vmem>>, vector<16xf32>,
            %get3A_372 = arith.index_cast %shift_right_arithmetic3A_336 : i32 to index
            %get3A_373 = arith.index_cast %and3A_338 : i32 to index
            %get3A_374 = arith.constant 48 : index
            %get3A_375 = tpu.vector_load %run_scoped3A_9[%get3A_372, %get3A_373, %get3A_374] {strides = array<i32>} : memref<9x8x96xi32, #tpu.memory_space<vmem>>, vector<16xi32>,
            %lt3A_376 = arith.constant 49 : i32
            %lt3A_377 = vector.broadcast %lt3A_376 : i32 to vector<16xi32>
            %lt3A_378 = arith.cmpi slt, %get3A_375, %lt3A_377 : vector<16xi32>
            %gather3A_379 = tpu.vector_load_idx %run_scoped3A[%get3A_375, %broadcast_in_dim3A, %add3A_25] masked %lt3A_378 : memref<49x8x96xf32, #tpu.memory_space<vmem>>[vector<16xi32>, vector<16xi32>, vector<16xi32>], vector<16xf32>, vector<16xi1>
            %swap3A_380 = arith.index_cast %shift_right_arithmetic3A_336 : i32 to index
            %swap3A_381 = arith.index_cast %and3A_338 : i32 to index
            %swap3A_382 = arith.constant 48 : index
            %swap3A_383 = tpu.vector_load %run_scoped3A_10[%swap3A_380, %swap3A_381, %swap3A_382] {strides = array<i32>} : memref<9x8x96xf32, #tpu.memory_space<vmem>>, vector<16xf32>,
            tpu.vector_store %run_scoped3A_10[%swap3A_380, %swap3A_381, %swap3A_382], %gather3A_379 {strides = array<i32>} : memref<9x8x96xf32, #tpu.memory_space<vmem>>, vector<16xf32>,
            %get3A_384 = arith.index_cast %shift_right_arithmetic3A_336 : i32 to index
            %get3A_385 = arith.index_cast %and3A_338 : i32 to index
            %get3A_386 = arith.constant 64 : index
            %get3A_387 = tpu.vector_load %run_scoped3A_9[%get3A_384, %get3A_385, %get3A_386] {strides = array<i32>} : memref<9x8x96xi32, #tpu.memory_space<vmem>>, vector<16xi32>,
            %lt3A_388 = arith.constant 49 : i32
            %lt3A_389 = vector.broadcast %lt3A_388 : i32 to vector<16xi32>
            %lt3A_390 = arith.cmpi slt, %get3A_387, %lt3A_389 : vector<16xi32>
            %gather3A_391 = tpu.vector_load_idx %run_scoped3A[%get3A_387, %broadcast_in_dim3A, %add3A_28] masked %lt3A_390 : memref<49x8x96xf32, #tpu.memory_space<vmem>>[vector<16xi32>, vector<16xi32>, vector<16xi32>], vector<16xf32>, vector<16xi1>
            %swap3A_392 = arith.index_cast %shift_right_arithmetic3A_336 : i32 to index
            %swap3A_393 = arith.index_cast %and3A_338 : i32 to index
            %swap3A_394 = arith.constant 64 : index
            %swap3A_395 = tpu.vector_load %run_scoped3A_10[%swap3A_392, %swap3A_393, %swap3A_394] {strides = array<i32>} : memref<9x8x96xf32, #tpu.memory_space<vmem>>, vector<16xf32>,
            tpu.vector_store %run_scoped3A_10[%swap3A_392, %swap3A_393, %swap3A_394], %gather3A_391 {strides = array<i32>} : memref<9x8x96xf32, #tpu.memory_space<vmem>>, vector<16xf32>,
            %get3A_396 = arith.index_cast %shift_right_arithmetic3A_336 : i32 to index
            %get3A_397 = arith.index_cast %and3A_338 : i32 to index
            %get3A_398 = arith.constant 80 : index
            %get3A_399 = tpu.vector_load %run_scoped3A_9[%get3A_396, %get3A_397, %get3A_398] {strides = array<i32>} : memref<9x8x96xi32, #tpu.memory_space<vmem>>, vector<16xi32>,
            %lt3A_400 = arith.constant 49 : i32
            %lt3A_401 = vector.broadcast %lt3A_400 : i32 to vector<16xi32>
            %lt3A_402 = arith.cmpi slt, %get3A_399, %lt3A_401 : vector<16xi32>
            %gather3A_403 = tpu.vector_load_idx %run_scoped3A[%get3A_399, %broadcast_in_dim3A, %add3A_31] masked %lt3A_402 : memref<49x8x96xf32, #tpu.memory_space<vmem>>[vector<16xi32>, vector<16xi32>, vector<16xi32>], vector<16xf32>, vector<16xi1>
            %swap3A_404 = arith.index_cast %shift_right_arithmetic3A_336 : i32 to index
            %swap3A_405 = arith.index_cast %and3A_338 : i32 to index
            %swap3A_406 = arith.constant 80 : index
            %swap3A_407 = tpu.vector_load %run_scoped3A_10[%swap3A_404, %swap3A_405, %swap3A_406] {strides = array<i32>} : memref<9x8x96xf32, #tpu.memory_space<vmem>>, vector<16xf32>,
            tpu.vector_store %run_scoped3A_10[%swap3A_404, %swap3A_405, %swap3A_406], %gather3A_403 {strides = array<i32>} : memref<9x8x96xf32, #tpu.memory_space<vmem>>, vector<16xf32>,
          }
          %scan3A_254 = arith.constant 72 : i32
          %dma_start3A_255 = arith.constant 98 : i32
          %dma_start3A_256 = arith.constant 128 : i32
          %dma_start3A_257 = tpu.memref_slice %arg2[%select_n3A_170, %dma_start3A_255, %mul3A_188, %dma_start3A_256] : memref<4x196x224x224xf32, #tpu.memory_space<hbm>> -> memref<1x49x8x96xf32, #tpu.memory_space<hbm>>
          %dma_start3A_258 = tpu.memref_squeeze %dma_start3A_257 : memref<1x49x8x96xf32, #tpu.memory_space<hbm>> -> memref<49x8x96xf32, #tpu.memory_space<hbm>>
          %dma_start3A_259 = arith.constant 98 : i32
          %dma_start3A_260 = arith.constant 128 : i32
          %dma_start3A_261 = tpu.memref_slice %arg2[%select_n3A_170, %dma_start3A_259, %mul3A_188, %dma_start3A_260] : memref<4x196x224x224xf32, #tpu.memory_space<hbm>> -> memref<1x49x8x96xf32, #tpu.memory_space<hbm>>
          %dma_start3A_262 = tpu.memref_squeeze %dma_start3A_261 : memref<1x49x8x96xf32, #tpu.memory_space<hbm>> -> memref<49x8x96xf32, #tpu.memory_space<hbm>>
          tpu.enqueue_dma source(%dma_start3A_262 : memref<49x8x96xf32, #tpu.memory_space<hbm>>) target(%run_scoped3A : memref<49x8x96xf32, #tpu.memory_space<vmem>>) target_semaphore(%run_scoped3A_11 : memref<!tpu.dma_semaphore, #tpu.memory_space<semaphore_mem>>)
          %dma_wait3A_263 = arith.constant 49 : i32
          %dma_wait3A_264 = arith.constant 128 : i32
          %dma_wait3A_265 = tpu.memref_slice %arg2[%select_n3A_170, %dma_wait3A_263, %mul3A_188, %dma_wait3A_264] : memref<4x196x224x224xf32, #tpu.memory_space<hbm>> -> memref<1x49x8x96xf32, #tpu.memory_space<hbm>>
          %dma_wait3A_266 = tpu.memref_squeeze %dma_wait3A_265 : memref<1x49x8x96xf32, #tpu.memory_space<hbm>> -> memref<49x8x96xf32, #tpu.memory_space<hbm>>
          %dma_wait3A_267 = arith.constant 49 : i32
          %dma_wait3A_268 = arith.constant 128 : i32
          %dma_wait3A_269 = tpu.memref_slice %arg2[%select_n3A_170, %dma_wait3A_267, %mul3A_188, %dma_wait3A_268] : memref<4x196x224x224xf32, #tpu.memory_space<hbm>> -> memref<1x49x8x96xf32, #tpu.memory_space<hbm>>
          %dma_wait3A_270 = tpu.memref_squeeze %dma_wait3A_269 : memref<1x49x8x96xf32, #tpu.memory_space<hbm>> -> memref<49x8x96xf32, #tpu.memory_space<hbm>>
          tpu.wait_dma2 semaphore(%run_scoped3A_12 : memref<!tpu.dma_semaphore, #tpu.memory_space<semaphore_mem>>) src(%dma_wait3A_270 : memref<49x8x96xf32, #tpu.memory_space<hbm>>) dst(%run_scoped3A_8 : memref<49x8x96xf32, #tpu.memory_space<vmem>>)
          %scan3A_271 = arith.constant 0 : i32
          %scan3A_272 = arith.constant 0 : i32
          %scan3A_273 = arith.constant 72 : i32
          %scan3A_274 = arith.addi %scan3A_272, %scan3A_273 : i32
          %scan3A_275 = arith.constant 1 : i32
          scf.for %scan3A_335 = %scan3A_272 to %scan3A_274 step %scan3A_275  : i32 {
            %shift_right_arithmetic3A = arith.constant 3 : i32
            %shift_right_arithmetic3A_336 = arith.shrsi %scan3A_335, %shift_right_arithmetic3A : i32
            %and3A_337 = arith.constant 7 : i32
            %and3A_338 = arith.andi %scan3A_335, %and3A_337 : i32
            %broadcast_in_dim3A = vector.broadcast %and3A_338 : i32 to vector<16xi32>
            %get3A = arith.index_cast %shift_right_arithmetic3A_336 : i32 to index
            %get3A_339 = arith.index_cast %and3A_338 : i32 to index
            %get3A_340 = arith.constant 0 : index
            %get3A_341 = tpu.vector_load %run_scoped3A_9[%get3A, %get3A_339, %get3A_340] {strides = array<i32>} : memref<9x8x96xi32, #tpu.memory_space<vmem>>, vector<16xi32>,
            %sub3A_342 = arith.constant 49 : i32
            %sub3A_343 = vector.broadcast %sub3A_342 : i32 to vector<16xi32>
            %sub3A_344 = arith.subi %get3A_341, %sub3A_343 : vector<16xi32>
            %ge3A_345 = arith.constant 0 : i32
            %ge3A_346 = vector.broadcast %ge3A_345 : i32 to vector<16xi32>
            %ge3A_347 = arith.cmpi sge, %sub3A_344, %ge3A_346 : vector<16xi32>
            %lt3A_348 = arith.constant 49 : i32
            %lt3A_349 = vector.broadcast %lt3A_348 : i32 to vector<16xi32>
            %lt3A_350 = arith.cmpi slt, %sub3A_344, %lt3A_349 : vector<16xi32>
            %and3A_351 = arith.andi %ge3A_347, %lt3A_350 : vector<16xi1>
            %gather3A = tpu.vector_load_idx %run_scoped3A_8[%sub3A_344, %broadcast_in_dim3A, %add3A_16] masked %and3A_351 : memref<49x8x96xf32, #tpu.memory_space<vmem>>[vector<16xi32>, vector<16xi32>, vector<16xi32>], vector<16xf32>, vector<16xi1>
            %swap3A = arith.index_cast %shift_right_arithmetic3A_336 : i32 to index
            %swap3A_352 = arith.index_cast %and3A_338 : i32 to index
            %swap3A_353 = arith.constant 0 : index
            %swap3A_354 = tpu.vector_load %run_scoped3A_10[%swap3A, %swap3A_352, %swap3A_353] {strides = array<i32>} : memref<9x8x96xf32, #tpu.memory_space<vmem>>, vector<16xf32>,
            tpu.vector_store %run_scoped3A_10[%swap3A, %swap3A_352, %swap3A_353], %gather3A {add = true, strides = array<i32>} : memref<9x8x96xf32, #tpu.memory_space<vmem>>, vector<16xf32>,
            %get3A_355 = arith.index_cast %shift_right_arithmetic3A_336 : i32 to index
            %get3A_356 = arith.index_cast %and3A_338 : i32 to index
            %get3A_357 = arith.constant 16 : index
            %get3A_358 = tpu.vector_load %run_scoped3A_9[%get3A_355, %get3A_356, %get3A_357] {strides = array<i32>} : memref<9x8x96xi32, #tpu.memory_space<vmem>>, vector<16xi32>,
            %sub3A_359 = arith.constant 49 : i32
            %sub3A_360 = vector.broadcast %sub3A_359 : i32 to vector<16xi32>
            %sub3A_361 = arith.subi %get3A_358, %sub3A_360 : vector<16xi32>
            %ge3A_362 = arith.constant 0 : i32
            %ge3A_363 = vector.broadcast %ge3A_362 : i32 to vector<16xi32>
            %ge3A_364 = arith.cmpi sge, %sub3A_361, %ge3A_363 : vector<16xi32>
            %lt3A_365 = arith.constant 49 : i32
            %lt3A_366 = vector.broadcast %lt3A_365 : i32 to vector<16xi32>
            %lt3A_367 = arith.cmpi slt, %sub3A_361, %lt3A_366 : vector<16xi32>
            %and3A_368 = arith.andi %ge3A_364, %lt3A_367 : vector<16xi1>
            %gather3A_369 = tpu.vector_load_idx %run_scoped3A_8[%sub3A_361, %broadcast_in_dim3A, %add3A_19] masked %and3A_368 : memref<49x8x96xf32, #tpu.memory_space<vmem>>[vector<16xi32>, vector<16xi32>, vector<16xi32>], vector<16xf32>, vector<16xi1>
            %swap3A_370 = arith.index_cast %shift_right_arithmetic3A_336 : i32 to index
            %swap3A_371 = arith.index_cast %and3A_338 : i32 to index
            %swap3A_372 = arith.constant 16 : index
            %swap3A_373 = tpu.vector_load %run_scoped3A_10[%swap3A_370, %swap3A_371, %swap3A_372] {strides = array<i32>} : memref<9x8x96xf32, #tpu.memory_space<vmem>>, vector<16xf32>,
            tpu.vector_store %run_scoped3A_10[%swap3A_370, %swap3A_371, %swap3A_372], %gather3A_369 {add = true, strides = array<i32>} : memref<9x8x96xf32, #tpu.memory_space<vmem>>, vector<16xf32>,
            %get3A_374 = arith.index_cast %shift_right_arithmetic3A_336 : i32 to index
            %get3A_375 = arith.index_cast %and3A_338 : i32 to index
            %get3A_376 = arith.constant 32 : index
            %get3A_377 = tpu.vector_load %run_scoped3A_9[%get3A_374, %get3A_375, %get3A_376] {strides = array<i32>} : memref<9x8x96xi32, #tpu.memory_space<vmem>>, vector<16xi32>,
            %sub3A_378 = arith.constant 49 : i32
            %sub3A_379 = vector.broadcast %sub3A_378 : i32 to vector<16xi32>
            %sub3A_380 = arith.subi %get3A_377, %sub3A_379 : vector<16xi32>
            %ge3A_381 = arith.constant 0 : i32
            %ge3A_382 = vector.broadcast %ge3A_381 : i32 to vector<16xi32>
            %ge3A_383 = arith.cmpi sge, %sub3A_380, %ge3A_382 : vector<16xi32>
            %lt3A_384 = arith.constant 49 : i32
            %lt3A_385 = vector.broadcast %lt3A_384 : i32 to vector<16xi32>
            %lt3A_386 = arith.cmpi slt, %sub3A_380, %lt3A_385 : vector<16xi32>
            %and3A_387 = arith.andi %ge3A_383, %lt3A_386 : vector<16xi1>
            %gather3A_388 = tpu.vector_load_idx %run_scoped3A_8[%sub3A_380, %broadcast_in_dim3A, %add3A_22] masked %and3A_387 : memref<49x8x96xf32, #tpu.memory_space<vmem>>[vector<16xi32>, vector<16xi32>, vector<16xi32>], vector<16xf32>, vector<16xi1>
            %swap3A_389 = arith.index_cast %shift_right_arithmetic3A_336 : i32 to index
            %swap3A_390 = arith.index_cast %and3A_338 : i32 to index
            %swap3A_391 = arith.constant 32 : index
            %swap3A_392 = tpu.vector_load %run_scoped3A_10[%swap3A_389, %swap3A_390, %swap3A_391] {strides = array<i32>} : memref<9x8x96xf32, #tpu.memory_space<vmem>>, vector<16xf32>,
            tpu.vector_store %run_scoped3A_10[%swap3A_389, %swap3A_390, %swap3A_391], %gather3A_388 {add = true, strides = array<i32>} : memref<9x8x96xf32, #tpu.memory_space<vmem>>, vector<16xf32>,
            %get3A_393 = arith.index_cast %shift_right_arithmetic3A_336 : i32 to index
            %get3A_394 = arith.index_cast %and3A_338 : i32 to index
            %get3A_395 = arith.constant 48 : index
            %get3A_396 = tpu.vector_load %run_scoped3A_9[%get3A_393, %get3A_394, %get3A_395] {strides = array<i32>} : memref<9x8x96xi32, #tpu.memory_space<vmem>>, vector<16xi32>,
            %sub3A_397 = arith.constant 49 : i32
            %sub3A_398 = vector.broadcast %sub3A_397 : i32 to vector<16xi32>
            %sub3A_399 = arith.subi %get3A_396, %sub3A_398 : vector<16xi32>
            %ge3A_400 = arith.constant 0 : i32
            %ge3A_401 = vector.broadcast %ge3A_400 : i32 to vector<16xi32>
            %ge3A_402 = arith.cmpi sge, %sub3A_399, %ge3A_401 : vector<16xi32>
            %lt3A_403 = arith.constant 49 : i32
            %lt3A_404 = vector.broadcast %lt3A_403 : i32 to vector<16xi32>
            %lt3A_405 = arith.cmpi slt, %sub3A_399, %lt3A_404 : vector<16xi32>
            %and3A_406 = arith.andi %ge3A_402, %lt3A_405 : vector<16xi1>
            %gather3A_407 = tpu.vector_load_idx %run_scoped3A_8[%sub3A_399, %broadcast_in_dim3A, %add3A_25] masked %and3A_406 : memref<49x8x96xf32, #tpu.memory_space<vmem>>[vector<16xi32>, vector<16xi32>, vector<16xi32>], vector<16xf32>, vector<16xi1>
            %swap3A_408 = arith.index_cast %shift_right_arithmetic3A_336 : i32 to index
            %swap3A_409 = arith.index_cast %and3A_338 : i32 to index
            %swap3A_410 = arith.constant 48 : index
            %swap3A_411 = tpu.vector_load %run_scoped3A_10[%swap3A_408, %swap3A_409, %swap3A_410] {strides = array<i32>} : memref<9x8x96xf32, #tpu.memory_space<vmem>>, vector<16xf32>,
            tpu.vector_store %run_scoped3A_10[%swap3A_408, %swap3A_409, %swap3A_410], %gather3A_407 {add = true, strides = array<i32>} : memref<9x8x96xf32, #tpu.memory_space<vmem>>, vector<16xf32>,
            %get3A_412 = arith.index_cast %shift_right_arithmetic3A_336 : i32 to index
            %get3A_413 = arith.index_cast %and3A_338 : i32 to index
            %get3A_414 = arith.constant 64 : index
            %get3A_415 = tpu.vector_load %run_scoped3A_9[%get3A_412, %get3A_413, %get3A_414] {strides = array<i32>} : memref<9x8x96xi32, #tpu.memory_space<vmem>>, vector<16xi32>,
            %sub3A_416 = arith.constant 49 : i32
            %sub3A_417 = vector.broadcast %sub3A_416 : i32 to vector<16xi32>
            %sub3A_418 = arith.subi %get3A_415, %sub3A_417 : vector<16xi32>
            %ge3A_419 = arith.constant 0 : i32
            %ge3A_420 = vector.broadcast %ge3A_419 : i32 to vector<16xi32>
            %ge3A_421 = arith.cmpi sge, %sub3A_418, %ge3A_420 : vector<16xi32>
            %lt3A_422 = arith.constant 49 : i32
            %lt3A_423 = vector.broadcast %lt3A_422 : i32 to vector<16xi32>
            %lt3A_424 = arith.cmpi slt, %sub3A_418, %lt3A_423 : vector<16xi32>
            %and3A_425 = arith.andi %ge3A_421, %lt3A_424 : vector<16xi1>
            %gather3A_426 = tpu.vector_load_idx %run_scoped3A_8[%sub3A_418, %broadcast_in_dim3A, %add3A_28] masked %and3A_425 : memref<49x8x96xf32, #tpu.memory_space<vmem>>[vector<16xi32>, vector<16xi32>, vector<16xi32>], vector<16xf32>, vector<16xi1>
            %swap3A_427 = arith.index_cast %shift_right_arithmetic3A_336 : i32 to index
            %swap3A_428 = arith.index_cast %and3A_338 : i32 to index
            %swap3A_429 = arith.constant 64 : index
            %swap3A_430 = tpu.vector_load %run_scoped3A_10[%swap3A_427, %swap3A_428, %swap3A_429] {strides = array<i32>} : memref<9x8x96xf32, #tpu.memory_space<vmem>>, vector<16xf32>,
            tpu.vector_store %run_scoped3A_10[%swap3A_427, %swap3A_428, %swap3A_429], %gather3A_426 {add = true, strides = array<i32>} : memref<9x8x96xf32, #tpu.memory_space<vmem>>, vector<16xf32>,
            %get3A_431 = arith.index_cast %shift_right_arithmetic3A_336 : i32 to index
            %get3A_432 = arith.index_cast %and3A_338 : i32 to index
            %get3A_433 = arith.constant 80 : index
            %get3A_434 = tpu.vector_load %run_scoped3A_9[%get3A_431, %get3A_432, %get3A_433] {strides = array<i32>} : memref<9x8x96xi32, #tpu.memory_space<vmem>>, vector<16xi32>,
            %sub3A_435 = arith.constant 49 : i32
            %sub3A_436 = vector.broadcast %sub3A_435 : i32 to vector<16xi32>
            %sub3A_437 = arith.subi %get3A_434, %sub3A_436 : vector<16xi32>
            %ge3A_438 = arith.constant 0 : i32
            %ge3A_439 = vector.broadcast %ge3A_438 : i32 to vector<16xi32>
            %ge3A_440 = arith.cmpi sge, %sub3A_437, %ge3A_439 : vector<16xi32>
            %lt3A_441 = arith.constant 49 : i32
            %lt3A_442 = vector.broadcast %lt3A_441 : i32 to vector<16xi32>
            %lt3A_443 = arith.cmpi slt, %sub3A_437, %lt3A_442 : vector<16xi32>
            %and3A_444 = arith.andi %ge3A_440, %lt3A_443 : vector<16xi1>
            %gather3A_445 = tpu.vector_load_idx %run_scoped3A_8[%sub3A_437, %broadcast_in_dim3A, %add3A_31] masked %and3A_444 : memref<49x8x96xf32, #tpu.memory_space<vmem>>[vector<16xi32>, vector<16xi32>, vector<16xi32>], vector<16xf32>, vector<16xi1>
            %swap3A_446 = arith.index_cast %shift_right_arithmetic3A_336 : i32 to index
            %swap3A_447 = arith.index_cast %and3A_338 : i32 to index
            %swap3A_448 = arith.constant 80 : index
            %swap3A_449 = tpu.vector_load %run_scoped3A_10[%swap3A_446, %swap3A_447, %swap3A_448] {strides = array<i32>} : memref<9x8x96xf32, #tpu.memory_space<vmem>>, vector<16xf32>,
            tpu.vector_store %run_scoped3A_10[%swap3A_446, %swap3A_447, %swap3A_448], %gather3A_445 {add = true, strides = array<i32>} : memref<9x8x96xf32, #tpu.memory_space<vmem>>, vector<16xf32>,
          }
          %scan3A_276 = arith.constant 72 : i32
          %dma_start3A_277 = arith.constant 147 : i32
          %dma_start3A_278 = arith.constant 128 : i32
          %dma_start3A_279 = tpu.memref_slice %arg2[%select_n3A_170, %dma_start3A_277, %mul3A_188, %dma_start3A_278] : memref<4x196x224x224xf32, #tpu.memory_space<hbm>> -> memref<1x49x8x96xf32, #tpu.memory_space<hbm>>
          %dma_start3A_280 = tpu.memref_squeeze %dma_start3A_279 : memref<1x49x8x96xf32, #tpu.memory_space<hbm>> -> memref<49x8x96xf32, #tpu.memory_space<hbm>>
          %dma_start3A_281 = arith.constant 147 : i32
          %dma_start3A_282 = arith.constant 128 : i32
          %dma_start3A_283 = tpu.memref_slice %arg2[%select_n3A_170, %dma_start3A_281, %mul3A_188, %dma_start3A_282] : memref<4x196x224x224xf32, #tpu.memory_space<hbm>> -> memref<1x49x8x96xf32, #tpu.memory_space<hbm>>
          %dma_start3A_284 = tpu.memref_squeeze %dma_start3A_283 : memref<1x49x8x96xf32, #tpu.memory_space<hbm>> -> memref<49x8x96xf32, #tpu.memory_space<hbm>>
          tpu.enqueue_dma source(%dma_start3A_284 : memref<49x8x96xf32, #tpu.memory_space<hbm>>) target(%run_scoped3A_8 : memref<49x8x96xf32, #tpu.memory_space<vmem>>) target_semaphore(%run_scoped3A_12 : memref<!tpu.dma_semaphore, #tpu.memory_space<semaphore_mem>>)
          %dma_wait3A_285 = arith.constant 98 : i32
          %dma_wait3A_286 = arith.constant 128 : i32
          %dma_wait3A_287 = tpu.memref_slice %arg2[%select_n3A_170, %dma_wait3A_285, %mul3A_188, %dma_wait3A_286] : memref<4x196x224x224xf32, #tpu.memory_space<hbm>> -> memref<1x49x8x96xf32, #tpu.memory_space<hbm>>
          %dma_wait3A_288 = tpu.memref_squeeze %dma_wait3A_287 : memref<1x49x8x96xf32, #tpu.memory_space<hbm>> -> memref<49x8x96xf32, #tpu.memory_space<hbm>>
          %dma_wait3A_289 = arith.constant 98 : i32
          %dma_wait3A_290 = arith.constant 128 : i32
          %dma_wait3A_291 = tpu.memref_slice %arg2[%select_n3A_170, %dma_wait3A_289, %mul3A_188, %dma_wait3A_290] : memref<4x196x224x224xf32, #tpu.memory_space<hbm>> -> memref<1x49x8x96xf32, #tpu.memory_space<hbm>>
          %dma_wait3A_292 = tpu.memref_squeeze %dma_wait3A_291 : memref<1x49x8x96xf32, #tpu.memory_space<hbm>> -> memref<49x8x96xf32, #tpu.memory_space<hbm>>
          tpu.wait_dma2 semaphore(%run_scoped3A_11 : memref<!tpu.dma_semaphore, #tpu.memory_space<semaphore_mem>>) src(%dma_wait3A_292 : memref<49x8x96xf32, #tpu.memory_space<hbm>>) dst(%run_scoped3A : memref<49x8x96xf32, #tpu.memory_space<vmem>>)
          %scan3A_293 = arith.constant 0 : i32
          %scan3A_294 = arith.constant 0 : i32
          %scan3A_295 = arith.constant 72 : i32
          %scan3A_296 = arith.addi %scan3A_294, %scan3A_295 : i32
          %scan3A_297 = arith.constant 1 : i32
          scf.for %scan3A_335 = %scan3A_294 to %scan3A_296 step %scan3A_297  : i32 {
            %shift_right_arithmetic3A = arith.constant 3 : i32
            %shift_right_arithmetic3A_336 = arith.shrsi %scan3A_335, %shift_right_arithmetic3A : i32
            %and3A_337 = arith.constant 7 : i32
            %and3A_338 = arith.andi %scan3A_335, %and3A_337 : i32
            %broadcast_in_dim3A = vector.broadcast %and3A_338 : i32 to vector<16xi32>
            %get3A = arith.index_cast %shift_right_arithmetic3A_336 : i32 to index
            %get3A_339 = arith.index_cast %and3A_338 : i32 to index
            %get3A_340 = arith.constant 0 : index
            %get3A_341 = tpu.vector_load %run_scoped3A_9[%get3A, %get3A_339, %get3A_340] {strides = array<i32>} : memref<9x8x96xi32, #tpu.memory_space<vmem>>, vector<16xi32>,
            %sub3A_342 = arith.constant 98 : i32
            %sub3A_343 = vector.broadcast %sub3A_342 : i32 to vector<16xi32>
            %sub3A_344 = arith.subi %get3A_341, %sub3A_343 : vector<16xi32>
            %ge3A_345 = arith.constant 0 : i32
            %ge3A_346 = vector.broadcast %ge3A_345 : i32 to vector<16xi32>
            %ge3A_347 = arith.cmpi sge, %sub3A_344, %ge3A_346 : vector<16xi32>
            %lt3A_348 = arith.constant 49 : i32
            %lt3A_349 = vector.broadcast %lt3A_348 : i32 to vector<16xi32>
            %lt3A_350 = arith.cmpi slt, %sub3A_344, %lt3A_349 : vector<16xi32>
            %and3A_351 = arith.andi %ge3A_347, %lt3A_350 : vector<16xi1>
            %gather3A = tpu.vector_load_idx %run_scoped3A[%sub3A_344, %broadcast_in_dim3A, %add3A_16] masked %and3A_351 : memref<49x8x96xf32, #tpu.memory_space<vmem>>[vector<16xi32>, vector<16xi32>, vector<16xi32>], vector<16xf32>, vector<16xi1>
            %swap3A = arith.index_cast %shift_right_arithmetic3A_336 : i32 to index
            %swap3A_352 = arith.index_cast %and3A_338 : i32 to index
            %swap3A_353 = arith.constant 0 : index
            %swap3A_354 = tpu.vector_load %run_scoped3A_10[%swap3A, %swap3A_352, %swap3A_353] {strides = array<i32>} : memref<9x8x96xf32, #tpu.memory_space<vmem>>, vector<16xf32>,
            tpu.vector_store %run_scoped3A_10[%swap3A, %swap3A_352, %swap3A_353], %gather3A {add = true, strides = array<i32>} : memref<9x8x96xf32, #tpu.memory_space<vmem>>, vector<16xf32>,
            %get3A_355 = arith.index_cast %shift_right_arithmetic3A_336 : i32 to index
            %get3A_356 = arith.index_cast %and3A_338 : i32 to index
            %get3A_357 = arith.constant 16 : index
            %get3A_358 = tpu.vector_load %run_scoped3A_9[%get3A_355, %get3A_356, %get3A_357] {strides = array<i32>} : memref<9x8x96xi32, #tpu.memory_space<vmem>>, vector<16xi32>,
            %sub3A_359 = arith.constant 98 : i32
            %sub3A_360 = vector.broadcast %sub3A_359 : i32 to vector<16xi32>
            %sub3A_361 = arith.subi %get3A_358, %sub3A_360 : vector<16xi32>
            %ge3A_362 = arith.constant 0 : i32
            %ge3A_363 = vector.broadcast %ge3A_362 : i32 to vector<16xi32>
            %ge3A_364 = arith.cmpi sge, %sub3A_361, %ge3A_363 : vector<16xi32>
            %lt3A_365 = arith.constant 49 : i32
            %lt3A_366 = vector.broadcast %lt3A_365 : i32 to vector<16xi32>
            %lt3A_367 = arith.cmpi slt, %sub3A_361, %lt3A_366 : vector<16xi32>
            %and3A_368 = arith.andi %ge3A_364, %lt3A_367 : vector<16xi1>
            %gather3A_369 = tpu.vector_load_idx %run_scoped3A[%sub3A_361, %broadcast_in_dim3A, %add3A_19] masked %and3A_368 : memref<49x8x96xf32, #tpu.memory_space<vmem>>[vector<16xi32>, vector<16xi32>, vector<16xi32>], vector<16xf32>, vector<16xi1>
            %swap3A_370 = arith.index_cast %shift_right_arithmetic3A_336 : i32 to index
            %swap3A_371 = arith.index_cast %and3A_338 : i32 to index
            %swap3A_372 = arith.constant 16 : index
            %swap3A_373 = tpu.vector_load %run_scoped3A_10[%swap3A_370, %swap3A_371, %swap3A_372] {strides = array<i32>} : memref<9x8x96xf32, #tpu.memory_space<vmem>>, vector<16xf32>,
            tpu.vector_store %run_scoped3A_10[%swap3A_370, %swap3A_371, %swap3A_372], %gather3A_369 {add = true, strides = array<i32>} : memref<9x8x96xf32, #tpu.memory_space<vmem>>, vector<16xf32>,
            %get3A_374 = arith.index_cast %shift_right_arithmetic3A_336 : i32 to index
            %get3A_375 = arith.index_cast %and3A_338 : i32 to index
            %get3A_376 = arith.constant 32 : index
            %get3A_377 = tpu.vector_load %run_scoped3A_9[%get3A_374, %get3A_375, %get3A_376] {strides = array<i32>} : memref<9x8x96xi32, #tpu.memory_space<vmem>>, vector<16xi32>,
            %sub3A_378 = arith.constant 98 : i32
            %sub3A_379 = vector.broadcast %sub3A_378 : i32 to vector<16xi32>
            %sub3A_380 = arith.subi %get3A_377, %sub3A_379 : vector<16xi32>
            %ge3A_381 = arith.constant 0 : i32
            %ge3A_382 = vector.broadcast %ge3A_381 : i32 to vector<16xi32>
            %ge3A_383 = arith.cmpi sge, %sub3A_380, %ge3A_382 : vector<16xi32>
            %lt3A_384 = arith.constant 49 : i32
            %lt3A_385 = vector.broadcast %lt3A_384 : i32 to vector<16xi32>
            %lt3A_386 = arith.cmpi slt, %sub3A_380, %lt3A_385 : vector<16xi32>
            %and3A_387 = arith.andi %ge3A_383, %lt3A_386 : vector<16xi1>
            %gather3A_388 = tpu.vector_load_idx %run_scoped3A[%sub3A_380, %broadcast_in_dim3A, %add3A_22] masked %and3A_387 : memref<49x8x96xf32, #tpu.memory_space<vmem>>[vector<16xi32>, vector<16xi32>, vector<16xi32>], vector<16xf32>, vector<16xi1>
            %swap3A_389 = arith.index_cast %shift_right_arithmetic3A_336 : i32 to index
            %swap3A_390 = arith.index_cast %and3A_338 : i32 to index
            %swap3A_391 = arith.constant 32 : index
            %swap3A_392 = tpu.vector_load %run_scoped3A_10[%swap3A_389, %swap3A_390, %swap3A_391] {strides = array<i32>} : memref<9x8x96xf32, #tpu.memory_space<vmem>>, vector<16xf32>,
            tpu.vector_store %run_scoped3A_10[%swap3A_389, %swap3A_390, %swap3A_391], %gather3A_388 {add = true, strides = array<i32>} : memref<9x8x96xf32, #tpu.memory_space<vmem>>, vector<16xf32>,
            %get3A_393 = arith.index_cast %shift_right_arithmetic3A_336 : i32 to index
            %get3A_394 = arith.index_cast %and3A_338 : i32 to index
            %get3A_395 = arith.constant 48 : index
            %get3A_396 = tpu.vector_load %run_scoped3A_9[%get3A_393, %get3A_394, %get3A_395] {strides = array<i32>} : memref<9x8x96xi32, #tpu.memory_space<vmem>>, vector<16xi32>,
            %sub3A_397 = arith.constant 98 : i32
            %sub3A_398 = vector.broadcast %sub3A_397 : i32 to vector<16xi32>
            %sub3A_399 = arith.subi %get3A_396, %sub3A_398 : vector<16xi32>
            %ge3A_400 = arith.constant 0 : i32
            %ge3A_401 = vector.broadcast %ge3A_400 : i32 to vector<16xi32>
            %ge3A_402 = arith.cmpi sge, %sub3A_399, %ge3A_401 : vector<16xi32>
            %lt3A_403 = arith.constant 49 : i32
            %lt3A_404 = vector.broadcast %lt3A_403 : i32 to vector<16xi32>
            %lt3A_405 = arith.cmpi slt, %sub3A_399, %lt3A_404 : vector<16xi32>
            %and3A_406 = arith.andi %ge3A_402, %lt3A_405 : vector<16xi1>
            %gather3A_407 = tpu.vector_load_idx %run_scoped3A[%sub3A_399, %broadcast_in_dim3A, %add3A_25] masked %and3A_406 : memref<49x8x96xf32, #tpu.memory_space<vmem>>[vector<16xi32>, vector<16xi32>, vector<16xi32>], vector<16xf32>, vector<16xi1>
            %swap3A_408 = arith.index_cast %shift_right_arithmetic3A_336 : i32 to index
            %swap3A_409 = arith.index_cast %and3A_338 : i32 to index
            %swap3A_410 = arith.constant 48 : index
            %swap3A_411 = tpu.vector_load %run_scoped3A_10[%swap3A_408, %swap3A_409, %swap3A_410] {strides = array<i32>} : memref<9x8x96xf32, #tpu.memory_space<vmem>>, vector<16xf32>,
            tpu.vector_store %run_scoped3A_10[%swap3A_408, %swap3A_409, %swap3A_410], %gather3A_407 {add = true, strides = array<i32>} : memref<9x8x96xf32, #tpu.memory_space<vmem>>, vector<16xf32>,
            %get3A_412 = arith.index_cast %shift_right_arithmetic3A_336 : i32 to index
            %get3A_413 = arith.index_cast %and3A_338 : i32 to index
            %get3A_414 = arith.constant 64 : index
            %get3A_415 = tpu.vector_load %run_scoped3A_9[%get3A_412, %get3A_413, %get3A_414] {strides = array<i32>} : memref<9x8x96xi32, #tpu.memory_space<vmem>>, vector<16xi32>,
            %sub3A_416 = arith.constant 98 : i32
            %sub3A_417 = vector.broadcast %sub3A_416 : i32 to vector<16xi32>
            %sub3A_418 = arith.subi %get3A_415, %sub3A_417 : vector<16xi32>
            %ge3A_419 = arith.constant 0 : i32
            %ge3A_420 = vector.broadcast %ge3A_419 : i32 to vector<16xi32>
            %ge3A_421 = arith.cmpi sge, %sub3A_418, %ge3A_420 : vector<16xi32>
            %lt3A_422 = arith.constant 49 : i32
            %lt3A_423 = vector.broadcast %lt3A_422 : i32 to vector<16xi32>
            %lt3A_424 = arith.cmpi slt, %sub3A_418, %lt3A_423 : vector<16xi32>
            %and3A_425 = arith.andi %ge3A_421, %lt3A_424 : vector<16xi1>
            %gather3A_426 = tpu.vector_load_idx %run_scoped3A[%sub3A_418, %broadcast_in_dim3A, %add3A_28] masked %and3A_425 : memref<49x8x96xf32, #tpu.memory_space<vmem>>[vector<16xi32>, vector<16xi32>, vector<16xi32>], vector<16xf32>, vector<16xi1>
            %swap3A_427 = arith.index_cast %shift_right_arithmetic3A_336 : i32 to index
            %swap3A_428 = arith.index_cast %and3A_338 : i32 to index
            %swap3A_429 = arith.constant 64 : index
            %swap3A_430 = tpu.vector_load %run_scoped3A_10[%swap3A_427, %swap3A_428, %swap3A_429] {strides = array<i32>} : memref<9x8x96xf32, #tpu.memory_space<vmem>>, vector<16xf32>,
            tpu.vector_store %run_scoped3A_10[%swap3A_427, %swap3A_428, %swap3A_429], %gather3A_426 {add = true, strides = array<i32>} : memref<9x8x96xf32, #tpu.memory_space<vmem>>, vector<16xf32>,
            %get3A_431 = arith.index_cast %shift_right_arithmetic3A_336 : i32 to index
            %get3A_432 = arith.index_cast %and3A_338 : i32 to index
            %get3A_433 = arith.constant 80 : index
            %get3A_434 = tpu.vector_load %run_scoped3A_9[%get3A_431, %get3A_432, %get3A_433] {strides = array<i32>} : memref<9x8x96xi32, #tpu.memory_space<vmem>>, vector<16xi32>,
            %sub3A_435 = arith.constant 98 : i32
            %sub3A_436 = vector.broadcast %sub3A_435 : i32 to vector<16xi32>
            %sub3A_437 = arith.subi %get3A_434, %sub3A_436 : vector<16xi32>
            %ge3A_438 = arith.constant 0 : i32
            %ge3A_439 = vector.broadcast %ge3A_438 : i32 to vector<16xi32>
            %ge3A_440 = arith.cmpi sge, %sub3A_437, %ge3A_439 : vector<16xi32>
            %lt3A_441 = arith.constant 49 : i32
            %lt3A_442 = vector.broadcast %lt3A_441 : i32 to vector<16xi32>
            %lt3A_443 = arith.cmpi slt, %sub3A_437, %lt3A_442 : vector<16xi32>
            %and3A_444 = arith.andi %ge3A_440, %lt3A_443 : vector<16xi1>
            %gather3A_445 = tpu.vector_load_idx %run_scoped3A[%sub3A_437, %broadcast_in_dim3A, %add3A_31] masked %and3A_444 : memref<49x8x96xf32, #tpu.memory_space<vmem>>[vector<16xi32>, vector<16xi32>, vector<16xi32>], vector<16xf32>, vector<16xi1>
            %swap3A_446 = arith.index_cast %shift_right_arithmetic3A_336 : i32 to index
            %swap3A_447 = arith.index_cast %and3A_338 : i32 to index
            %swap3A_448 = arith.constant 80 : index
            %swap3A_449 = tpu.vector_load %run_scoped3A_10[%swap3A_446, %swap3A_447, %swap3A_448] {strides = array<i32>} : memref<9x8x96xf32, #tpu.memory_space<vmem>>, vector<16xf32>,
            tpu.vector_store %run_scoped3A_10[%swap3A_446, %swap3A_447, %swap3A_448], %gather3A_445 {add = true, strides = array<i32>} : memref<9x8x96xf32, #tpu.memory_space<vmem>>, vector<16xf32>,
          }
          %scan3A_298 = arith.constant 72 : i32
          %add3A_299 = arith.constant 1 : i32
          %add3A_300 = arith.addi %scan3A_143, %add3A_299 : i32
          %lt3A_301 = arith.constant 7 : i32
          %lt3A_302 = arith.cmpi slt, %add3A_300, %lt3A_301 : i32
          %convert_element_type3A_303 = arith.extui %lt3A_302 : i1 to i32
          %cond3A_304 = arith.constant 0 : i32
          %cond3A_305 = arith.cmpi ne, %convert_element_type3A_303, %cond3A_304 : i32
          scf.if %cond3A_305 {
            %dma_start3A_335 = arith.constant 0 : i32
            %dma_start3A_336 = arith.constant 128 : i32
            %dma_start3A_337 = tpu.memref_slice %arg2[%select_n3A_218, %dma_start3A_335, %mul3A_236, %dma_start3A_336] : memref<4x196x224x224xf32, #tpu.memory_space<hbm>> -> memref<1x49x8x96xf32, #tpu.memory_space<hbm>>
            %dma_start3A_338 = tpu.memref_squeeze %dma_start3A_337 : memref<1x49x8x96xf32, #tpu.memory_space<hbm>> -> memref<49x8x96xf32, #tpu.memory_space<hbm>>
            %dma_start3A_339 = arith.constant 0 : i32
            %dma_start3A_340 = arith.constant 128 : i32
            %dma_start3A_341 = tpu.memref_slice %arg2[%select_n3A_218, %dma_start3A_339, %mul3A_236, %dma_start3A_340] : memref<4x196x224x224xf32, #tpu.memory_space<hbm>> -> memref<1x49x8x96xf32, #tpu.memory_space<hbm>>
            %dma_start3A_342 = tpu.memref_squeeze %dma_start3A_341 : memref<1x49x8x96xf32, #tpu.memory_space<hbm>> -> memref<49x8x96xf32, #tpu.memory_space<hbm>>
            tpu.enqueue_dma source(%dma_start3A_342 : memref<49x8x96xf32, #tpu.memory_space<hbm>>) target(%run_scoped3A : memref<49x8x96xf32, #tpu.memory_space<vmem>>) target_semaphore(%run_scoped3A_11 : memref<!tpu.dma_semaphore, #tpu.memory_space<semaphore_mem>>)
          } else {
          }
          %dma_wait3A_306 = arith.constant 147 : i32
          %dma_wait3A_307 = arith.constant 128 : i32
          %dma_wait3A_308 = tpu.memref_slice %arg2[%select_n3A_170, %dma_wait3A_306, %mul3A_188, %dma_wait3A_307] : memref<4x196x224x224xf32, #tpu.memory_space<hbm>> -> memref<1x49x8x96xf32, #tpu.memory_space<hbm>>
          %dma_wait3A_309 = tpu.memref_squeeze %dma_wait3A_308 : memref<1x49x8x96xf32, #tpu.memory_space<hbm>> -> memref<49x8x96xf32, #tpu.memory_space<hbm>>
          %dma_wait3A_310 = arith.constant 147 : i32
          %dma_wait3A_311 = arith.constant 128 : i32
          %dma_wait3A_312 = tpu.memref_slice %arg2[%select_n3A_170, %dma_wait3A_310, %mul3A_188, %dma_wait3A_311] : memref<4x196x224x224xf32, #tpu.memory_space<hbm>> -> memref<1x49x8x96xf32, #tpu.memory_space<hbm>>
          %dma_wait3A_313 = tpu.memref_squeeze %dma_wait3A_312 : memref<1x49x8x96xf32, #tpu.memory_space<hbm>> -> memref<49x8x96xf32, #tpu.memory_space<hbm>>
          tpu.wait_dma2 semaphore(%run_scoped3A_12 : memref<!tpu.dma_semaphore, #tpu.memory_space<semaphore_mem>>) src(%dma_wait3A_313 : memref<49x8x96xf32, #tpu.memory_space<hbm>>) dst(%run_scoped3A_8 : memref<49x8x96xf32, #tpu.memory_space<vmem>>)
          %scan3A_314 = arith.constant 0 : i32
          %scan3A_315 = arith.constant 0 : i32
          %scan3A_316 = arith.constant 72 : i32
          %scan3A_317 = arith.addi %scan3A_315, %scan3A_316 : i32
          %scan3A_318 = arith.constant 1 : i32
          scf.for %scan3A_335 = %scan3A_315 to %scan3A_317 step %scan3A_318  : i32 {
            %shift_right_arithmetic3A = arith.constant 3 : i32
            %shift_right_arithmetic3A_336 = arith.shrsi %scan3A_335, %shift_right_arithmetic3A : i32
            %and3A_337 = arith.constant 7 : i32
            %and3A_338 = arith.andi %scan3A_335, %and3A_337 : i32
            %broadcast_in_dim3A = vector.broadcast %and3A_338 : i32 to vector<16xi32>
            %get3A = arith.index_cast %shift_right_arithmetic3A_336 : i32 to index
            %get3A_339 = arith.index_cast %and3A_338 : i32 to index
            %get3A_340 = arith.constant 0 : index
            %get3A_341 = tpu.vector_load %run_scoped3A_9[%get3A, %get3A_339, %get3A_340] {strides = array<i32>} : memref<9x8x96xi32, #tpu.memory_space<vmem>>, vector<16xi32>,
            %sub3A_342 = arith.constant 147 : i32
            %sub3A_343 = vector.broadcast %sub3A_342 : i32 to vector<16xi32>
            %sub3A_344 = arith.subi %get3A_341, %sub3A_343 : vector<16xi32>
            %ge3A_345 = arith.constant 0 : i32
            %ge3A_346 = vector.broadcast %ge3A_345 : i32 to vector<16xi32>
            %ge3A_347 = arith.cmpi sge, %sub3A_344, %ge3A_346 : vector<16xi32>
            %lt3A_348 = arith.constant 49 : i32
            %lt3A_349 = vector.broadcast %lt3A_348 : i32 to vector<16xi32>
            %lt3A_350 = arith.cmpi slt, %sub3A_344, %lt3A_349 : vector<16xi32>
            %and3A_351 = arith.andi %ge3A_347, %lt3A_350 : vector<16xi1>
            %gather3A = tpu.vector_load_idx %run_scoped3A_8[%sub3A_344, %broadcast_in_dim3A, %add3A_16] masked %and3A_351 : memref<49x8x96xf32, #tpu.memory_space<vmem>>[vector<16xi32>, vector<16xi32>, vector<16xi32>], vector<16xf32>, vector<16xi1>
            %swap3A = arith.index_cast %shift_right_arithmetic3A_336 : i32 to index
            %swap3A_352 = arith.index_cast %and3A_338 : i32 to index
            %swap3A_353 = arith.constant 0 : index
            %swap3A_354 = tpu.vector_load %run_scoped3A_10[%swap3A, %swap3A_352, %swap3A_353] {strides = array<i32>} : memref<9x8x96xf32, #tpu.memory_space<vmem>>, vector<16xf32>,
            tpu.vector_store %run_scoped3A_10[%swap3A, %swap3A_352, %swap3A_353], %gather3A {add = true, strides = array<i32>} : memref<9x8x96xf32, #tpu.memory_space<vmem>>, vector<16xf32>,
            %get3A_355 = arith.index_cast %shift_right_arithmetic3A_336 : i32 to index
            %get3A_356 = arith.index_cast %and3A_338 : i32 to index
            %get3A_357 = arith.constant 16 : index
            %get3A_358 = tpu.vector_load %run_scoped3A_9[%get3A_355, %get3A_356, %get3A_357] {strides = array<i32>} : memref<9x8x96xi32, #tpu.memory_space<vmem>>, vector<16xi32>,
            %sub3A_359 = arith.constant 147 : i32
            %sub3A_360 = vector.broadcast %sub3A_359 : i32 to vector<16xi32>
            %sub3A_361 = arith.subi %get3A_358, %sub3A_360 : vector<16xi32>
            %ge3A_362 = arith.constant 0 : i32
            %ge3A_363 = vector.broadcast %ge3A_362 : i32 to vector<16xi32>
            %ge3A_364 = arith.cmpi sge, %sub3A_361, %ge3A_363 : vector<16xi32>
            %lt3A_365 = arith.constant 49 : i32
            %lt3A_366 = vector.broadcast %lt3A_365 : i32 to vector<16xi32>
            %lt3A_367 = arith.cmpi slt, %sub3A_361, %lt3A_366 : vector<16xi32>
            %and3A_368 = arith.andi %ge3A_364, %lt3A_367 : vector<16xi1>
            %gather3A_369 = tpu.vector_load_idx %run_scoped3A_8[%sub3A_361, %broadcast_in_dim3A, %add3A_19] masked %and3A_368 : memref<49x8x96xf32, #tpu.memory_space<vmem>>[vector<16xi32>, vector<16xi32>, vector<16xi32>], vector<16xf32>, vector<16xi1>
            %swap3A_370 = arith.index_cast %shift_right_arithmetic3A_336 : i32 to index
            %swap3A_371 = arith.index_cast %and3A_338 : i32 to index
            %swap3A_372 = arith.constant 16 : index
            %swap3A_373 = tpu.vector_load %run_scoped3A_10[%swap3A_370, %swap3A_371, %swap3A_372] {strides = array<i32>} : memref<9x8x96xf32, #tpu.memory_space<vmem>>, vector<16xf32>,
            tpu.vector_store %run_scoped3A_10[%swap3A_370, %swap3A_371, %swap3A_372], %gather3A_369 {add = true, strides = array<i32>} : memref<9x8x96xf32, #tpu.memory_space<vmem>>, vector<16xf32>,
            %get3A_374 = arith.index_cast %shift_right_arithmetic3A_336 : i32 to index
            %get3A_375 = arith.index_cast %and3A_338 : i32 to index
            %get3A_376 = arith.constant 32 : index
            %get3A_377 = tpu.vector_load %run_scoped3A_9[%get3A_374, %get3A_375, %get3A_376] {strides = array<i32>} : memref<9x8x96xi32, #tpu.memory_space<vmem>>, vector<16xi32>,
            %sub3A_378 = arith.constant 147 : i32
            %sub3A_379 = vector.broadcast %sub3A_378 : i32 to vector<16xi32>
            %sub3A_380 = arith.subi %get3A_377, %sub3A_379 : vector<16xi32>
            %ge3A_381 = arith.constant 0 : i32
            %ge3A_382 = vector.broadcast %ge3A_381 : i32 to vector<16xi32>
            %ge3A_383 = arith.cmpi sge, %sub3A_380, %ge3A_382 : vector<16xi32>
            %lt3A_384 = arith.constant 49 : i32
            %lt3A_385 = vector.broadcast %lt3A_384 : i32 to vector<16xi32>
            %lt3A_386 = arith.cmpi slt, %sub3A_380, %lt3A_385 : vector<16xi32>
            %and3A_387 = arith.andi %ge3A_383, %lt3A_386 : vector<16xi1>
            %gather3A_388 = tpu.vector_load_idx %run_scoped3A_8[%sub3A_380, %broadcast_in_dim3A, %add3A_22] masked %and3A_387 : memref<49x8x96xf32, #tpu.memory_space<vmem>>[vector<16xi32>, vector<16xi32>, vector<16xi32>], vector<16xf32>, vector<16xi1>
            %swap3A_389 = arith.index_cast %shift_right_arithmetic3A_336 : i32 to index
            %swap3A_390 = arith.index_cast %and3A_338 : i32 to index
            %swap3A_391 = arith.constant 32 : index
            %swap3A_392 = tpu.vector_load %run_scoped3A_10[%swap3A_389, %swap3A_390, %swap3A_391] {strides = array<i32>} : memref<9x8x96xf32, #tpu.memory_space<vmem>>, vector<16xf32>,
            tpu.vector_store %run_scoped3A_10[%swap3A_389, %swap3A_390, %swap3A_391], %gather3A_388 {add = true, strides = array<i32>} : memref<9x8x96xf32, #tpu.memory_space<vmem>>, vector<16xf32>,
            %get3A_393 = arith.index_cast %shift_right_arithmetic3A_336 : i32 to index
            %get3A_394 = arith.index_cast %and3A_338 : i32 to index
            %get3A_395 = arith.constant 48 : index
            %get3A_396 = tpu.vector_load %run_scoped3A_9[%get3A_393, %get3A_394, %get3A_395] {strides = array<i32>} : memref<9x8x96xi32, #tpu.memory_space<vmem>>, vector<16xi32>,
            %sub3A_397 = arith.constant 147 : i32
            %sub3A_398 = vector.broadcast %sub3A_397 : i32 to vector<16xi32>
            %sub3A_399 = arith.subi %get3A_396, %sub3A_398 : vector<16xi32>
            %ge3A_400 = arith.constant 0 : i32
            %ge3A_401 = vector.broadcast %ge3A_400 : i32 to vector<16xi32>
            %ge3A_402 = arith.cmpi sge, %sub3A_399, %ge3A_401 : vector<16xi32>
            %lt3A_403 = arith.constant 49 : i32
            %lt3A_404 = vector.broadcast %lt3A_403 : i32 to vector<16xi32>
            %lt3A_405 = arith.cmpi slt, %sub3A_399, %lt3A_404 : vector<16xi32>
            %and3A_406 = arith.andi %ge3A_402, %lt3A_405 : vector<16xi1>
            %gather3A_407 = tpu.vector_load_idx %run_scoped3A_8[%sub3A_399, %broadcast_in_dim3A, %add3A_25] masked %and3A_406 : memref<49x8x96xf32, #tpu.memory_space<vmem>>[vector<16xi32>, vector<16xi32>, vector<16xi32>], vector<16xf32>, vector<16xi1>
            %swap3A_408 = arith.index_cast %shift_right_arithmetic3A_336 : i32 to index
            %swap3A_409 = arith.index_cast %and3A_338 : i32 to index
            %swap3A_410 = arith.constant 48 : index
            %swap3A_411 = tpu.vector_load %run_scoped3A_10[%swap3A_408, %swap3A_409, %swap3A_410] {strides = array<i32>} : memref<9x8x96xf32, #tpu.memory_space<vmem>>, vector<16xf32>,
            tpu.vector_store %run_scoped3A_10[%swap3A_408, %swap3A_409, %swap3A_410], %gather3A_407 {add = true, strides = array<i32>} : memref<9x8x96xf32, #tpu.memory_space<vmem>>, vector<16xf32>,
            %get3A_412 = arith.index_cast %shift_right_arithmetic3A_336 : i32 to index
            %get3A_413 = arith.index_cast %and3A_338 : i32 to index
            %get3A_414 = arith.constant 64 : index
            %get3A_415 = tpu.vector_load %run_scoped3A_9[%get3A_412, %get3A_413, %get3A_414] {strides = array<i32>} : memref<9x8x96xi32, #tpu.memory_space<vmem>>, vector<16xi32>,
            %sub3A_416 = arith.constant 147 : i32
            %sub3A_417 = vector.broadcast %sub3A_416 : i32 to vector<16xi32>
            %sub3A_418 = arith.subi %get3A_415, %sub3A_417 : vector<16xi32>
            %ge3A_419 = arith.constant 0 : i32
            %ge3A_420 = vector.broadcast %ge3A_419 : i32 to vector<16xi32>
            %ge3A_421 = arith.cmpi sge, %sub3A_418, %ge3A_420 : vector<16xi32>
            %lt3A_422 = arith.constant 49 : i32
            %lt3A_423 = vector.broadcast %lt3A_422 : i32 to vector<16xi32>
            %lt3A_424 = arith.cmpi slt, %sub3A_418, %lt3A_423 : vector<16xi32>
            %and3A_425 = arith.andi %ge3A_421, %lt3A_424 : vector<16xi1>
            %gather3A_426 = tpu.vector_load_idx %run_scoped3A_8[%sub3A_418, %broadcast_in_dim3A, %add3A_28] masked %and3A_425 : memref<49x8x96xf32, #tpu.memory_space<vmem>>[vector<16xi32>, vector<16xi32>, vector<16xi32>], vector<16xf32>, vector<16xi1>
            %swap3A_427 = arith.index_cast %shift_right_arithmetic3A_336 : i32 to index
            %swap3A_428 = arith.index_cast %and3A_338 : i32 to index
            %swap3A_429 = arith.constant 64 : index
            %swap3A_430 = tpu.vector_load %run_scoped3A_10[%swap3A_427, %swap3A_428, %swap3A_429] {strides = array<i32>} : memref<9x8x96xf32, #tpu.memory_space<vmem>>, vector<16xf32>,
            tpu.vector_store %run_scoped3A_10[%swap3A_427, %swap3A_428, %swap3A_429], %gather3A_426 {add = true, strides = array<i32>} : memref<9x8x96xf32, #tpu.memory_space<vmem>>, vector<16xf32>,
            %get3A_431 = arith.index_cast %shift_right_arithmetic3A_336 : i32 to index
            %get3A_432 = arith.index_cast %and3A_338 : i32 to index
            %get3A_433 = arith.constant 80 : index
            %get3A_434 = tpu.vector_load %run_scoped3A_9[%get3A_431, %get3A_432, %get3A_433] {strides = array<i32>} : memref<9x8x96xi32, #tpu.memory_space<vmem>>, vector<16xi32>,
            %sub3A_435 = arith.constant 147 : i32
            %sub3A_436 = vector.broadcast %sub3A_435 : i32 to vector<16xi32>
            %sub3A_437 = arith.subi %get3A_434, %sub3A_436 : vector<16xi32>
            %ge3A_438 = arith.constant 0 : i32
            %ge3A_439 = vector.broadcast %ge3A_438 : i32 to vector<16xi32>
            %ge3A_440 = arith.cmpi sge, %sub3A_437, %ge3A_439 : vector<16xi32>
            %lt3A_441 = arith.constant 49 : i32
            %lt3A_442 = vector.broadcast %lt3A_441 : i32 to vector<16xi32>
            %lt3A_443 = arith.cmpi slt, %sub3A_437, %lt3A_442 : vector<16xi32>
            %and3A_444 = arith.andi %ge3A_440, %lt3A_443 : vector<16xi1>
            %gather3A_445 = tpu.vector_load_idx %run_scoped3A_8[%sub3A_437, %broadcast_in_dim3A, %add3A_31] masked %and3A_444 : memref<49x8x96xf32, #tpu.memory_space<vmem>>[vector<16xi32>, vector<16xi32>, vector<16xi32>], vector<16xf32>, vector<16xi1>
            %swap3A_446 = arith.index_cast %shift_right_arithmetic3A_336 : i32 to index
            %swap3A_447 = arith.index_cast %and3A_338 : i32 to index
            %swap3A_448 = arith.constant 80 : index
            %swap3A_449 = tpu.vector_load %run_scoped3A_10[%swap3A_446, %swap3A_447, %swap3A_448] {strides = array<i32>} : memref<9x8x96xf32, #tpu.memory_space<vmem>>, vector<16xf32>,
            tpu.vector_store %run_scoped3A_10[%swap3A_446, %swap3A_447, %swap3A_448], %gather3A_445 {add = true, strides = array<i32>} : memref<9x8x96xf32, #tpu.memory_space<vmem>>, vector<16xf32>,
          }
          %scan3A_319 = arith.constant 72 : i32
          %add3A_320 = arith.constant 1 : i32
          %add3A_321 = arith.addi %scan3A_143, %add3A_320 : i32
          %lt3A_322 = arith.constant 7 : i32
          %lt3A_323 = arith.cmpi slt, %add3A_321, %lt3A_322 : i32
          %convert_element_type3A_324 = arith.extui %lt3A_323 : i1 to i32
          %cond3A_325 = arith.constant 0 : i32
          %cond3A_326 = arith.cmpi ne, %convert_element_type3A_324, %cond3A_325 : i32
          scf.if %cond3A_326 {
            %dma_start3A_335 = arith.constant 49 : i32
            %dma_start3A_336 = arith.constant 128 : i32
            %dma_start3A_337 = tpu.memref_slice %arg2[%select_n3A_218, %dma_start3A_335, %mul3A_236, %dma_start3A_336] : memref<4x196x224x224xf32, #tpu.memory_space<hbm>> -> memref<1x49x8x96xf32, #tpu.memory_space<hbm>>
            %dma_start3A_338 = tpu.memref_squeeze %dma_start3A_337 : memref<1x49x8x96xf32, #tpu.memory_space<hbm>> -> memref<49x8x96xf32, #tpu.memory_space<hbm>>
            %dma_start3A_339 = arith.constant 49 : i32
            %dma_start3A_340 = arith.constant 128 : i32
            %dma_start3A_341 = tpu.memref_slice %arg2[%select_n3A_218, %dma_start3A_339, %mul3A_236, %dma_start3A_340] : memref<4x196x224x224xf32, #tpu.memory_space<hbm>> -> memref<1x49x8x96xf32, #tpu.memory_space<hbm>>
            %dma_start3A_342 = tpu.memref_squeeze %dma_start3A_341 : memref<1x49x8x96xf32, #tpu.memory_space<hbm>> -> memref<49x8x96xf32, #tpu.memory_space<hbm>>
            tpu.enqueue_dma source(%dma_start3A_342 : memref<49x8x96xf32, #tpu.memory_space<hbm>>) target(%run_scoped3A_8 : memref<49x8x96xf32, #tpu.memory_space<vmem>>) target_semaphore(%run_scoped3A_12 : memref<!tpu.dma_semaphore, #tpu.memory_space<semaphore_mem>>)
          } else {
          }
          %dma_start3A_327 = arith.constant 0 : i32
          %dma_start3A_328 = arith.constant 128 : i32
          %dma_start3A_329 = tpu.memref_slice %arg4[%select_n3A_170, %dma_start3A_327, %mul3A_188, %dma_start3A_328] : memref<4x9x224x224xf32, #tpu.memory_space<hbm>> -> memref<1x9x8x96xf32, #tpu.memory_space<hbm>>
          %dma_start3A_330 = tpu.memref_squeeze %dma_start3A_329 : memref<1x9x8x96xf32, #tpu.memory_space<hbm>> -> memref<9x8x96xf32, #tpu.memory_space<hbm>>
          %dma_start3A_331 = arith.constant 0 : i32
          %dma_start3A_332 = arith.constant 128 : i32
          %dma_start3A_333 = tpu.memref_slice %arg4[%select_n3A_170, %dma_start3A_331, %mul3A_188, %dma_start3A_332] : memref<4x9x224x224xf32, #tpu.memory_space<hbm>> -> memref<1x9x8x96xf32, #tpu.memory_space<hbm>>
          %dma_start3A_334 = tpu.memref_squeeze %dma_start3A_333 : memref<1x9x8x96xf32, #tpu.memory_space<hbm>> -> memref<9x8x96xf32, #tpu.memory_space<hbm>>
          tpu.enqueue_dma source(%run_scoped3A_10 : memref<9x8x96xf32, #tpu.memory_space<vmem>>) target(%dma_start3A_334 : memref<9x8x96xf32, #tpu.memory_space<hbm>>) target_semaphore(%run_scoped3A_13 : memref<!tpu.dma_semaphore, #tpu.memory_space<semaphore_mem>>)
        }
        %scan3A_89 = arith.constant 7 : i32
        %mul3A_90 = arith.constant 7 : i32
        %mul3A_91 = arith.muli %and3A_1, %mul3A_90 : i32
        %add3A_92 = arith.constant 6 : i32
        %add3A_93 = arith.addi %mul3A_91, %add3A_92 : i32
        %jit3A_94 = arith.constant 28 : i32
        %div3A_95 = arith.divsi %add3A_93, %jit3A_94 : i32
        %sign3A_96 = arith.constant 0 : i32
        %sign3A_97 = arith.cmpi sgt, %add3A_93, %sign3A_96 : i32
        %sign3A_98 = arith.extui %sign3A_97 : i1 to i32
        %sign3A_99 = arith.constant 0 : i32
        %sign3A_100 = arith.cmpi slt, %add3A_93, %sign3A_99 : i32
        %sign3A_101 = arith.extui %sign3A_100 : i1 to i32
        %sign3A_102 = arith.subi %sign3A_98, %sign3A_101 : i32
        %sign3A_103 = arith.constant 0 : i32
        %sign3A_104 = arith.cmpi sgt, %jit3A_94, %sign3A_103 : i32
        %sign3A_105 = arith.extui %sign3A_104 : i1 to i32
        %sign3A_106 = arith.constant 0 : i32
        %sign3A_107 = arith.cmpi slt, %jit3A_94, %sign3A_106 : i32
        %sign3A_108 = arith.extui %sign3A_107 : i1 to i32
        %sign3A_109 = arith.subi %sign3A_105, %sign3A_108 : i32
        %ne3A_110 = arith.cmpi ne, %sign3A_102, %sign3A_109 : i32
        %rem3A_111 = arith.remsi %add3A_93, %jit3A_94 : i32
        %ne3A_112 = arith.constant 0 : i32
        %ne3A_113 = arith.cmpi ne, %rem3A_111, %ne3A_112 : i32
        %and3A_114 = arith.andi %ne3A_110, %ne3A_113 : i1
        %sub3A_115 = arith.constant 1 : i32
        %sub3A_116 = arith.subi %div3A_95, %sub3A_115 : i32
        %select_n3A_117 = arith.select %and3A_114, %sub3A_116, %div3A_95 : i32
        %jit3A_118 = arith.constant 28 : i32
        %eq3A_119 = arith.constant 0 : i32
        %eq3A_120 = arith.cmpi eq, %jit3A_118, %eq3A_119 : i32
        %jit3A_121 = arith.constant 1 : i32
        %select_n3A_122 = arith.select %eq3A_120, %jit3A_121, %jit3A_118 : i32
        %rem3A_123 = arith.remsi %add3A_93, %select_n3A_122 : i32
        %ne3A_124 = arith.constant 0 : i32
        %ne3A_125 = arith.cmpi ne, %rem3A_123, %ne3A_124 : i32
        %lt3A_126 = arith.constant 0 : i32
        %lt3A_127 = arith.cmpi slt, %rem3A_123, %lt3A_126 : i32
        %lt3A_128 = arith.constant 0 : i32
        %lt3A_129 = arith.cmpi slt, %select_n3A_122, %lt3A_128 : i32
        %ne3A_130 = arith.xori %lt3A_127, %lt3A_129 : i1
        %and3A_131 = arith.andi %ne3A_130, %ne3A_125 : i1
        %add3A_132 = arith.addi %rem3A_123, %select_n3A_122 : i32
        %select_n3A_133 = arith.select %and3A_131, %add3A_132, %rem3A_123 : i32
        %mul3A_134 = arith.constant 8 : i32
        %mul3A_135 = arith.muli %select_n3A_133, %mul3A_134 : i32
        %dma_wait3A = arith.constant 0 : i32
        %dma_wait3A_136 = arith.constant 128 : i32
        %dma_wait3A_137 = tpu.memref_slice %arg4[%select_n3A_117, %dma_wait3A, %mul3A_135, %dma_wait3A_136] : memref<4x9x224x224xf32, #tpu.memory_space<hbm>> -> memref<1x9x8x96xf32, #tpu.memory_space<hbm>>
        %dma_wait3A_138 = tpu.memref_squeeze %dma_wait3A_137 : memref<1x9x8x96xf32, #tpu.memory_space<hbm>> -> memref<9x8x96xf32, #tpu.memory_space<hbm>>
        %dma_wait3A_139 = arith.constant 0 : i32
        %dma_wait3A_140 = arith.constant 128 : i32
        %dma_wait3A_141 = tpu.memref_slice %arg4[%select_n3A_117, %dma_wait3A_139, %mul3A_135, %dma_wait3A_140] : memref<4x9x224x224xf32, #tpu.memory_space<hbm>> -> memref<1x9x8x96xf32, #tpu.memory_space<hbm>>
        %dma_wait3A_142 = tpu.memref_squeeze %dma_wait3A_141 : memref<1x9x8x96xf32, #tpu.memory_space<hbm>> -> memref<9x8x96xf32, #tpu.memory_space<hbm>>
        tpu.wait_dma2 semaphore(%run_scoped3A_13 : memref<!tpu.dma_semaphore, #tpu.memory_space<semaphore_mem>>) src(%run_scoped3A_10 : memref<9x8x96xf32, #tpu.memory_space<vmem>>) dst(%dma_wait3A_142 : memref<9x8x96xf32, #tpu.memory_space<hbm>>)
        tpu.yield
      }) : () -> ()
    } else {
    }
    return
  }
}

</mosaic_0001>

<sc_bundles>
// kernel: kernel.3.cloned.1.call-start
scs
__scs_entry_jumppad:
0x0: {  	(pc) =	sbr.rel $0x88, $3  }
0x1: {  	(tag) =	ssettag $0x0;
	lr =	simm.s32 $0x1  }
0x2: {  	[smem:$0x3F9F] =	sst lr;
	_ =	strace $0xD0000000  }
0x3: {  	_ = 	snop  }
0x4: {  	_ = 	snop  }
0x5: {  	_ = 	snop  }
0x6: {  	_ = 	snop  }
0x7: {  	_ = 	snop  }
__scs_overlays_trampoline_lowered:
0x8: {  	[smem:$0x3FAE] =	sst s0  }
0x9: {  	[smem:$0x3FAF] =	sst s1  }
0xa: {  	[smem:$0x3FB0] =	sst s2  }
0xb: {  	[smem:$0x3FB1] =	sst s3  }
0xc: {  	[smem:$0x3FB2] =	sst s4  }
0xd: {  	[smem:$0x3FB3] =	sst s5  }
0xe: {  	[smem:$0x3FB4] =	sst s6  }
0xf: {  	[smem:$0x3FB5] =	sst s7  }
0x10: {  	[smem:$0x3FB6] =	sst s8  }
0x11: {  	[smem:$0x3FB7] =	sst s9;
	s0 =	simm.s32 @!p0 $0x0  }
0x12: {  	s1 =	sld [smem:$0x3F9D];
	s0 =	simm.s32 @p0 $0x1  }
0x13: {  	[smem:$0x3FB8] =	sst s0;
	s0 =	simm.s32 @!p1 $0x0  }
0x14: {  	s2 =	sld [smem:$0x3F9C];
	s0 =	simm.s32 @p1 $0x1  }
0x15: {  	[smem:$0x3FB9] =	sst s0;
	s0 =	simm.s32 @!p2 $0x0  }
0x16: {  	s3 =	sld [smem:$0x3FDB];
	s0 =	simm.s32 @p2 $0x1  }
0x17: {  	s4 =	simm.s32 $0x1BF5;
	[smem:$0x3FBB] =	sst s0  }
0x18: {  	s0 =	sld [smem:$0x3F9E];
	_ =	swait.ge [sflag:s4], $0x0  }
0x19: {  	s7 =	sld [smem:$0x3F9F]  }
0x1a: {  	s8 =	sadd.s32 $0xFFFFE003, lr  }
0x1b: {  	s9 =	sadd.s32 $0xFFFFFEF7, lr;
	s5 =	simm.s32 $0xFFFFFFFF;
	p2 =	slt.u32 s8, $0xFFFFF086  }
0x1c: {  	p1 =	slt.u32 s9, $0xF7A;
	s5 =	simm.s32 @!p2 $0x0  }
0x1d: {  	s5 =	simm.s32 @p1 $0x1;
	p0 =	seq.s32 s7, s2  }
0x1e: {  	s7 =	smul.u32 @!p0 $0xF7A, s2;
	p2 =	seq.s32 @!p0 s5, $0x0  }
0x1f: {  	s9 =	smul.u32 $0xF7A, s1;
	s8 =	simm.s32 @!p0 $0x1BF5;
	p2 =	por !p2, p0  }
0x20: {  	[sflag:s8] =	ssyncset.s32 @!p0 $0xFFFFF086;
	s6 =	sadd.s32 @!p0 s3, s7;
	s7 =	simm.s32 @!p0 $0x108  }
0x21: {  	s3 =	sadd.s32 s3, s9;
	s6 =	sadd.s32 @!p0 $0x88, s6;
	s7 =	simm.s32 @p2 $0x1082  }
0x22: {  	[simem:s7], [sflag:s8] =	dma.local @!p0 [hbm:s6], $0xF7A  }
0x23: {  	s9 =	sor.u32 $0xD0000000, s2;
	s6 =	simm.s32 $0x108;
	_ =	swait.ge @!p0 [sflag:s8], $0x0  }
0x24: {  	s3 =	sadd.s32 $0x88, s3;
	s6 =	simm.s32 @!p1 $0x1082;
	[sflag:s4] =	ssyncset.s32 $0xFFFFF086  }
0x25: {  	[simem:s6], [sflag:s4] =	dma.local [hbm:s3], $0xF7A  }
0x26: {  	[smem:$0x3F9F] =	sst s1;
	(tag) =	ssettag s2;
	_ =	strace s9  }
0x27: {  	s1 =	sld [smem:$0x3FAF]  }
0x28: {  	s2 =	sld [smem:$0x3FB0]  }
0x29: {  	s4 =	sld [smem:$0x3FB2]  }
0x2a: {  	p0 =	seq.s32 s5, $0x0;
	s5 =	sld [smem:$0x3FB3]  }
0x2b: {  	s6 =	sld [smem:$0x3FB4]  }
0x2c: {  	s7 =	sld [smem:$0x3FB5]  }
0x2d: {  	s3 =	simm.s32 $0x108;
	s8 =	sld [smem:$0x3FB6]  }
0x2e: {  	s3 =	simm.s32 @!p0 $0x1082;
	s9 =	sld [smem:$0x3FB7]  }
0x2f: {  	lr =	sadd.s32 s0, s3;
	s0 =	sld [smem:$0x3FAE]  }
0x30: {  	s3 =	sld [smem:$0x3FB1]  }
0x31: {  	[smem:$0x3FBA] =	sst s10  }
0x32: {  	s10 =	sld [smem:$0x3FB8];
	_ =	sdelay $0x3  }
0x33: {  	p0 =	seq.s32 s10, $0x1;
	s10 =	sld [smem:$0x3FBA];
	_ =	sdelay $0x3  }
0x34: {  	[smem:$0x3FBA] =	sst s10  }
0x35: {  	s10 =	sld [smem:$0x3FB9];
	_ =	sdelay $0x3  }
0x36: {  	p1 =	seq.s32 s10, $0x1;
	s10 =	sld [smem:$0x3FBA];
	_ =	sdelay $0x3  }
0x37: {  	[smem:$0x3FBA] =	sst s10  }
0x38: {  	s10 =	sld [smem:$0x3FBB]  }
0x39: {  	_ = 	snop;
	(pc) =	sbr.ind lr, $3  }
0x3a: {  	_ = 	snop  }
0x3b: {  	_ = 	snop  }
0x3c: {  	p2 =	seq.s32 s10, $0x1;
	s10 =	sld [smem:$0x3FBA]  }
0x3d: {  	_ =	shalt  }
0x3e: {  	_ =	shalt  }
0x3f: {  	_ =	shalt  }
0x40: {  	_ =	shalt  }
0x41: {  	_ =	shalt  }
0x42: {  	_ =	shalt  }
0x43: {  	_ =	shalt  }
0x44: {  	_ =	shalt  }
0x45: {  	_ =	shalt  }
0x46: {  	_ =	shalt  }
0x47: {  	_ =	shalt  }
0x48: {  	_ =	shalt  }
0x49: {  	_ =	shalt  }
0x4a: {  	_ =	shalt  }
0x4b: {  	_ =	shalt  }
0x4c: {  	_ =	shalt  }
0x4d: {  	_ =	shalt  }
0x4e: {  	_ =	shalt  }
0x4f: {  	_ =	shalt  }
0x50: {  	_ =	shalt  }
0x51: {  	_ =	shalt  }
0x52: {  	_ =	shalt  }
0x53: {  	_ =	shalt  }
0x54: {  	_ =	shalt  }
0x55: {  	_ =	shalt  }
0x56: {  	_ =	shalt  }
0x57: {  	_ =	shalt  }
0x58: {  	_ =	shalt  }
0x59: {  	_ =	shalt  }
0x5a: {  	_ =	shalt  }
0x5b: {  	_ =	shalt  }
0x5c: {  	_ =	shalt  }
0x5d: {  	_ =	shalt  }
0x5e: {  	_ =	shalt  }
0x5f: {  	_ =	shalt  }
0x60: {  	_ =	shalt  }
0x61: {  	_ =	shalt  }
0x62: {  	_ =	shalt  }
0x63: {  	_ =	shalt  }
0x64: {  	_ =	shalt  }
0x65: {  	_ =	shalt  }
0x66: {  	_ =	shalt  }
0x67: {  	_ =	shalt  }
0x68: {  	_ =	shalt  }
0x69: {  	_ =	shalt  }
0x6a: {  	_ =	shalt  }
0x6b: {  	_ =	shalt  }
0x6c: {  	_ =	shalt  }
0x6d: {  	_ =	shalt  }
0x6e: {  	_ =	shalt  }
0x6f: {  	_ =	shalt  }
0x70: {  	_ =	shalt  }
0x71: {  	_ =	shalt  }
0x72: {  	_ =	shalt  }
0x73: {  	_ =	shalt  }
0x74: {  	_ =	shalt  }
0x75: {  	_ =	shalt  }
0x76: {  	_ =	shalt  }
0x77: {  	_ =	shalt  }
0x78: {  	_ =	shalt  }
0x79: {  	_ =	shalt  }
0x7a: {  	_ =	shalt  }
0x7b: {  	_ =	shalt  }
0x7c: {  	_ =	shalt  }
0x7d: {  	_ =	shalt  }
0x7e: {  	_ =	shalt  }
0x7f: {  	_ =	shalt  }
0x80: {  	_ =	shalt  }
0x81: {  	_ =	shalt  }
0x82: {  	_ =	shalt  }
0x83: {  	_ =	shalt  }
0x84: {  	_ =	shalt  }
0x85: {  	_ =	shalt  }
0x86: {  	_ =	shalt  }
0x87: {  	_ =	shalt  }
.Lfunc_end0:
.L_simem_size_0:
called_computation_lowered:
.L_overlay_start_0:
0x88: {  	s2 =	sld [smem:$0x3FD9]  }
0x89: {  	s3 =	sld [smem:$0x3FFE];
	_ =	sdelay $0x1  }
0x8a: {  	s1 =	srdreg.scid  }
0x8b: {  	s0 =	sand.u32 $0x1, s1  }
0x8c: {  	s18 =	sshll.u32 s0, $0xA;
	s2 =	sadd.s32 s3, s2  }
0x8d: {  	s2 =	sadd.s32 s2, s18  }
0x8e: {  	[smem:$0x3FC6] =	sst s2  }
0x8f: {  	_ = 	snop  }
0x90: {  	s2 =	sld [smem:$0x3FC9]  }
0x91: {  	s19 =	sld [smem:$0x3FC8]  }
0x92: {  	s4 =	sld [smem:$0x3FD0];
	(tm) =	ssettm $0x1  }
0x93: {  	s5 =	sld [smem:$0x3FFB];
	_ =	sdelay $0x3  }
0x94: {  	_ =	strace s5  }
0x95: {  	s5 =	sld [smem:$0x3FFC];
	_ =	sdelay $0x3  }
0x96: {  	_ =	strace s5  }
0x97: {  	s5 =	sld [smem:$0x3FFD];
	_ =	sdelay $0x3  }
0x98: {  	_ =	strace s5  }
0x99: {  	_ =	strace $0x8FFFFFFF  }
0x9a: {  	s20 =	sld [smem:$0x3FDB];
	_ =	sdelay $0x1  }
0x9b: {  	s6 =	simm.s32 $_scs_section_size  }
0x9c: {  	s7 =	simm.s32 $_size__tile_overlayer_lowered;
	s8 =	simm.s32 $_tile_overlayer_lowered  }
0x9d: {  	s23 =	simm.s32 $0x1BFF;
	s22 =	sshll.u32 s8, $0x1;
	s5 =	sadd.s32 s6, s20  }
0x9e: {  	s9 =	simm.s32 $0x0;
	s21 =	sshll.u32 s7, $0x1;
	s7 =	sadd.s32 s22, s5  }
0x9f: {  	[timem:s9], [sflag:s23] =	dma.local [hbm:s7], s21  }
0xa0: {  	_ =	swait.ge [sflag:s23], s21  }
0xa1: {  	s6 =	ssub.s32 $0x0, s21;
	[sflag:s23] =	ssyncset.done $0x0  }
0xa2: {  	[sflag:s23] =	ssyncadd.s32 s6;
	_ =	sdelay $0x1  }
0xa3: {  	s24 =	simm.s32 $0x1B8B  }
0xa4: {  	_ =	swait.ge [sflag:s24], $0x1  }
0xa5: {  	[sflag:s24] =	ssyncset.done $0x0  }
0xa6: {  	s25 =	simm.s32 $0x1B8E;
	[sflag:s24] =	ssyncadd.s32 $0xFFFFFFFF  }
0xa7: {  	s26 =	simm.s32 $execute0_lowered;
	[smem:$0x3FD2] =	sst s25  }
0xa8: {  	s6 =	sshll.u32 s26, $0x1;
	_ =	strace $0x80000046;
	[dreg:$0x1] =	wrdreg $0xFFFFFFFF  }
0xa9: {  	s28 =	simm.s32 $_size_execute0_lowered;
	s5 =	sadd.s32 s5, s6;
	[dreg:$0x0] =	wrdreg $0x0  }
0xaa: {  	s6 =	sshll.u32 s28, $0x1;
	[dreg:$0x2] =	wrdreg s5  }
0xab: {  	[dreg:$0x3] =	wrdreg s6  }
0xac: {  	[dreg:$0x4] =	wrdreg $0xC0  }
0xad: {  	_ =	task [dreg:s9], $0x5FFFF  }
0xae: {  	[dreg:$0x1] =	wrdreg $0xFFFFFFFF  }
0xaf: {  	[dreg:$0x0] =	wrdreg $0x60  }
0xb0: {  	[dreg:$0x2] =	wrdreg s2  }
0xb1: {  	[dreg:$0x3] =	wrdreg s19  }
0xb2: {  	[dreg:$0x4] =	wrdreg s4  }
0xb3: {  	[dreg:$0x5] =	wrdreg $0x9  }
0xb4: {  	_ =	task.clear_ibuf [dreg:s9], $0x6FFFF;
	_ =	strace $0x90000046  }
0xb5: {  	s29 =	simm.s32 $0x9;
	_ =	strace $0x80000048  }
0xb6: {  	_ =	swait.ge [sflag:s29], $0x1  }
0xb7: {  	[sflag:s29] =	ssyncadd.s32 $0xFFFFFFFF  }
0xb8: {  	_ =	strace $0x90000048  }
0xb9: {  	_ =	sfence  }
0xba: {  	s30 =	sld [smem:$0x0];
	_ =	sdelay $0x2  }
0xbb: {  	s31 =	sshll.u32 s1, $0xD;
	s1 =	sshrl.u32 s1, $0x2  }
0xbc: {  	s3 =	sand.u32 $0x4000, s31;
	s1 =	sadd.s32 s1, s30  }
0xbd: {  	s0 =	sor.u32 s3, s0;
	s1 =	sshll.u32 s1, $0x11  }
0xbe: {  	s0 =	sor.u32 s1, s0  }
0xbf: {  	s0 =	sadd.s32 $0x8F2B, s0  }
0xc0: {  	[sflag:s0] =	ssyncadd.remote.s32 $0x1  }
0xc1: {  	_ =	sfence.sel $0xFFFF  }
0xc2: {  	[dreg:$0x0] =	wrdreg $0xFFFFFFFF;
	(pc) =	sbr.abs _section_cstart, $3  }
0xc3: {  	[dreg:$0x1] =	wrdreg $0xFFFFFFFF  }
0xc4: {  	_ =	task.clear_ibuf [dreg:s9], $0x2FFFF;
	_ =	strace $0x9FFFFFFF  }
0xc5: {  	(tm) =	ssettm $0x7FFFFFFF  }
tec
execute0_lowered:
.L_overlay_start_1:
0x0: {  	(tag) =	ssettag $0x1  }
0x1: {  	s9 =	stileid.u32  }
0x2: {  	s0 =	srdreg.scid;
	s1 =	sshll.u32 s9, $0x1  }
0x3: {  	s0 =	sand.u32 $0x1, s0;
	s1 =	sand.u32 $0xE, s1  }
0x4: {  	s2 =	rddreg [dreg:$0x0];
	s4 =	sor.u32 s0, s1  }
0x5: {  	s3 =	rddreg [dreg:$0x1];
	s13 =	simm.s32 $0x400;
	s5 =	smul.u32 $0x405, s4  }
0x6: {  	s14 =	simm.s32 $0xE000;
	s15 =	simm.s32 $0xC400;
	s16 =	simm.s32 $0x18800  }
0x7: {  	s17 =	simm.s32 $0x4;
	s4 =	smul.u32 $0x7, s4;
	s6 =	sshrl.u32 s5, $0xC  }
0x8: {  	s18 =	simm.s32 $0x1;
	s19 =	simm.s32 $0x2;
	s7 =	smul.u32 $0x1C, s6  }
0x9: {  	s20 =	simm.s32 $0x1AC00;
	s21 =	simm.s32 $0x3;
	s8 =	sshrl.u32 s9, $0x1  }
0xa: {  	s8 =	smul.u32 $0xAB8000, s8;
	s1 =	sshrl.u32 s1, $0x2;
	s7 =	ssub.s32 s4, s7  }
0xb: {  	s22 =	simm.s32 $0x0;
	s1 =	smul.u32 $0xAB8000, s1;
	s7 =	sand.u32 $0xFF, s7  }
0xc: {  	s5 =	rddreg [dreg:$0x2];
	s6 =	simm.s32 $0x0;
	s7 =	sshll.u32 s7, $0xB  }
0xd: {  	s0 =	ssub.s32 $0x2, s0;
	[smem:$0x7FF] =	sst s6;
	s1 =	sadd.s32 s1, s7  }
0xe: {  	s8 =	sadd.s32 s8, s7;
	s7 =	sadd.s32 $0x80, s2;
	s1 =	sshrl.u32 s1, $0x3  }
.Ltmp0:
0xf: {  	s8 =	sshrl.u32 s8, $0x3;
	s1 =	sadd.s32 s1, s7;
	(pc) =	sbr.rel .LBB2_1-.Ltmp0, $4  }
0x10: {  	v0 =	vlaneseq.u32;
	_ =	strace $0x80000047;
	s8 =	sadd.s32 s2, s8;
	[dreg:$0x4] =	wrdreg s1  }
0x11: {  	v1 =	vor.u32 $0x10, v0;
	s10 =	sshrl.u32 s0, $0x1;
	s1 =	sadd.s32 $0x55C00, s1;
	[dreg:$0x5] =	wrdreg s8  }
0x12: {  	v2 =	vor.u32 $0x20, v0;
	v3 =	vor.u32 $0x30, v0;
	v4 =	vor.u32 $0x40, v0;
	s0 =	ssub.s32 s0, s10;
	s31 =	sadd.s32 $0x55C00, s8;
	[dreg:$0x6] =	wrdreg s1  }
0x13: {  	p0 =	sgt.u32 s9, $0x7;
	v5 =	vor.u32 $0x50, v0;
	v6 =	vor.u32 $0x60, v0;
	v7 =	vor.u32 $0x70, v0;
	s12 =	smax.u32 s0, $0x1;
	[dreg:$0x7] =	wrdreg s31  }
.LBB2_22:
0x14: {  	s22 =	sadd.s32 $0x1, s22  }
0x15: {  	p1 =	sne.s32 s22, s12  }
.Ltmp1:
0x16: {  	_ = 	snop;
	(pc) =	sbr.rel @!p1 .LBB2_23-.Ltmp1, $4  }
0x17: {  	_ = 	snop  }
0x18: {  	_ =	swait.ge [sflag:s21], $0x2400  }
0x19: {  	[sflag:s21] =	ssyncset.done $0x0  }
0x1a: {  	[sflag:s21] =	ssyncadd.s32 $0xFFFFDC00  }
.LBB2_1:
.Ltmp2:
0x1b: {  	(pc) =	sbr.rel @p0 .LBB2_12-.Ltmp2, $2  }
0x1c: {  	_ =	sdelay $0x2  }
0x1d: {  	s23 =	simm.s32 $0x0  }
0x1e: {  	s0 =	rddreg [dreg:$0x5]  }
0x1f: {  	[tilespmem:s23], [sflag:$0x1] =	stream.strided.gather [hbm4b:s0+s13], $0xC400, s14, s13, $0x38;
	[tilespmem:$0x1D000] =	vst v63  }
0x20: {  	s31 =	rddreg [dreg:$0x7];
	s28 =	simm.s32 $0x0  }
0x21: {  	[tilespmem:s15], [sflag:$0x2] =	stream.strided.gather [hbm4b:s31+s13], $0xC400, s14, s13, $0x38;
	[tilespmem:$0x1D000] =	vst v63  }
.LBB2_3:
0x22: {  	s0 =	sadd.s32 s4, s28  }
0x23: {  	s1 =	sshrl.u32 s0, $0x2  }
0x24: {  	s30 =	smulhi.u32 $0x24924925, s1;
	_ =	sdelay $0x1  }
0x25: {  	s1 =	smul.u32 $0x1C, s30;
	_ =	sdelay $0x1  }
0x26: {  	s25 =	smul.u32 $0x7E000, s30;
	s0 =	ssub.s32 s0, s1  }
0x27: {  	s31 =	sshll.u32 s0, $0xB  }
0x28: {  	s0 =	sadd.s32 s31, s25  }
0x29: {  	s24 =	sshrl.u32 s0, $0x3  }
0x2a: {  	s0 =	sadd.s32 s3, s24  }
0x2b: {  	[tilespmem:s16], [sflag:$0x4] =	stream.strided.gather [hbm4b:s0+s13], $0x2400, s14, s13, $0x38;
	[tilespmem:$0x1D000] =	vst v63  }
0x2c: {  	_ =	swait.ge [sflag:s17], $0x2400  }
0x2d: {  	[sflag:s17] =	ssyncset.done $0x0  }
0x2e: {  	[sflag:s17] =	ssyncadd.s32 $0xFFFFDC00  }
0x2f: {  	_ =	swait.ge [sflag:s18], $0xC400  }
0x30: {  	p1 =	seq.s32 s28, $0x0;
	[sflag:s18] =	ssyncset.done $0x0  }
0x31: {  	s0 =	simm.s32 @!p1 $0x3;
	[sflag:s18] =	ssyncadd.s32 $0xFFFF3C00  }
0x32: {  	_ =	swait.ge @!p1 [sflag:s0], $0x2400  }
0x33: {  	[sflag:s0] =	ssyncset.done @!p1 $0x0  }
0x34: {  	s26 =	simm.s32 $0x18840;
	[sflag:s0] =	ssyncadd.s32 @!p1 $0xFFFFDC00  }
0x35: {  	v8 =	vld [tilespmem:s26+$0x30]  }
0x36: {  	v9 =	vld [tilespmem:s26+$0xFFFFFFC0]  }
0x37: {  	v10 =	vld [tilespmem:s26+$0xFFFFFFD0]  }
0x38: {  	v12 =	vld [tilespmem:s26+$0xFFFFFFE0]  }
0x39: {  	v15 =	vld [tilespmem:s26+$0x10]  }
0x3a: {  	v17 =	vld [tilespmem:s26+$0x20]  }
0x3b: {  	s9 =	simm.s32 $0x188C0;
	v13 =	vld [tilespmem:s26+$0x0]  }
0x3c: {  	v21 =	vld [tilespmem:s9+$0x30]  }
0x3d: {  	v25 =	vld [tilespmem:s9+$0xFFFFFFD0];
	v11 =	vshll.u32 v8, $0xA  }
0x3e: {  	s8 =	sand.u32 $0x7, s23;
	vm0 =	vlt.s32 v8, $0x31;
	v14 =	vshll.u32 v9, $0xA;
	v16 =	vshll.u32 v10, $0xA  }
0x3f: {  	s1 =	sshll.u32 s8, $0x7;
	v18 =	vshll.u32 v12, $0xA;
	v22 =	vshll.u32 v15, $0xA;
	v24 =	vshll.u32 v17, $0xA  }
0x40: {  	vm3 =	vlt.s32 v9, $0x31;
	vm4 =	vlt.s32 v10, $0x31;
	v8 =	vor.u32 s1, v11;
	v11 =	vld [tilespmem:s26+$0xFFFFFFF0]  }
0x41: {  	vm5 =	vlt.s32 v12, $0x31;
	vm1 =	vlt.s32 v13, $0x31;
	v8 =	vor.u32 v7, v8  }
0x42: {  	vm7 =	vlt.s32 v21, $0x31;
	v12 =	vshll.u32 v25, $0xA;
	vm2 =	vlt.s32 v17, $0x31  }
0x43: {  	v28 =	vld [tilespmem:s9+$0x10];
	v14 =	vor.u32 s1, v14;
	v16 =	vor.u32 s1, v16;
	v18 =	vor.u32 s1, v18  }
0x44: {  	v23 =	vld [tilespmem:s9+$0xFFFFFFC0];
	v9 =	vor.u32 s1, v22;
	v22 =	vor.u32 s1, v24;
	v14 =	vor.u32 v0, v14  }
0x45: {  	s8 =	simm.s32 $0x1;
	v10 =	vld [tilespmem:s9+$0xFFFFFFE0];
	v16 =	vor.u32 v1, v16;
	v63 =	vor.u32 v5, v9;
	v19 =	vshll.u32 v11, $0xA  }
0x46: {  	s10 =	sand.u32 $0x7, s8;
	v20 =	vld.idx.msk [tilespmem:v8+s6+$0x0], vm0;
	v8 =	vor.u32 v2, v18;
	v18 =	vor.u32 s1, v19;
	v19 =	vshll.u32 v13, $0xA  }
0x47: {  	v26 =	vld [tilespmem:s9+$0xFFFFFFF0];
	v9 =	vshll.u32 v21, $0xA;
	vm6 =	vlt.s32 v11, $0x31;
	v19 =	vor.u32 s1, v19;
	s1 =	sshll.u32 s10, $0x7  }
0x48: {  	v27 =	vld [tilespmem:s9+$0x0];
	v17 =	vshll.u32 v28, $0xA;
	v18 =	vor.u32 v3, v18;
	v9 =	vor.u32 s1, v9  }
0x49: {  	v22 =	vor.u32 v6, v22;
	v21 =	vld [tilespmem:s9+$0x20];
	v11 =	vshll.u32 v23, $0xA;
	v9 =	vor.u32 v7, v9  }
0x4a: {  	s25 =	sadd.s32 $0x1, s28;
	vm0 =	vlt.s32 v15, $0x31;
	v29 =	vld.idx.msk [tilespmem:v14+s6+$0x0], vm3;
	v19 =	vor.u32 v4, v19;
	v11 =	vor.u32 s1, v11  }
0x4b: {  	s11 =	smin.u32 s25, $0x6;
	v13 =	vshll.u32 v10, $0xA;
	v30 =	vld.idx.msk [tilespmem:v16+s6+$0x0], vm4;
	v12 =	vor.u32 s1, v12;
	v14 =	vor.u32 v0, v11  }
0x4c: {  	s26 =	sadd.s32 s4, s11;
	v11 =	vor.u32 v1, v12;
	v12 =	vor.u32 s1, v13;
	v13 =	vshll.u32 v26, $0xA;
	v31 =	vld.idx.msk [tilespmem:v8+s6+$0x0], vm5  }
0x4d: {  	s29 =	smulhi.u32 $0x924924A, s26;
	vm4 =	vlt.s32 v10, $0x31;
	vm3 =	vlt.s32 v26, $0x31;
	v13 =	vor.u32 s1, v13;
	v15 =	vld.idx.msk [tilespmem:v18+s6+$0x0], vm6  }
0x4e: {  	s0 =	simm.s32 $0x1AC40;
	v12 =	vor.u32 v2, v12;
	v8 =	vshll.u32 v27, $0xA;
	v13 =	vor.u32 v3, v13;
	v16 =	vld.idx.msk [tilespmem:v9+s6+$0x0], vm7  }
0x4f: {  	s10 =	smul.u32 $0x1C, s29;
	[tilespmem:s0+$0x30] =	vst v20;
	vm5 =	vlt.s32 v25, $0x31;
	v18 =	vshll.u32 v21, $0xA;
	v9 =	vor.u32 s1, v17;
	v17 =	vld.idx.msk [tilespmem:v19+s6+$0x0], vm1  }
0x50: {  	[tilespmem:s0+$0xFFFFFFC0] =	vst v29;
	v8 =	vor.u32 s1, v8;
	vm6 =	vlt.s32 v23, $0x31;
	v19 =	vor.u32 s1, v18;
	v18 =	vld.idx.msk [tilespmem:v63+s6+$0x0], vm0  }
0x51: {  	s11 =	simm.s32 $0x2;
	s8 =	ssub.s32 s26, s10;
	[tilespmem:s0+$0xFFFFFFD0] =	vst v30;
	v8 =	vor.u32 v4, v8;
	s1 =	simm.s32 $0x18940;
	vm1 =	vlt.s32 v28, $0x31;
	v10 =	vor.u32 v6, v19;
	v19 =	vld.idx.msk [tilespmem:v22+s6+$0x0], vm2  }
0x52: {  	s10 =	simm.s32 $0x1AC40;
	s26 =	sshll.u32 s8, $0xB;
	s8 =	simm.s32 $0x3;
	vm0 =	vlt.s32 v21, $0x31;
	v9 =	vor.u32 v5, v9;
	vm2 =	vlt.s32 v27, $0x31;
	v20 =	vld [tilespmem:s1+$0x30];
	[tilespmem:s0+$0xFFFFFFE0] =	vst v31  }
.LBB2_4:
0x53: {  	p1 =	sne.s32 s8, $0x47;
	v21 =	vld [tilespmem:s1+$0xFFFFFFC0];
	[tilespmem:s0+$0xFFFFFFF0] =	vst v15;
	s10 =	sadd.s32 $0x80, s10  }
0x54: {  	v22 =	vld [tilespmem:s1+$0xFFFFFFD0];
	[tilespmem:s10+$0x30] =	vst v16  }
0x55: {  	v23 =	vld [tilespmem:s1+$0xFFFFFFE0];
	[tilespmem:s0+$0x0] =	vst v17  }
0x56: {  	s9 =	sand.u32 $0x7, s11;
	s11 =	smov.u32 s8;
	v24 =	vld [tilespmem:s1+$0xFFFFFFF0];
	[tilespmem:s0+$0x10] =	vst v18  }
0x57: {  	s9 =	sshll.u32 s9, $0x7;
	v25 =	vld [tilespmem:s1+$0x0];
	v15 =	vshll.u32 v20, $0xA;
	[tilespmem:s0+$0x20] =	vst v19;
	s0 =	smov.u32 s10  }
0x58: {  	vm7 =	vlt.s32 v20, $0x31;
	v16 =	vshll.u32 v21, $0xA;
	v19 =	vld [tilespmem:s1+$0x10];
	v15 =	vor.u32 s9, v15  }
0x59: {  	v16 =	vor.u32 s9, v16;
	v17 =	vshll.u32 v22, $0xA;
	v26 =	vld [tilespmem:s1+$0x20];
	v18 =	vor.u32 v7, v15  }
0x5a: {  	v15 =	vor.u32 s9, v17;
	v17 =	vshll.u32 v23, $0xA;
	v20 =	vld.idx.msk [tilespmem:v14+s6+$0x0], vm6;
	v14 =	vor.u32 v0, v16  }
0x5b: {  	v16 =	vor.u32 s9, v17;
	v17 =	vshll.u32 v24, $0xA;
	v27 =	vld.idx.msk [tilespmem:v11+s6+$0x0], vm5;
	v11 =	vor.u32 v1, v15  }
0x5c: {  	v17 =	vor.u32 s9, v17;
	v15 =	vshll.u32 v25, $0xA;
	v28 =	vld.idx.msk [tilespmem:v12+s6+$0x0], vm4;
	v12 =	vor.u32 v2, v16  }
0x5d: {  	v16 =	vor.u32 s9, v15;
	v29 =	vshll.u32 v19, $0xA;
	v15 =	vld.idx.msk [tilespmem:v13+s6+$0x0], vm3;
	v13 =	vor.u32 v3, v17  }
.Ltmp3:
0x5e: {  	v30 =	vor.u32 v4, v16;
	v17 =	vor.u32 s9, v29;
	v29 =	vshll.u32 v26, $0xA;
	v16 =	vld.idx.msk [tilespmem:v18+s6+$0x0], vm7;
	(pc) =	sbr.rel @p1 .LBB2_4-.Ltmp3, $4  }
0x5f: {  	vm6 =	vlt.s32 v21, $0x31;
	v21 =	vor.u32 v5, v17;
	v18 =	vor.u32 s9, v29;
	v17 =	vld.idx.msk [tilespmem:v8+s6+$0x0], vm2;
	v8 =	vmovc v30  }
0x60: {  	vm5 =	vlt.s32 v22, $0x31;
	vm4 =	vlt.s32 v23, $0x31;
	v22 =	vor.u32 v6, v18;
	[tilespmem:s10+$0xFFFFFFC0] =	vst v20;
	v18 =	vld.idx.msk [tilespmem:v9+s6+$0x0], vm1;
	v9 =	vmovc v21  }
0x61: {  	s1 =	sadd.s32 $0x80, s1;
	vm3 =	vlt.s32 v24, $0x31;
	vm2 =	vlt.s32 v25, $0x31;
	vm1 =	vlt.s32 v19, $0x31;
	[tilespmem:s10+$0xFFFFFFD0] =	vst v27;
	v19 =	vld.idx.msk [tilespmem:v10+s6+$0x0], vm0;
	v10 =	vmovc v22  }
0x62: {  	s8 =	sadd.s32 $0x1, s8;
	vm0 =	vlt.s32 v26, $0x31;
	v20 =	vld [tilespmem:s1+$0x30];
	[tilespmem:s10+$0xFFFFFFE0] =	vst v28  }
0x63: {  	v21 =	vld [tilespmem:s1+$0xFFFFFFC0]  }
0x64: {  	v22 =	vld [tilespmem:s1+$0xFFFFFFD0]  }
0x65: {  	v23 =	vld [tilespmem:s1+$0xFFFFFFE0]  }
0x66: {  	v24 =	vld [tilespmem:s1+$0xFFFFFFF0]  }
0x67: {  	v25 =	vld [tilespmem:s1+$0x0]  }
0x68: {  	s8 =	sand.u32 $0x7, s11;
	v27 =	vld [tilespmem:s1+$0x10]  }
0x69: {  	v14 =	vld.idx.msk [tilespmem:v14+s6+$0x0], vm6;
	s8 =	sshll.u32 s8, $0x7;
	v26 =	vshll.u32 v20, $0xA  }
0x6a: {  	v28 =	vld [tilespmem:s1+$0x20];
	vm7 =	vlt.s32 v20, $0x31;
	v41 =	vor.u32 s8, v26  }
0x6b: {  	[tilespmem:s0+$0xFFFFFFF0] =	vst v15;
	s9 =	sadd.s32 $0x80, s10;
	v11 =	vld.idx.msk [tilespmem:v11+s6+$0x0], vm5;
	v20 =	vor.u32 v7, v41  }
0x6c: {  	v12 =	vld.idx.msk [tilespmem:v12+s6+$0x0], vm4;
	[tilespmem:s9+$0x30] =	vst v16;
	v42 =	vshll.u32 v21, $0xA;
	v43 =	vshll.u32 v22, $0xA;
	v45 =	vshll.u32 v23, $0xA  }
0x6d: {  	v13 =	vld.idx.msk [tilespmem:v13+s6+$0x0], vm3;
	[tilespmem:s0+$0x0] =	vst v17;
	vm4 =	vlt.s32 v21, $0x31;
	v47 =	vshll.u32 v24, $0xA;
	vm3 =	vlt.s32 v22, $0x31  }
0x6e: {  	v48 =	vshll.u32 v25, $0xA;
	[tilespmem:s9+$0xFFFFFFC0] =	vst v14;
	v14 =	vshll.u32 v27, $0xA;
	v15 =	vor.u32 s8, v42  }
0x6f: {  	v8 =	vld.idx.msk [tilespmem:v8+s6+$0x0], vm2;
	[tilespmem:s0+$0x10] =	vst v18;
	vm6 =	vlt.s32 v27, $0x31;
	v44 =	vor.u32 s8, v43;
	v15 =	vor.u32 v0, v15  }
0x70: {  	[tilespmem:s9+$0xFFFFFFD0] =	vst v11;
	v11 =	vor.u32 s8, v14;
	v14 =	vshll.u32 v28, $0xA;
	v16 =	vor.u32 v1, v44;
	v20 =	vld.idx.msk [tilespmem:v20+s6+$0x0], vm7  }
0x71: {  	v10 =	vld.idx.msk [tilespmem:v10+s6+$0x0], vm0;
	[tilespmem:s9+$0xFFFFFFE0] =	vst v12;
	vm0 =	vlt.s32 v28, $0x31;
	v11 =	vor.u32 v5, v11;
	v12 =	vor.u32 s8, v14  }
0x72: {  	v9 =	vld.idx.msk [tilespmem:v9+s6+$0x0], vm1;
	vm5 =	vlt.s32 v23, $0x31;
	v46 =	vor.u32 s8, v45;
	v12 =	vor.u32 v6, v12  }
0x73: {  	[tilespmem:s0+$0x20] =	vst v19;
	vm2 =	vlt.s32 v24, $0x31;
	v18 =	vor.u32 s8, v47;
	v17 =	vor.u32 v2, v46  }
0x74: {  	vm1 =	vlt.s32 v25, $0x31;
	[tilespmem:s9+$0xFFFFFFF0] =	vst v13;
	v19 =	vor.u32 s8, v48;
	v18 =	vor.u32 v3, v18;
	s8 =	sadd.s32 $0x80, s9;
	v13 =	vld.idx.msk [tilespmem:v15+s6+$0x0], vm4  }
0x75: {  	v19 =	vor.u32 v4, v19;
	v14 =	vld.idx.msk [tilespmem:v16+s6+$0x0], vm3;
	[tilespmem:s8+$0x30] =	vst v20  }
0x76: {  	v11 =	vld.idx.msk [tilespmem:v11+s6+$0x0], vm6;
	[tilespmem:s9+$0x0] =	vst v8  }
0x77: {  	v12 =	vld.idx.msk [tilespmem:v12+s6+$0x0], vm0;
	[tilespmem:s9+$0x10] =	vst v9  }
0x78: {  	v8 =	vld.idx.msk [tilespmem:v17+s6+$0x0], vm5;
	[tilespmem:s9+$0x20] =	vst v10  }
0x79: {  	v9 =	vld.idx.msk [tilespmem:v18+s6+$0x0], vm2;
	[tilespmem:s8+$0xFFFFFFC0] =	vst v13  }
0x7a: {  	s10 =	smul.u32 $0xAB8000, s30;
	v10 =	vld.idx.msk [tilespmem:v19+s6+$0x0], vm1;
	[tilespmem:s8+$0xFFFFFFD0] =	vst v14  }
0x7b: {  	[tilespmem:s8+$0x10] =	vst v11  }
0x7c: {  	s1 =	sadd.s32 s31, s10;
	[tilespmem:s8+$0x20] =	vst v12  }
0x7d: {  	s1 =	sshrl.u32 s1, $0x3;
	[tilespmem:s8+$0xFFFFFFE0] =	vst v8  }
0x7e: {  	s30 =	sadd.s32 s2, s1;
	[tilespmem:s8+$0xFFFFFFF0] =	vst v9  }
0x7f: {  	s0 =	simm.s32 $0x0;
	s1 =	sadd.s32 $0xAB800, s30;
	[tilespmem:s8+$0x0] =	vst v10  }
0x80: {  	[tilespmem:s0], [sflag:$0x1] =	stream.strided.gather [hbm4b:s1+s13], $0xC400, s14, s13, $0x38;
	[tilespmem:$0x1D000] =	vst v63  }
0x81: {  	_ =	swait.ge [sflag:s19], $0xC400  }
0x82: {  	[sflag:s19] =	ssyncset.done $0x0  }
0x83: {  	s31 =	simm.s32 $0x0;
	[sflag:s19] =	ssyncadd.s32 $0xFFFF3C00  }
0x84: {  	v8 =	vld [tilespmem:s31+$0x18870]  }
0x85: {  	v9 =	vld [tilespmem:s31+$0x18800]  }
0x86: {  	v10 =	vld [tilespmem:s31+$0x18810]  }
0x87: {  	v11 =	vld [tilespmem:s31+$0x18820]  }
0x88: {  	v12 =	vld [tilespmem:s31+$0x18830]  }
0x89: {  	v13 =	vld [tilespmem:s31+$0x18840]  }
0x8a: {  	v49 =	vld [tilespmem:s31+$0x18850];
	_ =	sdelay $0x2  }
0x8b: {  	v14 =	vshll.u32 v8, $0xA;
	v15 =	vshll.u32 v9, $0xA;
	v8 =	vadd.s32 $0xFFFFFFCF, v8  }
0x8c: {  	s11 =	sand.u32 $0x7, s0;
	v50 =	vshll.u32 v10, $0xA;
	v51 =	vshll.u32 v11, $0xA;
	v52 =	vshll.u32 v12, $0xA  }
0x8d: {  	s1 =	sshll.u32 s11, $0x7;
	v53 =	vshll.u32 v13, $0xA;
	v54 =	vshll.u32 v49, $0xA;
	v56 =	vadd.s32 $0xFFFFFFCF, v9  }
0x8e: {  	v58 =	vadd.s32 $0xFFFFFFCF, v10;
	v59 =	vadd.s32 $0xFFFFFFCF, v11;
	v14 =	vor.u32 s1, v14  }
0x8f: {  	v61 =	vadd.s32 $0xFFFFFFCF, v12;
	vm0 =	vlt.u32 v8, $0x31;
	v14 =	vor.u32 v7, v14  }
0x90: {  	v62 =	vadd.s32 $0xFFFFFFCF, v13;
	v16 =	vadd.s32 $0xFFFFFFCF, v49;
	v14 =	vadd.s32 $0xFFFF3C00, v14  }
0x91: {  	v15 =	vor.u32 s1, v15;
	v17 =	vor.u32 s1, v50;
	v18 =	vor.u32 s1, v51  }
0x92: {  	v8 =	vld [tilespmem:s31+$0x18860];
	v19 =	vor.u32 s1, v52;
	v20 =	vor.u32 s1, v53;
	v21 =	vor.u32 s1, v54  }
0x93: {  	vm6 =	vlt.u32 v56, $0x31;
	vm4 =	vlt.u32 v58, $0x31;
	vm5 =	vlt.u32 v59, $0x31  }
0x94: {  	vm3 =	vlt.u32 v61, $0x31;
	vm2 =	vlt.u32 v62, $0x31;
	vm1 =	vlt.u32 v16, $0x31  }
0x95: {  	v15 =	vor.u32 v0, v15;
	v17 =	vor.u32 v1, v17;
	v18 =	vor.u32 v2, v18;
	v60 =	vld.idx.msk [tilespmem:v14+s15+$0x0], vm0  }
0x96: {  	v19 =	vor.u32 v3, v19;
	v20 =	vor.u32 v4, v20;
	v9 =	vor.u32 v5, v21  }
0x97: {  	v13 =	vadd.s32 $0xFFFF3C00, v17;
	v12 =	vadd.s32 $0xFFFF3C00, v18;
	v55 =	vshll.u32 v8, $0xA  }
0x98: {  	v11 =	vadd.s32 $0xFFFF3C00, v19;
	v10 =	vadd.s32 $0xFFFF3C00, v20;
	v22 =	vor.u32 s1, v55  }
0x99: {  	v9 =	vadd.s32 $0xFFFF3C00, v9;
	v63 =	vadd.s32 $0xFFFFFFCF, v8;
	v57 =	vor.u32 v6, v22  }
0x9a: {  	s10 =	simm.s32 $0x400;
	s1 =	simm.s32 $0x80;
	v14 =	vadd.s32 $0xFFFF3C00, v15;
	vm0 =	vlt.u32 v63, $0x31;
	v8 =	vadd.s32 $0xFFFF3C00, v57;
	[tilespmem:s31+$0x1AC70] =	vst.add.f32.msk $0xffff, v60  }
.LBB2_6:
0x9b: {  	p1 =	sne.s32 s10, $0x8E00;
	v15 =	vld [tilespmem:s1+$0x18870]  }
0x9c: {  	v16 =	vld [tilespmem:s1+$0x18800]  }
0x9d: {  	v17 =	vld [tilespmem:s1+$0x18810]  }
0x9e: {  	s0 =	sadd.s32 $0x1, s0;
	v18 =	vld [tilespmem:s1+$0x18820]  }
0x9f: {  	s8 =	sand.u32 $0x7, s0;
	v19 =	vld [tilespmem:s1+$0x18830]  }
0xa0: {  	s8 =	sshll.u32 s8, $0x7;
	v20 =	vld [tilespmem:s1+$0x18840];
	v21 =	vshll.u32 v15, $0xA  }
0xa1: {  	v15 =	vadd.s32 $0xFFFFFFCF, v15;
	v22 =	vshll.u32 v16, $0xA;
	v23 =	vld [tilespmem:s1+$0x18850];
	v21 =	vor.u32 s8, v21  }
0xa2: {  	vm7 =	vlt.u32 v15, $0x31;
	v24 =	vshll.u32 v17, $0xA;
	v25 =	vld [tilespmem:s1+$0x18860];
	v15 =	vor.u32 v7, v21  }
0xa3: {  	v21 =	vor.u32 s8, v22;
	v22 =	vshll.u32 v18, $0xA;
	v15 =	vadd.s32 $0xFFFF3C00, v15;
	v14 =	vld.idx.msk [tilespmem:v14+s15+$0x0], vm6  }
0xa4: {  	v24 =	vor.u32 s8, v24;
	v22 =	vor.u32 s8, v22;
	v26 =	vshll.u32 v19, $0xA;
	v27 =	vld.idx.msk [tilespmem:v13+s15+$0x0], vm4  }
0xa5: {  	v13 =	vor.u32 v0, v21;
	v21 =	vor.u32 s8, v26;
	v26 =	vshll.u32 v20, $0xA;
	v28 =	vld.idx.msk [tilespmem:v12+s15+$0x0], vm5  }
0xa6: {  	v12 =	vor.u32 v1, v24;
	v24 =	vor.u32 s8, v26;
	v26 =	vshll.u32 v23, $0xA;
	v29 =	vld.idx.msk [tilespmem:v11+s15+$0x0], vm3  }
0xa7: {  	v11 =	vor.u32 v2, v22;
	v22 =	vor.u32 s8, v26;
	v26 =	vshll.u32 v25, $0xA;
	v30 =	vld.idx.msk [tilespmem:v10+s15+$0x0], vm2  }
0xa8: {  	v10 =	vor.u32 v3, v21;
	v21 =	vor.u32 v4, v24;
	v24 =	vor.u32 s8, v26;
	v15 =	vld.idx.msk [tilespmem:v15+s15+$0x0], vm7  }
0xa9: {  	v16 =	vadd.s32 $0xFFFFFFCF, v16;
	v22 =	vor.u32 v5, v22;
	v24 =	vor.u32 v6, v24;
	v26 =	vld.idx.msk [tilespmem:v9+s15+$0x0], vm1  }
0xaa: {  	v17 =	vadd.s32 $0xFFFFFFCF, v17;
	v18 =	vadd.s32 $0xFFFFFFCF, v18;
	v19 =	vadd.s32 $0xFFFFFFCF, v19;
	v31 =	vld.idx.msk [tilespmem:v8+s15+$0x0], vm0  }
0xab: {  	v20 =	vadd.s32 $0xFFFFFFCF, v20;
	v23 =	vadd.s32 $0xFFFFFFCF, v23;
	v25 =	vadd.s32 $0xFFFFFFCF, v25;
	[tilespmem:s31+$0x1AC00] =	vst.add.f32.msk $0xffff, v14  }
0xac: {  	v14 =	vadd.s32 $0xFFFF3C00, v13;
	v13 =	vadd.s32 $0xFFFF3C00, v12;
	v12 =	vadd.s32 $0xFFFF3C00, v11;
	[tilespmem:s31+$0x1AC10] =	vst.add.f32.msk $0xffff, v27  }
0xad: {  	v9 =	vadd.s32 $0xFFFF3C00, v22;
	v11 =	vadd.s32 $0xFFFF3C00, v10;
	v10 =	vadd.s32 $0xFFFF3C00, v21;
	[tilespmem:s31+$0x1AC20] =	vst.add.f32.msk $0xffff, v28  }
.Ltmp4:
0xae: {  	vm6 =	vlt.u32 v16, $0x31;
	vm4 =	vlt.u32 v17, $0x31;
	v8 =	vadd.s32 $0xFFFF3C00, v24;
	[tilespmem:s1+$0x1AC70] =	vst.add.f32.msk $0xffff, v15;
	(pc) =	sbr.rel @p1 .LBB2_6-.Ltmp4, $4  }
0xaf: {  	vm5 =	vlt.u32 v18, $0x31;
	vm3 =	vlt.u32 v19, $0x31;
	vm2 =	vlt.u32 v20, $0x31;
	[tilespmem:s31+$0x1AC30] =	vst.add.f32.msk $0xffff, v29  }
0xb0: {  	vm1 =	vlt.u32 v23, $0x31;
	vm0 =	vlt.u32 v25, $0x31;
	[tilespmem:s31+$0x1AC40] =	vst.add.f32.msk $0xffff, v30  }
0xb1: {  	[tilespmem:s31+$0x1AC50] =	vst.add.f32.msk $0xffff, v26  }
0xb2: {  	[tilespmem:s31+$0x1AC60] =	vst.add.f32.msk $0xffff, v31;
	s31 =	smov.u32 s1;
	s1 =	sshra.s32 s10, $0x2;
	s10 =	sadd.s32 $0x200, s10  }
0xb3: {  	v15 =	vld [tilespmem:s1+$0x18870]  }
0xb4: {  	v16 =	vld [tilespmem:s1+$0x18800]  }
0xb5: {  	v17 =	vld [tilespmem:s1+$0x18810]  }
0xb6: {  	v18 =	vld [tilespmem:s1+$0x18820]  }
0xb7: {  	v19 =	vld [tilespmem:s1+$0x18830]  }
0xb8: {  	s0 =	sadd.s32 $0x1, s0;
	v20 =	vld [tilespmem:s1+$0x18840]  }
0xb9: {  	v22 =	vld [tilespmem:s1+$0x18850];
	s0 =	sand.u32 $0x7, s0  }
0xba: {  	v12 =	vld.idx.msk [tilespmem:v12+s15+$0x0], vm5;
	s0 =	sshll.u32 s0, $0x7;
	v21 =	vshll.u32 v15, $0xA  }
0xbb: {  	v23 =	vld [tilespmem:s1+$0x18860];
	v15 =	vadd.s32 $0xFFFFFFCF, v15;
	v21 =	vor.u32 s0, v21  }
0xbc: {  	v14 =	vld.idx.msk [tilespmem:v14+s15+$0x0], vm6;
	vm7 =	vlt.u32 v15, $0x31;
	v15 =	vor.u32 v7, v21  }
0xbd: {  	v13 =	vld.idx.msk [tilespmem:v13+s15+$0x0], vm4;
	v15 =	vadd.s32 $0xFFFF3C00, v15  }
0xbe: {  	v11 =	vld.idx.msk [tilespmem:v11+s15+$0x0], vm3;
	v25 =	vshll.u32 v18, $0xA  }
0xbf: {  	[tilespmem:s31+$0x1AC20] =	vst.add.f32.msk $0xffff, v12;
	v12 =	vadd.s32 $0xFFFFFFCF, v18;
	v25 =	vor.u32 s0, v25  }
0xc0: {  	v10 =	vld.idx.msk [tilespmem:v10+s15+$0x0], vm2;
	vm2 =	vlt.u32 v12, $0x31;
	v25 =	vor.u32 v2, v25  }
0xc1: {  	v9 =	vld.idx.msk [tilespmem:v9+s15+$0x0], vm1;
	v12 =	vadd.s32 $0xFFFF3C00, v25  }
0xc2: {  	v45 =	vshll.u32 v16, $0xA;
	v24 =	vshll.u32 v17, $0xA;
	v26 =	vshll.u32 v19, $0xA;
	v15 =	vld.idx.msk [tilespmem:v15+s15+$0x0], vm7  }
0xc3: {  	v8 =	vld.idx.msk [tilespmem:v8+s15+$0x0], vm0;
	v27 =	vshll.u32 v20, $0xA;
	v28 =	vshll.u32 v22, $0xA;
	v29 =	vshll.u32 v23, $0xA  }
0xc4: {  	[tilespmem:s31+$0x1AC00] =	vst.add.f32.msk $0xffff, v14;
	v16 =	vadd.s32 $0xFFFFFFCF, v16;
	v17 =	vadd.s32 $0xFFFFFFCF, v17;
	v21 =	vor.u32 s0, v45  }
0xc5: {  	[tilespmem:s31+$0x1AC10] =	vst.add.f32.msk $0xffff, v13;
	v24 =	vor.u32 s0, v24;
	vm0 =	vlt.u32 v16, $0x31;
	v21 =	vor.u32 v0, v21  }
0xc6: {  	v26 =	vor.u32 s0, v26;
	v27 =	vor.u32 s0, v27;
	v47 =	vadd.s32 $0xFFFF3C00, v21;
	v12 =	vld.idx.msk [tilespmem:v12+s15+$0x0], vm2  }
0xc7: {  	v28 =	vor.u32 s0, v28;
	vm1 =	vlt.u32 v17, $0x31;
	v24 =	vor.u32 v1, v24;
	[tilespmem:s1+$0x1AC70] =	vst.add.f32.msk $0xffff, v15  }
0xc8: {  	v46 =	vor.u32 s0, v29;
	v48 =	vadd.s32 $0xFFFF3C00, v24;
	v15 =	vadd.s32 $0xFFFFFFCF, v19;
	[tilespmem:s31+$0x1AC30] =	vst.add.f32.msk $0xffff, v11  }
0xc9: {  	v26 =	vor.u32 v3, v26;
	v14 =	vor.u32 v4, v27;
	vm3 =	vlt.u32 v15, $0x31;
	[tilespmem:s31+$0x1AC40] =	vst.add.f32.msk $0xffff, v10  }
0xca: {  	v11 =	vadd.s32 $0xFFFFFFCF, v20;
	v15 =	vadd.s32 $0xFFFF3C00, v26;
	[tilespmem:s31+$0x1AC50] =	vst.add.f32.msk $0xffff, v9;
	v9 =	vadd.s32 $0xFFFFFFCF, v23  }
0xcb: {  	v10 =	vadd.s32 $0xFFFFFFCF, v22;
	vm4 =	vlt.u32 v11, $0x31;
	vm6 =	vlt.u32 v9, $0x31;
	v9 =	vld.idx.msk [tilespmem:v47+s15+$0x0], vm0  }
0xcc: {  	v13 =	vor.u32 v5, v28;
	[tilespmem:s31+$0x1AC60] =	vst.add.f32.msk $0xffff, v8;
	v11 =	vadd.s32 $0xFFFF3C00, v14;
	vm5 =	vlt.u32 v10, $0x31  }
0xcd: {  	v8 =	vor.u32 v6, v46;
	v10 =	vadd.s32 $0xFFFF3C00, v13;
	v13 =	vld.idx.msk [tilespmem:v48+s15+$0x0], vm1  }
0xce: {  	v8 =	vadd.s32 $0xFFFF3C00, v8;
	[tilespmem:s1+$0x1AC20] =	vst.add.f32.msk $0xffff, v12  }
0xcf: {  	v14 =	vld.idx.msk [tilespmem:v15+s15+$0x0], vm3  }
0xd0: {  	[tilespmem:s1+$0x1AC00] =	vst.add.f32.msk $0xffff, v9  }
0xd1: {  	v11 =	vld.idx.msk [tilespmem:v11+s15+$0x0], vm4  }
0xd2: {  	v10 =	vld.idx.msk [tilespmem:v10+s15+$0x0], vm5  }
0xd3: {  	v8 =	vld.idx.msk [tilespmem:v8+s15+$0x0], vm6  }
0xd4: {  	[tilespmem:s1+$0x1AC10] =	vst.add.f32.msk $0xffff, v13  }
0xd5: {  	[tilespmem:s1+$0x1AC30] =	vst.add.f32.msk $0xffff, v14  }
0xd6: {  	[tilespmem:s1+$0x1AC40] =	vst.add.f32.msk $0xffff, v11  }
0xd7: {  	[tilespmem:s1+$0x1AC50] =	vst.add.f32.msk $0xffff, v10  }
0xd8: {  	s11 =	sadd.s32 $0x101400, s30;
	[tilespmem:s1+$0x1AC60] =	vst.add.f32.msk $0xffff, v8  }
0xd9: {  	[tilespmem:s15], [sflag:$0x2] =	stream.strided.gather [hbm4b:s11+s13], $0xC400, s14, s13, $0x38;
	[tilespmem:$0x1D000] =	vst v63  }
0xda: {  	_ =	swait.ge [sflag:s18], $0xC400  }
0xdb: {  	[sflag:s18] =	ssyncset.done $0x0  }
0xdc: {  	s30 =	simm.s32 $0x0;
	[sflag:s18] =	ssyncadd.s32 $0xFFFF3C00  }
0xdd: {  	v8 =	vld [tilespmem:s30+$0x18870]  }
0xde: {  	v9 =	vld [tilespmem:s30+$0x18800]  }
0xdf: {  	v10 =	vld [tilespmem:s30+$0x18810]  }
0xe0: {  	v11 =	vld [tilespmem:s30+$0x18820]  }
0xe1: {  	v12 =	vld [tilespmem:s30+$0x18830]  }
0xe2: {  	v13 =	vld [tilespmem:s30+$0x18840]  }
0xe3: {  	v49 =	vld [tilespmem:s30+$0x18850];
	_ =	sdelay $0x2  }
0xe4: {  	s0 =	simm.s32 $0x0;
	v14 =	vshll.u32 v8, $0xA;
	v15 =	vshll.u32 v9, $0xA;
	v8 =	vadd.s32 $0xFFFFFF9E, v8  }
0xe5: {  	s31 =	sand.u32 $0x7, s0;
	v50 =	vshll.u32 v10, $0xA;
	v51 =	vshll.u32 v11, $0xA;
	v52 =	vshll.u32 v12, $0xA  }
0xe6: {  	s1 =	sshll.u32 s31, $0x7;
	v53 =	vshll.u32 v13, $0xA;
	v54 =	vshll.u32 v49, $0xA;
	v56 =	vadd.s32 $0xFFFFFF9E, v9  }
0xe7: {  	v58 =	vadd.s32 $0xFFFFFF9E, v10;
	v59 =	vadd.s32 $0xFFFFFF9E, v11;
	v14 =	vor.u32 s1, v14  }
0xe8: {  	v61 =	vadd.s32 $0xFFFFFF9E, v12;
	vm0 =	vlt.u32 v8, $0x31;
	v14 =	vor.u32 v7, v14  }
0xe9: {  	v62 =	vadd.s32 $0xFFFFFF9E, v13;
	v16 =	vadd.s32 $0xFFFFFF9E, v49;
	v14 =	vadd.s32 $0xFFFE7800, v14  }
0xea: {  	v15 =	vor.u32 s1, v15;
	v17 =	vor.u32 s1, v50;
	v18 =	vor.u32 s1, v51  }
0xeb: {  	v8 =	vld [tilespmem:s30+$0x18860];
	v19 =	vor.u32 s1, v52;
	v20 =	vor.u32 s1, v53;
	v21 =	vor.u32 s1, v54  }
0xec: {  	vm6 =	vlt.u32 v56, $0x31;
	vm4 =	vlt.u32 v58, $0x31;
	vm5 =	vlt.u32 v59, $0x31  }
0xed: {  	vm3 =	vlt.u32 v61, $0x31;
	vm2 =	vlt.u32 v62, $0x31;
	vm1 =	vlt.u32 v16, $0x31  }
0xee: {  	v15 =	vor.u32 v0, v15;
	v17 =	vor.u32 v1, v17;
	v18 =	vor.u32 v2, v18;
	v60 =	vld.idx.msk [tilespmem:v14+s6+$0x0], vm0  }
0xef: {  	v19 =	vor.u32 v3, v19;
	v20 =	vor.u32 v4, v20;
	v9 =	vor.u32 v5, v21  }
0xf0: {  	v13 =	vadd.s32 $0xFFFE7800, v17;
	v12 =	vadd.s32 $0xFFFE7800, v18;
	v55 =	vshll.u32 v8, $0xA  }
0xf1: {  	v11 =	vadd.s32 $0xFFFE7800, v19;
	v10 =	vadd.s32 $0xFFFE7800, v20;
	v22 =	vor.u32 s1, v55  }
0xf2: {  	v9 =	vadd.s32 $0xFFFE7800, v9;
	v63 =	vadd.s32 $0xFFFFFF9E, v8;
	v57 =	vor.u32 v6, v22  }
0xf3: {  	s10 =	simm.s32 $0x400;
	s1 =	simm.s32 $0x80;
	v14 =	vadd.s32 $0xFFFE7800, v15;
	vm0 =	vlt.u32 v63, $0x31;
	v8 =	vadd.s32 $0xFFFE7800, v57;
	[tilespmem:s30+$0x1AC70] =	vst.add.f32.msk $0xffff, v60  }
.LBB2_8:
0xf4: {  	p1 =	sne.s32 s10, $0x8E00;
	v15 =	vld [tilespmem:s1+$0x18870]  }
0xf5: {  	v16 =	vld [tilespmem:s1+$0x18800]  }
0xf6: {  	v17 =	vld [tilespmem:s1+$0x18810]  }
0xf7: {  	s0 =	sadd.s32 $0x1, s0;
	v18 =	vld [tilespmem:s1+$0x18820]  }
0xf8: {  	s8 =	sand.u32 $0x7, s0;
	v19 =	vld [tilespmem:s1+$0x18830]  }
0xf9: {  	s8 =	sshll.u32 s8, $0x7;
	v20 =	vld [tilespmem:s1+$0x18840];
	v21 =	vshll.u32 v15, $0xA  }
0xfa: {  	v15 =	vadd.s32 $0xFFFFFF9E, v15;
	v22 =	vshll.u32 v16, $0xA;
	v23 =	vld [tilespmem:s1+$0x18850];
	v21 =	vor.u32 s8, v21  }
0xfb: {  	vm7 =	vlt.u32 v15, $0x31;
	v24 =	vshll.u32 v17, $0xA;
	v25 =	vld [tilespmem:s1+$0x18860];
	v15 =	vor.u32 v7, v21  }
0xfc: {  	v21 =	vor.u32 s8, v22;
	v22 =	vshll.u32 v18, $0xA;
	v15 =	vadd.s32 $0xFFFE7800, v15;
	v14 =	vld.idx.msk [tilespmem:v14+s6+$0x0], vm6  }
0xfd: {  	v24 =	vor.u32 s8, v24;
	v22 =	vor.u32 s8, v22;
	v26 =	vshll.u32 v19, $0xA;
	v27 =	vld.idx.msk [tilespmem:v13+s6+$0x0], vm4  }
0xfe: {  	v13 =	vor.u32 v0, v21;
	v21 =	vor.u32 s8, v26;
	v26 =	vshll.u32 v20, $0xA;
	v28 =	vld.idx.msk [tilespmem:v12+s6+$0x0], vm5  }
0xff: {  	v12 =	vor.u32 v1, v24;
	v24 =	vor.u32 s8, v26;
	v26 =	vshll.u32 v23, $0xA;
	v29 =	vld.idx.msk [tilespmem:v11+s6+$0x0], vm3  }
0x100: {  	v11 =	vor.u32 v2, v22;
	v22 =	vor.u32 s8, v26;
	v26 =	vshll.u32 v25, $0xA;
	v30 =	vld.idx.msk [tilespmem:v10+s6+$0x0], vm2  }
0x101: {  	v10 =	vor.u32 v3, v21;
	v21 =	vor.u32 v4, v24;
	v24 =	vor.u32 s8, v26;
	v15 =	vld.idx.msk [tilespmem:v15+s6+$0x0], vm7  }
0x102: {  	v16 =	vadd.s32 $0xFFFFFF9E, v16;
	v22 =	vor.u32 v5, v22;
	v24 =	vor.u32 v6, v24;
	v26 =	vld.idx.msk [tilespmem:v9+s6+$0x0], vm1  }
0x103: {  	v17 =	vadd.s32 $0xFFFFFF9E, v17;
	v18 =	vadd.s32 $0xFFFFFF9E, v18;
	v19 =	vadd.s32 $0xFFFFFF9E, v19;
	v31 =	vld.idx.msk [tilespmem:v8+s6+$0x0], vm0  }
0x104: {  	v20 =	vadd.s32 $0xFFFFFF9E, v20;
	v23 =	vadd.s32 $0xFFFFFF9E, v23;
	v25 =	vadd.s32 $0xFFFFFF9E, v25;
	[tilespmem:s30+$0x1AC00] =	vst.add.f32.msk $0xffff, v14  }
0x105: {  	v14 =	vadd.s32 $0xFFFE7800, v13;
	v13 =	vadd.s32 $0xFFFE7800, v12;
	v12 =	vadd.s32 $0xFFFE7800, v11;
	[tilespmem:s30+$0x1AC10] =	vst.add.f32.msk $0xffff, v27  }
0x106: {  	v9 =	vadd.s32 $0xFFFE7800, v22;
	v11 =	vadd.s32 $0xFFFE7800, v10;
	v10 =	vadd.s32 $0xFFFE7800, v21;
	[tilespmem:s30+$0x1AC20] =	vst.add.f32.msk $0xffff, v28  }
.Ltmp5:
0x107: {  	vm6 =	vlt.u32 v16, $0x31;
	vm4 =	vlt.u32 v17, $0x31;
	v8 =	vadd.s32 $0xFFFE7800, v24;
	[tilespmem:s1+$0x1AC70] =	vst.add.f32.msk $0xffff, v15;
	(pc) =	sbr.rel @p1 .LBB2_8-.Ltmp5, $4  }
0x108: {  	vm5 =	vlt.u32 v18, $0x31;
	vm3 =	vlt.u32 v19, $0x31;
	vm2 =	vlt.u32 v20, $0x31;
	[tilespmem:s30+$0x1AC30] =	vst.add.f32.msk $0xffff, v29  }
0x109: {  	vm1 =	vlt.u32 v23, $0x31;
	vm0 =	vlt.u32 v25, $0x31;
	[tilespmem:s30+$0x1AC40] =	vst.add.f32.msk $0xffff, v30  }
0x10a: {  	[tilespmem:s30+$0x1AC50] =	vst.add.f32.msk $0xffff, v26  }
0x10b: {  	[tilespmem:s30+$0x1AC60] =	vst.add.f32.msk $0xffff, v31;
	s30 =	smov.u32 s1;
	s1 =	sshra.s32 s10, $0x2;
	s10 =	sadd.s32 $0x200, s10  }
0x10c: {  	v15 =	vld [tilespmem:s1+$0x18870]  }
0x10d: {  	v16 =	vld [tilespmem:s1+$0x18800]  }
0x10e: {  	v17 =	vld [tilespmem:s1+$0x18810]  }
0x10f: {  	v18 =	vld [tilespmem:s1+$0x18820]  }
0x110: {  	v19 =	vld [tilespmem:s1+$0x18830]  }
0x111: {  	s0 =	sadd.s32 $0x1, s0;
	v20 =	vld [tilespmem:s1+$0x18840]  }
0x112: {  	v22 =	vld [tilespmem:s1+$0x18850];
	s0 =	sand.u32 $0x7, s0  }
0x113: {  	v12 =	vld.idx.msk [tilespmem:v12+s6+$0x0], vm5;
	s0 =	sshll.u32 s0, $0x7;
	v21 =	vshll.u32 v15, $0xA  }
0x114: {  	v23 =	vld [tilespmem:s1+$0x18860];
	v15 =	vadd.s32 $0xFFFFFF9E, v15;
	v21 =	vor.u32 s0, v21  }
0x115: {  	v14 =	vld.idx.msk [tilespmem:v14+s6+$0x0], vm6;
	vm7 =	vlt.u32 v15, $0x31;
	v15 =	vor.u32 v7, v21  }
0x116: {  	v13 =	vld.idx.msk [tilespmem:v13+s6+$0x0], vm4;
	v15 =	vadd.s32 $0xFFFE7800, v15  }
0x117: {  	v11 =	vld.idx.msk [tilespmem:v11+s6+$0x0], vm3;
	v25 =	vshll.u32 v18, $0xA  }
0x118: {  	[tilespmem:s30+$0x1AC20] =	vst.add.f32.msk $0xffff, v12;
	v12 =	vadd.s32 $0xFFFFFF9E, v18;
	v25 =	vor.u32 s0, v25  }
0x119: {  	v10 =	vld.idx.msk [tilespmem:v10+s6+$0x0], vm2;
	vm2 =	vlt.u32 v12, $0x31;
	v25 =	vor.u32 v2, v25  }
0x11a: {  	v9 =	vld.idx.msk [tilespmem:v9+s6+$0x0], vm1;
	v12 =	vadd.s32 $0xFFFE7800, v25  }
0x11b: {  	v45 =	vshll.u32 v16, $0xA;
	v24 =	vshll.u32 v17, $0xA;
	v26 =	vshll.u32 v19, $0xA;
	v15 =	vld.idx.msk [tilespmem:v15+s6+$0x0], vm7  }
0x11c: {  	v8 =	vld.idx.msk [tilespmem:v8+s6+$0x0], vm0;
	v27 =	vshll.u32 v20, $0xA;
	v28 =	vshll.u32 v22, $0xA;
	v29 =	vshll.u32 v23, $0xA  }
0x11d: {  	[tilespmem:s30+$0x1AC00] =	vst.add.f32.msk $0xffff, v14;
	v16 =	vadd.s32 $0xFFFFFF9E, v16;
	v17 =	vadd.s32 $0xFFFFFF9E, v17;
	v21 =	vor.u32 s0, v45  }
0x11e: {  	[tilespmem:s30+$0x1AC10] =	vst.add.f32.msk $0xffff, v13;
	v24 =	vor.u32 s0, v24;
	vm0 =	vlt.u32 v16, $0x31;
	v21 =	vor.u32 v0, v21  }
0x11f: {  	v26 =	vor.u32 s0, v26;
	v27 =	vor.u32 s0, v27;
	v47 =	vadd.s32 $0xFFFE7800, v21;
	v12 =	vld.idx.msk [tilespmem:v12+s6+$0x0], vm2  }
0x120: {  	v28 =	vor.u32 s0, v28;
	vm1 =	vlt.u32 v17, $0x31;
	v24 =	vor.u32 v1, v24;
	[tilespmem:s1+$0x1AC70] =	vst.add.f32.msk $0xffff, v15  }
0x121: {  	v46 =	vor.u32 s0, v29;
	v48 =	vadd.s32 $0xFFFE7800, v24;
	v15 =	vadd.s32 $0xFFFFFF9E, v19;
	[tilespmem:s30+$0x1AC30] =	vst.add.f32.msk $0xffff, v11  }
0x122: {  	v26 =	vor.u32 v3, v26;
	v14 =	vor.u32 v4, v27;
	vm3 =	vlt.u32 v15, $0x31;
	[tilespmem:s30+$0x1AC40] =	vst.add.f32.msk $0xffff, v10  }
0x123: {  	v11 =	vadd.s32 $0xFFFFFF9E, v20;
	v15 =	vadd.s32 $0xFFFE7800, v26;
	[tilespmem:s30+$0x1AC50] =	vst.add.f32.msk $0xffff, v9;
	v9 =	vadd.s32 $0xFFFFFF9E, v23  }
0x124: {  	v10 =	vadd.s32 $0xFFFFFF9E, v22;
	vm4 =	vlt.u32 v11, $0x31;
	vm6 =	vlt.u32 v9, $0x31;
	v9 =	vld.idx.msk [tilespmem:v47+s6+$0x0], vm0  }
0x125: {  	v13 =	vor.u32 v5, v28;
	[tilespmem:s30+$0x1AC60] =	vst.add.f32.msk $0xffff, v8;
	v11 =	vadd.s32 $0xFFFE7800, v14;
	vm5 =	vlt.u32 v10, $0x31  }
0x126: {  	v8 =	vor.u32 v6, v46;
	v10 =	vadd.s32 $0xFFFE7800, v13;
	v13 =	vld.idx.msk [tilespmem:v48+s6+$0x0], vm1  }
0x127: {  	v8 =	vadd.s32 $0xFFFE7800, v8;
	[tilespmem:s1+$0x1AC20] =	vst.add.f32.msk $0xffff, v12  }
0x128: {  	v14 =	vld.idx.msk [tilespmem:v15+s6+$0x0], vm3  }
0x129: {  	[tilespmem:s1+$0x1AC00] =	vst.add.f32.msk $0xffff, v9  }
0x12a: {  	v11 =	vld.idx.msk [tilespmem:v11+s6+$0x0], vm4  }
0x12b: {  	v10 =	vld.idx.msk [tilespmem:v10+s6+$0x0], vm5  }
0x12c: {  	p1 =	seq.s32 s28, $0x6;
	v8 =	vld.idx.msk [tilespmem:v8+s6+$0x0], vm6  }
0x12d: {  	s28 =	smul.u32 @!p1 $0xAB8000, s29;
	[tilespmem:s1+$0x1AC10] =	vst.add.f32.msk $0xffff, v13  }
0x12e: {  	[tilespmem:s1+$0x1AC30] =	vst.add.f32.msk $0xffff, v14  }
0x12f: {  	s0 =	sadd.s32 @!p1 s26, s28;
	[tilespmem:s1+$0x1AC40] =	vst.add.f32.msk $0xffff, v11  }
0x130: {  	s8 =	simm.s32 @!p1 $0xE000;
	s0 =	sshrl.u32 @!p1 s0, $0x3;
	[tilespmem:s1+$0x1AC50] =	vst.add.f32.msk $0xffff, v10  }
0x131: {  	s9 =	simm.s32 @!p1 $0x0;
	s0 =	sadd.s32 @!p1 s2, s0;
	[tilespmem:s1+$0x1AC60] =	vst.add.f32.msk $0xffff, v8;
	s1 =	simm.s32 @!p1 $0x400  }
0x132: {  	[tilespmem:s9], [sflag:$0x1] =	stream.strided.gather @!p1 [hbm4b:s0+s1], $0xC400, s8, s1, $0x38;
	[tilespmem:$0x1D000] =	vst v63  }
0x133: {  	_ =	swait.ge [sflag:s19], $0xC400  }
0x134: {  	[sflag:s19] =	ssyncset.done $0x0  }
0x135: {  	s29 =	simm.s32 $0x0;
	[sflag:s19] =	ssyncadd.s32 $0xFFFF3C00  }
0x136: {  	v8 =	vld [tilespmem:s29+$0x18870]  }
0x137: {  	v9 =	vld [tilespmem:s29+$0x18800]  }
0x138: {  	v10 =	vld [tilespmem:s29+$0x18810]  }
0x139: {  	v11 =	vld [tilespmem:s29+$0x18820]  }
0x13a: {  	v12 =	vld [tilespmem:s29+$0x18830]  }
0x13b: {  	v13 =	vld [tilespmem:s29+$0x18840]  }
0x13c: {  	v49 =	vld [tilespmem:s29+$0x18850];
	_ =	sdelay $0x2  }
0x13d: {  	s0 =	simm.s32 $0x0;
	v14 =	vshll.u32 v8, $0xA;
	v15 =	vshll.u32 v9, $0xA;
	v8 =	vadd.s32 $0xFFFFFF6D, v8  }
0x13e: {  	s31 =	sand.u32 $0x7, s0;
	v50 =	vshll.u32 v10, $0xA;
	v51 =	vshll.u32 v11, $0xA;
	v52 =	vshll.u32 v12, $0xA  }
0x13f: {  	s1 =	sshll.u32 s31, $0x7;
	v53 =	vshll.u32 v13, $0xA;
	v54 =	vshll.u32 v49, $0xA;
	v56 =	vadd.s32 $0xFFFFFF6D, v9  }
0x140: {  	v58 =	vadd.s32 $0xFFFFFF6D, v10;
	v59 =	vadd.s32 $0xFFFFFF6D, v11;
	v14 =	vor.u32 s1, v14  }
0x141: {  	v61 =	vadd.s32 $0xFFFFFF6D, v12;
	vm0 =	vlt.u32 v8, $0x31;
	v14 =	vor.u32 v7, v14  }
0x142: {  	v62 =	vadd.s32 $0xFFFFFF6D, v13;
	v16 =	vadd.s32 $0xFFFFFF6D, v49;
	v14 =	vadd.s32 $0xFFFDB400, v14  }
0x143: {  	v15 =	vor.u32 s1, v15;
	v17 =	vor.u32 s1, v50;
	v18 =	vor.u32 s1, v51  }
0x144: {  	v8 =	vld [tilespmem:s29+$0x18860];
	v19 =	vor.u32 s1, v52;
	v20 =	vor.u32 s1, v53;
	v21 =	vor.u32 s1, v54  }
0x145: {  	vm6 =	vlt.u32 v56, $0x31;
	vm4 =	vlt.u32 v58, $0x31;
	vm5 =	vlt.u32 v59, $0x31  }
0x146: {  	vm3 =	vlt.u32 v61, $0x31;
	vm2 =	vlt.u32 v62, $0x31;
	vm1 =	vlt.u32 v16, $0x31  }
0x147: {  	v15 =	vor.u32 v0, v15;
	v17 =	vor.u32 v1, v17;
	v18 =	vor.u32 v2, v18;
	v60 =	vld.idx.msk [tilespmem:v14+s15+$0x0], vm0  }
0x148: {  	v19 =	vor.u32 v3, v19;
	v20 =	vor.u32 v4, v20;
	v9 =	vor.u32 v5, v21  }
0x149: {  	v13 =	vadd.s32 $0xFFFDB400, v17;
	v12 =	vadd.s32 $0xFFFDB400, v18;
	v55 =	vshll.u32 v8, $0xA  }
0x14a: {  	v11 =	vadd.s32 $0xFFFDB400, v19;
	v10 =	vadd.s32 $0xFFFDB400, v20;
	v22 =	vor.u32 s1, v55  }
0x14b: {  	v9 =	vadd.s32 $0xFFFDB400, v9;
	v63 =	vadd.s32 $0xFFFFFF6D, v8;
	v57 =	vor.u32 v6, v22  }
0x14c: {  	s10 =	simm.s32 $0x400;
	s1 =	simm.s32 $0x80;
	v14 =	vadd.s32 $0xFFFDB400, v15;
	vm0 =	vlt.u32 v63, $0x31;
	v8 =	vadd.s32 $0xFFFDB400, v57;
	[tilespmem:s29+$0x1AC70] =	vst.add.f32.msk $0xffff, v60  }
.LBB2_10:
0x14d: {  	p2 =	sne.s32 s10, $0x8E00;
	v15 =	vld [tilespmem:s1+$0x18870]  }
0x14e: {  	v16 =	vld [tilespmem:s1+$0x18800]  }
0x14f: {  	v17 =	vld [tilespmem:s1+$0x18810]  }
0x150: {  	s0 =	sadd.s32 $0x1, s0;
	v18 =	vld [tilespmem:s1+$0x18820]  }
0x151: {  	s8 =	sand.u32 $0x7, s0;
	v19 =	vld [tilespmem:s1+$0x18830]  }
0x152: {  	s8 =	sshll.u32 s8, $0x7;
	v20 =	vld [tilespmem:s1+$0x18840];
	v21 =	vshll.u32 v15, $0xA  }
0x153: {  	v15 =	vadd.s32 $0xFFFFFF6D, v15;
	v22 =	vshll.u32 v16, $0xA;
	v23 =	vld [tilespmem:s1+$0x18850];
	v21 =	vor.u32 s8, v21  }
0x154: {  	vm7 =	vlt.u32 v15, $0x31;
	v24 =	vshll.u32 v17, $0xA;
	v25 =	vld [tilespmem:s1+$0x18860];
	v15 =	vor.u32 v7, v21  }
0x155: {  	v21 =	vor.u32 s8, v22;
	v22 =	vshll.u32 v18, $0xA;
	v15 =	vadd.s32 $0xFFFDB400, v15;
	v14 =	vld.idx.msk [tilespmem:v14+s15+$0x0], vm6  }
0x156: {  	v24 =	vor.u32 s8, v24;
	v22 =	vor.u32 s8, v22;
	v26 =	vshll.u32 v19, $0xA;
	v27 =	vld.idx.msk [tilespmem:v13+s15+$0x0], vm4  }
0x157: {  	v13 =	vor.u32 v0, v21;
	v21 =	vor.u32 s8, v26;
	v26 =	vshll.u32 v20, $0xA;
	v28 =	vld.idx.msk [tilespmem:v12+s15+$0x0], vm5  }
0x158: {  	v12 =	vor.u32 v1, v24;
	v24 =	vor.u32 s8, v26;
	v26 =	vshll.u32 v23, $0xA;
	v29 =	vld.idx.msk [tilespmem:v11+s15+$0x0], vm3  }
0x159: {  	v11 =	vor.u32 v2, v22;
	v22 =	vor.u32 s8, v26;
	v26 =	vshll.u32 v25, $0xA;
	v30 =	vld.idx.msk [tilespmem:v10+s15+$0x0], vm2  }
0x15a: {  	v10 =	vor.u32 v3, v21;
	v21 =	vor.u32 v4, v24;
	v24 =	vor.u32 s8, v26;
	v15 =	vld.idx.msk [tilespmem:v15+s15+$0x0], vm7  }
0x15b: {  	v16 =	vadd.s32 $0xFFFFFF6D, v16;
	v22 =	vor.u32 v5, v22;
	v24 =	vor.u32 v6, v24;
	v26 =	vld.idx.msk [tilespmem:v9+s15+$0x0], vm1  }
0x15c: {  	v17 =	vadd.s32 $0xFFFFFF6D, v17;
	v18 =	vadd.s32 $0xFFFFFF6D, v18;
	v19 =	vadd.s32 $0xFFFFFF6D, v19;
	v31 =	vld.idx.msk [tilespmem:v8+s15+$0x0], vm0  }
0x15d: {  	v20 =	vadd.s32 $0xFFFFFF6D, v20;
	v23 =	vadd.s32 $0xFFFFFF6D, v23;
	v25 =	vadd.s32 $0xFFFFFF6D, v25;
	[tilespmem:s29+$0x1AC00] =	vst.add.f32.msk $0xffff, v14  }
0x15e: {  	v14 =	vadd.s32 $0xFFFDB400, v13;
	v13 =	vadd.s32 $0xFFFDB400, v12;
	v12 =	vadd.s32 $0xFFFDB400, v11;
	[tilespmem:s29+$0x1AC10] =	vst.add.f32.msk $0xffff, v27  }
0x15f: {  	v9 =	vadd.s32 $0xFFFDB400, v22;
	v11 =	vadd.s32 $0xFFFDB400, v10;
	v10 =	vadd.s32 $0xFFFDB400, v21;
	[tilespmem:s29+$0x1AC20] =	vst.add.f32.msk $0xffff, v28  }
.Ltmp6:
0x160: {  	vm6 =	vlt.u32 v16, $0x31;
	vm4 =	vlt.u32 v17, $0x31;
	v8 =	vadd.s32 $0xFFFDB400, v24;
	[tilespmem:s1+$0x1AC70] =	vst.add.f32.msk $0xffff, v15;
	(pc) =	sbr.rel @p2 .LBB2_10-.Ltmp6, $4  }
0x161: {  	vm5 =	vlt.u32 v18, $0x31;
	vm3 =	vlt.u32 v19, $0x31;
	vm2 =	vlt.u32 v20, $0x31;
	[tilespmem:s29+$0x1AC30] =	vst.add.f32.msk $0xffff, v29  }
0x162: {  	vm1 =	vlt.u32 v23, $0x31;
	vm0 =	vlt.u32 v25, $0x31;
	[tilespmem:s29+$0x1AC40] =	vst.add.f32.msk $0xffff, v30  }
0x163: {  	[tilespmem:s29+$0x1AC50] =	vst.add.f32.msk $0xffff, v26  }
0x164: {  	[tilespmem:s29+$0x1AC60] =	vst.add.f32.msk $0xffff, v31;
	s29 =	smov.u32 s1;
	s1 =	sshra.s32 s10, $0x2;
	s10 =	sadd.s32 $0x200, s10  }
0x165: {  	v15 =	vld [tilespmem:s1+$0x18870]  }
0x166: {  	v16 =	vld [tilespmem:s1+$0x18800]  }
0x167: {  	v17 =	vld [tilespmem:s1+$0x18810]  }
0x168: {  	v18 =	vld [tilespmem:s1+$0x18820]  }
0x169: {  	v19 =	vld [tilespmem:s1+$0x18830]  }
0x16a: {  	v20 =	vld [tilespmem:s1+$0x18840]  }
0x16b: {  	v22 =	vld [tilespmem:s1+$0x18850]  }
0x16c: {  	s0 =	sadd.s32 $0x1, s0;
	v23 =	vld [tilespmem:s1+$0x18860];
	v21 =	vshll.u32 v15, $0xA;
	v15 =	vadd.s32 $0xFFFFFF6D, v15  }
0x16d: {  	v14 =	vld.idx.msk [tilespmem:v14+s15+$0x0], vm6;
	s0 =	sand.u32 $0x7, s0;
	v46 =	vshll.u32 v16, $0xA;
	v24 =	vshll.u32 v17, $0xA;
	v25 =	vshll.u32 v18, $0xA  }
0x16e: {  	v13 =	vld.idx.msk [tilespmem:v13+s15+$0x0], vm4;
	s0 =	sshll.u32 s0, $0x7;
	v26 =	vshll.u32 v19, $0xA;
	v16 =	vadd.s32 $0xFFFFFF6D, v16;
	v17 =	vadd.s32 $0xFFFFFF6D, v17  }
0x16f: {  	v12 =	vld.idx.msk [tilespmem:v12+s15+$0x0], vm5;
	v50 =	vadd.s32 $0xFFFFFF6D, v18;
	v52 =	vadd.s32 $0xFFFFFF6D, v19;
	v21 =	vor.u32 s0, v21  }
0x170: {  	v11 =	vld.idx.msk [tilespmem:v11+s15+$0x0], vm3;
	vm7 =	vlt.u32 v15, $0x31;
	v24 =	vor.u32 s0, v24;
	v25 =	vor.u32 s0, v25  }
0x171: {  	v10 =	vld.idx.msk [tilespmem:v10+s15+$0x0], vm2;
	v26 =	vor.u32 s0, v26;
	vm10 =	vlt.u32 v17, $0x31;
	v45 =	vor.u32 v7, v21  }
0x172: {  	v9 =	vld.idx.msk [tilespmem:v9+s15+$0x0], vm1;
	vm11 =	vlt.u32 v50, $0x31;
	v24 =	vor.u32 v1, v24;
	v15 =	vadd.s32 $0xFFFDB400, v45  }
0x173: {  	v8 =	vld.idx.msk [tilespmem:v8+s15+$0x0], vm0;
	vm12 =	vlt.u32 v52, $0x31;
	v25 =	vor.u32 v2, v25;
	v53 =	vadd.s32 $0xFFFDB400, v24  }
0x174: {  	[tilespmem:s29+$0x1AC00] =	vst.add.f32.msk $0xffff, v14;
	v21 =	vor.u32 s0, v46;
	v26 =	vor.u32 v3, v26;
	v55 =	vadd.s32 $0xFFFDB400, v25  }
0x175: {  	[tilespmem:s29+$0x1AC10] =	vst.add.f32.msk $0xffff, v13;
	vm9 =	vlt.u32 v16, $0x31;
	v21 =	vor.u32 v0, v21;
	v57 =	vadd.s32 $0xFFFDB400, v26  }
0x176: {  	[tilespmem:s29+$0x1AC20] =	vst.add.f32.msk $0xffff, v12;
	v51 =	vadd.s32 $0xFFFDB400, v21  }
0x177: {  	v15 =	vld.idx.msk [tilespmem:v15+s15+$0x0], vm7  }
0x178: {  	v62 =	vld.idx.msk [tilespmem:v53+s15+$0x0], vm10  }
0x179: {  	v27 =	vshll.u32 v20, $0xA;
	v28 =	vshll.u32 v22, $0xA;
	v12 =	vld.idx.msk [tilespmem:v55+s15+$0x0], vm11  }
0x17a: {  	v54 =	vadd.s32 $0xFFFFFF6D, v20;
	v56 =	vadd.s32 $0xFFFFFF6D, v22;
	v27 =	vor.u32 s0, v27;
	v63 =	vld.idx.msk [tilespmem:v57+s15+$0x0], vm12  }
0x17b: {  	v28 =	vor.u32 s0, v28;
	vm13 =	vlt.u32 v54, $0x31;
	v47 =	vor.u32 v4, v27;
	v61 =	vld.idx.msk [tilespmem:v51+s15+$0x0], vm9  }
0x17c: {  	vm14 =	vlt.u32 v56, $0x31;
	v49 =	vor.u32 v5, v28;
	v59 =	vadd.s32 $0xFFFDB400, v47;
	[tilespmem:s1+$0x1AC70] =	vst.add.f32.msk $0xffff, v15  }
0x17d: {  	v29 =	vshll.u32 v23, $0xA;
	v60 =	vadd.s32 $0xFFFDB400, v49;
	[tilespmem:s29+$0x1AC30] =	vst.add.f32.msk $0xffff, v11  }
0x17e: {  	v58 =	vadd.s32 $0xFFFFFF6D, v23;
	v48 =	vor.u32 s0, v29;
	[tilespmem:s29+$0x1AC40] =	vst.add.f32.msk $0xffff, v10  }
0x17f: {  	vm15 =	vlt.u32 v58, $0x31;
	[tilespmem:s29+$0x1AC60] =	vst.add.f32.msk $0xffff, v8;
	v8 =	vor.u32 v6, v48  }
0x180: {  	[tilespmem:s29+$0x1AC50] =	vst.add.f32.msk $0xffff, v9;
	v8 =	vadd.s32 $0xFFFDB400, v8  }
0x181: {  	v11 =	vld.idx.msk [tilespmem:v59+s15+$0x0], vm13  }
0x182: {  	v10 =	vld.idx.msk [tilespmem:v60+s15+$0x0], vm14  }
0x183: {  	[tilespmem:s1+$0x1AC00] =	vst.add.f32.msk $0xffff, v61  }
0x184: {  	[tilespmem:s1+$0x1AC10] =	vst.add.f32.msk $0xffff, v62  }
0x185: {  	v8 =	vld.idx.msk [tilespmem:v8+s15+$0x0], vm15  }
0x186: {  	[tilespmem:s1+$0x1AC20] =	vst.add.f32.msk $0xffff, v12  }
0x187: {  	s0 =	sadd.s32 @!p1 s28, s26;
	[tilespmem:s1+$0x1AC30] =	vst.add.f32.msk $0xffff, v63  }
0x188: {  	s0 =	sshrl.u32 @!p1 s0, $0x3;
	[tilespmem:s1+$0x1AC40] =	vst.add.f32.msk $0xffff, v11  }
0x189: {  	s8 =	simm.s32 @!p1 $0xE000;
	s0 =	sadd.s32 @!p1 s2, s0;
	[tilespmem:s1+$0x1AC50] =	vst.add.f32.msk $0xffff, v10  }
0x18a: {  	s9 =	simm.s32 @!p1 $0xC400;
	s0 =	sadd.s32 @!p1 $0x55C00, s0;
	[tilespmem:s1+$0x1AC60] =	vst.add.f32.msk $0xffff, v8;
	s1 =	simm.s32 @!p1 $0x400  }
0x18b: {  	[tilespmem:s9], [sflag:$0x2] =	stream.strided.gather @!p1 [hbm4b:s0+s1], $0xC400, s8, s1, $0x38;
	[tilespmem:$0x1D000] =	vst v63  }
0x18c: {  	p1 =	seq.s32 s25, $0x7  }
.Ltmp7:
0x18d: {  	_ = 	snop;
	(pc) =	sbr.rel @!p1 .LBB2_3-.Ltmp7, $4  }
.Ltmp8:
0x18e: {  	_ = 	snop;
	(pc) =	sbr.rel @p1 .LBB2_22-.Ltmp8, $4  }
0x18f: {  	_ = 	snop  }
0x190: {  	s31 =	sadd.s32 s5, s24;
	s28 =	smov.u32 s25  }
0x191: {  	[hbm4b:s31+s13] =	stream.strided.scatter [tilespmem:s20], [sflag:$0x3], $0x2400, s14, s13, $0x38;
	[tilespmem:$0x1D000] =	vst v63  }
0x192: {  	_ = 	snop  }
.LBB2_12:
0x193: {  	s0 =	rddreg [dreg:$0x4]  }
0x194: {  	[tilespmem:s23], [sflag:$0x1] =	stream.strided.gather [hbm4b:s0+s13], $0xC400, s14, s13, $0x38;
	[tilespmem:$0x1D000] =	vst v63  }
0x195: {  	s31 =	rddreg [dreg:$0x6];
	s26 =	simm.s32 $0x0  }
0x196: {  	[tilespmem:s15], [sflag:$0x2] =	stream.strided.gather [hbm4b:s31+s13], $0xC400, s14, s13, $0x38;
	[tilespmem:$0x1D000] =	vst v63  }
.LBB2_13:
0x197: {  	s1 =	sadd.s32 s4, s26  }
0x198: {  	s0 =	sshrl.u32 s1, $0x2  }
0x199: {  	s0 =	smulhi.u32 $0x24924925, s0;
	_ =	sdelay $0x1  }
0x19a: {  	s8 =	smul.u32 $0x1C, s0;
	_ =	sdelay $0x1  }
0x19b: {  	s10 =	smul.u32 $0x7E000, s0;
	s1 =	ssub.s32 s1, s8  }
0x19c: {  	s30 =	sshll.u32 s1, $0xB  }
0x19d: {  	s1 =	sadd.s32 s30, s10  }
0x19e: {  	s1 =	sshrl.u32 s1, $0x3  }
0x19f: {  	s24 =	sor.u32 $0x80, s1  }
0x1a0: {  	s1 =	sadd.s32 s3, s24  }
0x1a1: {  	[tilespmem:s16], [sflag:$0x4] =	stream.strided.gather [hbm4b:s1+s13], $0x2400, s14, s13, $0x38;
	[tilespmem:$0x1D000] =	vst v63  }
0x1a2: {  	_ =	swait.ge [sflag:s17], $0x2400  }
0x1a3: {  	[sflag:s17] =	ssyncset.done $0x0  }
0x1a4: {  	[sflag:s17] =	ssyncadd.s32 $0xFFFFDC00  }
0x1a5: {  	_ =	swait.ge [sflag:s18], $0xC400  }
0x1a6: {  	p1 =	seq.s32 s26, $0x0;
	[sflag:s18] =	ssyncset.done $0x0  }
0x1a7: {  	s1 =	simm.s32 @!p1 $0x3;
	[sflag:s18] =	ssyncadd.s32 $0xFFFF3C00  }
0x1a8: {  	_ =	swait.ge @!p1 [sflag:s1], $0x2400  }
0x1a9: {  	[sflag:s1] =	ssyncset.done @!p1 $0x0  }
0x1aa: {  	s11 =	simm.s32 $0x18830;
	[sflag:s1] =	ssyncadd.s32 @!p1 $0xFFFFDC00  }
0x1ab: {  	v8 =	vld [tilespmem:s11+$0x20];
	_ =	sdelay $0x2  }
0x1ac: {  	v9 =	vld [tilespmem:s11+$0xFFFFFFD0]  }
0x1ad: {  	s25 =	sand.u32 $0x7, s23;
	v11 =	vld [tilespmem:s11+$0xFFFFFFE0]  }
0x1ae: {  	s8 =	sshll.u32 s25, $0x7;
	v12 =	vld [tilespmem:s11+$0x0];
	v10 =	vshll.u32 v8, $0xA  }
0x1af: {  	vm0 =	vlt.s32 v8, $0x31;
	v8 =	vor.u32 s8, v10;
	v10 =	vld [tilespmem:s11+$0xFFFFFFF0]  }
0x1b0: {  	v8 =	vor.u32 v5, v8  }
0x1b1: {  	s31 =	simm.s32 $0x188B0;
	v14 =	vld [tilespmem:s11+$0x10]  }
0x1b2: {  	v16 =	vld [tilespmem:s31+$0x20];
	v13 =	vshll.u32 v9, $0xA;
	v15 =	vshll.u32 v11, $0xA;
	vm1 =	vlt.s32 v9, $0x31  }
0x1b3: {  	v21 =	vld [tilespmem:s31+$0xFFFFFFD0];
	vm4 =	vlt.s32 v12, $0x31;
	v13 =	vor.u32 s8, v13;
	v15 =	vor.u32 s8, v15  }
0x1b4: {  	v22 =	vld [tilespmem:s31+$0xFFFFFFE0];
	v13 =	vor.u32 v0, v13;
	v17 =	vshll.u32 v10, $0xA;
	vm2 =	vlt.s32 v10, $0x31  }
0x1b5: {  	v19 =	vld.idx.msk [tilespmem:v8+s6+$0x0], vm0;
	v8 =	vor.u32 v1, v15;
	vm0 =	vlt.s32 v11, $0x31;
	v11 =	vshll.u32 v12, $0xA  }
0x1b6: {  	s9 =	simm.s32 $0x1;
	v23 =	vld [tilespmem:s31+$0xFFFFFFF0];
	v9 =	vor.u32 s8, v17;
	v10 =	vor.u32 s8, v11;
	v11 =	vshll.u32 v14, $0xA  }
0x1b7: {  	s9 =	sand.u32 $0x7, s9;
	s25 =	sadd.s32 $0x1, s26;
	v9 =	vor.u32 v2, v9;
	v12 =	vor.u32 v3, v10;
	v10 =	vor.u32 s8, v11;
	v11 =	vld [tilespmem:s31+$0x0]  }
0x1b8: {  	s10 =	smin.u32 s25, $0x6;
	vm5 =	vlt.s32 v14, $0x31;
	v14 =	vld [tilespmem:s31+$0x10];
	s8 =	sshll.u32 s9, $0x7;
	v18 =	vor.u32 v4, v10;
	v10 =	vshll.u32 v16, $0xA  }
0x1b9: {  	vm3 =	vlt.s32 v16, $0x31;
	s11 =	sadd.s32 s4, s10;
	s10 =	simm.s32 $0x18930;
	v15 =	vshll.u32 v21, $0xA;
	v24 =	vld.idx.msk [tilespmem:v13+s6+$0x0], vm1;
	v10 =	vor.u32 s8, v10  }
0x1ba: {  	s28 =	smulhi.u32 $0x924924A, s11;
	v20 =	vld [tilespmem:s10+$0x20];
	vm1 =	vlt.s32 v21, $0x31;
	v13 =	vor.u32 s8, v15;
	v25 =	vor.u32 v5, v10  }
0x1bb: {  	v16 =	vshll.u32 v22, $0xA;
	v10 =	vor.u32 v0, v13;
	v13 =	vshll.u32 v23, $0xA;
	v15 =	vld.idx.msk [tilespmem:v8+s6+$0x0], vm0  }
0x1bc: {  	s1 =	simm.s32 $0x1AC30;
	s31 =	smul.u32 $0x1C, s28;
	v8 =	vor.u32 s8, v16;
	v16 =	vld.idx.msk [tilespmem:v9+s6+$0x0], vm2;
	v9 =	vor.u32 s8, v13;
	v13 =	vshll.u32 v11, $0xA  }
0x1bd: {  	[tilespmem:s1+$0x20] =	vst v19;
	vm2 =	vlt.s32 v22, $0x31;
	v17 =	vld.idx.msk [tilespmem:v12+s6+$0x0], vm4;
	v12 =	vor.u32 s8, v13;
	v13 =	vshll.u32 v14, $0xA  }
0x1be: {  	s0 =	smul.u32 $0xAB8000, s0;
	s9 =	ssub.s32 s11, s31;
	[tilespmem:s1+$0xFFFFFFD0] =	vst v24;
	vm0 =	vlt.s32 v23, $0x31;
	v8 =	vor.u32 v1, v8;
	v18 =	vld.idx.msk [tilespmem:v18+s6+$0x0], vm5;
	v13 =	vor.u32 s8, v13  }
0x1bf: {  	s11 =	simm.s32 $0x3;
	s29 =	sshll.u32 s9, $0xB;
	v9 =	vor.u32 v2, v9;
	v12 =	vor.u32 v3, v12;
	s8 =	simm.s32 $0x2;
	v13 =	vor.u32 v4, v13;
	v19 =	vld.idx.msk [tilespmem:v25+s6+$0x0], vm3  }
.LBB2_14:
0x1c0: {  	p1 =	sne.s32 s11, $0x47;
	v21 =	vld [tilespmem:s10+$0xFFFFFFD0];
	vm4 =	vlt.s32 v11, $0x31;
	vm3 =	vlt.s32 v14, $0x31;
	[tilespmem:s1+$0xFFFFFFE0] =	vst v15  }
0x1c1: {  	v22 =	vld [tilespmem:s10+$0xFFFFFFE0];
	[tilespmem:s1+$0xFFFFFFF0] =	vst v16  }
0x1c2: {  	v23 =	vld [tilespmem:s10+$0xFFFFFFF0];
	[tilespmem:s1+$0x0] =	vst v17  }
0x1c3: {  	s9 =	sand.u32 $0x7, s8;
	s8 =	smov.u32 s11;
	v11 =	vld [tilespmem:s10+$0x0];
	[tilespmem:s1+$0x10] =	vst v18  }
0x1c4: {  	s9 =	sshll.u32 s9, $0x7;
	v15 =	vshll.u32 v20, $0xA;
	s1 =	sadd.s32 $0x80, s1;
	v14 =	vld [tilespmem:s10+$0x10]  }
0x1c5: {  	vm5 =	vlt.s32 v20, $0x31;
	v15 =	vor.u32 s9, v15;
	v16 =	vshll.u32 v21, $0xA;
	v24 =	vld.idx.msk [tilespmem:v10+s6+$0x0], vm1;
	[tilespmem:s1+$0x20] =	vst v19  }
0x1c6: {  	v19 =	vor.u32 v5, v15;
	v10 =	vor.u32 s9, v16;
	v16 =	vshll.u32 v22, $0xA;
	v15 =	vld.idx.msk [tilespmem:v8+s6+$0x0], vm2  }
.Ltmp9:
0x1c7: {  	v10 =	vor.u32 v0, v10;
	v8 =	vor.u32 s9, v16;
	v17 =	vshll.u32 v23, $0xA;
	v16 =	vld.idx.msk [tilespmem:v9+s6+$0x0], vm0;
	(pc) =	sbr.rel @p1 .LBB2_14-.Ltmp9, $4  }
0x1c8: {  	v8 =	vor.u32 v1, v8;
	v9 =	vor.u32 s9, v17;
	v18 =	vshll.u32 v11, $0xA;
	v17 =	vld.idx.msk [tilespmem:v12+s6+$0x0], vm4  }
0x1c9: {  	s10 =	sadd.s32 $0x80, s10;
	v9 =	vor.u32 v2, v9;
	v12 =	vor.u32 s9, v18;
	v25 =	vshll.u32 v14, $0xA;
	v18 =	vld.idx.msk [tilespmem:v13+s6+$0x0], vm3  }
0x1ca: {  	vm1 =	vlt.s32 v21, $0x31;
	v20 =	vld [tilespmem:s10+$0x20];
	v12 =	vor.u32 v3, v12;
	v13 =	vor.u32 s9, v25  }
0x1cb: {  	s11 =	sadd.s32 $0x1, s11;
	vm2 =	vlt.s32 v22, $0x31;
	vm0 =	vlt.s32 v23, $0x31;
	v13 =	vor.u32 v4, v13;
	v19 =	vld.idx.msk [tilespmem:v19+s6+$0x0], vm5;
	[tilespmem:s1+$0xFFFFFFD0] =	vst v24  }
0x1cc: {  	v21 =	vld [tilespmem:s10+$0xFFFFFFD0]  }
0x1cd: {  	v22 =	vld [tilespmem:s10+$0xFFFFFFE0]  }
0x1ce: {  	v23 =	vld [tilespmem:s10+$0xFFFFFFF0]  }
0x1cf: {  	vm5 =	vlt.s32 v11, $0x31;
	v11 =	vld [tilespmem:s10+$0x0]  }
0x1d0: {  	s8 =	sand.u32 $0x7, s8  }
0x1d1: {  	vm3 =	vlt.s32 v14, $0x31;
	v25 =	vld [tilespmem:s10+$0x10];
	s8 =	sshll.u32 s8, $0x7;
	v14 =	vshll.u32 v20, $0xA;
	vm4 =	vlt.s32 v20, $0x31  }
0x1d2: {  	v14 =	vor.u32 s8, v14;
	v24 =	vshll.u32 v21, $0xA;
	v43 =	vshll.u32 v22, $0xA  }
0x1d3: {  	v10 =	vld.idx.msk [tilespmem:v10+s6+$0x0], vm1;
	v14 =	vor.u32 v5, v14;
	vm1 =	vlt.s32 v21, $0x31;
	v44 =	vshll.u32 v23, $0xA  }
0x1d4: {  	[tilespmem:s1+$0xFFFFFFE0] =	vst v15;
	v8 =	vld.idx.msk [tilespmem:v8+s6+$0x0], vm2;
	vm2 =	vlt.s32 v22, $0x31;
	v46 =	vshll.u32 v11, $0xA;
	v42 =	vor.u32 s8, v24  }
0x1d5: {  	[tilespmem:s1+$0xFFFFFFF0] =	vst v16;
	v9 =	vld.idx.msk [tilespmem:v9+s6+$0x0], vm0;
	vm0 =	vlt.s32 v23, $0x31;
	v15 =	vor.u32 s8, v43;
	v20 =	vor.u32 v0, v42  }
0x1d6: {  	[tilespmem:s1+$0x0] =	vst v17;
	v47 =	vshll.u32 v25, $0xA;
	v45 =	vor.u32 s8, v44;
	v15 =	vor.u32 v1, v15  }
0x1d7: {  	s11 =	sadd.s32 $0x80, s1;
	[tilespmem:s1+$0x10] =	vst v18;
	v12 =	vld.idx.msk [tilespmem:v12+s6+$0x0], vm5;
	v17 =	vor.u32 s8, v46;
	vm5 =	vlt.s32 v11, $0x31;
	v16 =	vor.u32 v2, v45  }
0x1d8: {  	[tilespmem:s11+$0x20] =	vst v19;
	v11 =	vld.idx.msk [tilespmem:v13+s6+$0x0], vm3;
	v48 =	vor.u32 s8, v47;
	vm3 =	vlt.s32 v25, $0x31;
	v13 =	vor.u32 v3, v17  }
0x1d9: {  	[tilespmem:s11+$0xFFFFFFD0] =	vst v10;
	v17 =	vor.u32 v4, v48;
	v14 =	vld.idx.msk [tilespmem:v14+s6+$0x0], vm4  }
0x1da: {  	[tilespmem:s11+$0xFFFFFFE0] =	vst v8;
	v8 =	vld.idx.msk [tilespmem:v20+s6+$0x0], vm1  }
0x1db: {  	[tilespmem:s11+$0xFFFFFFF0] =	vst v9;
	v9 =	vld.idx.msk [tilespmem:v15+s6+$0x0], vm2  }
0x1dc: {  	[tilespmem:s11+$0x0] =	vst v12;
	v10 =	vld.idx.msk [tilespmem:v16+s6+$0x0], vm0  }
0x1dd: {  	s1 =	sadd.s32 $0x80, s11;
	[tilespmem:s11+$0x10] =	vst v11;
	v11 =	vld.idx.msk [tilespmem:v13+s6+$0x0], vm5  }
0x1de: {  	v12 =	vld.idx.msk [tilespmem:v17+s6+$0x0], vm3;
	[tilespmem:s1+$0x20] =	vst v14  }
0x1df: {  	[tilespmem:s1+$0xFFFFFFD0] =	vst v8  }
0x1e0: {  	s0 =	sadd.s32 s0, s30;
	[tilespmem:s1+$0xFFFFFFE0] =	vst v9  }
0x1e1: {  	s0 =	sshrl.u32 s0, $0x3;
	[tilespmem:s1+$0xFFFFFFF0] =	vst v10  }
0x1e2: {  	s30 =	sadd.s32 s7, s0;
	[tilespmem:s1+$0x0] =	vst v11  }
0x1e3: {  	s9 =	simm.s32 $0x0;
	s0 =	sadd.s32 $0xAB800, s30;
	[tilespmem:s1+$0x10] =	vst v12  }
0x1e4: {  	[tilespmem:s9], [sflag:$0x1] =	stream.strided.gather [hbm4b:s0+s13], $0xC400, s14, s13, $0x38;
	[tilespmem:$0x1D000] =	vst v63  }
0x1e5: {  	_ =	swait.ge [sflag:s19], $0xC400  }
0x1e6: {  	[sflag:s19] =	ssyncset.done $0x0  }
0x1e7: {  	s1 =	simm.s32 $0x0;
	[sflag:s19] =	ssyncadd.s32 $0xFFFF3C00  }
0x1e8: {  	v8 =	vld [tilespmem:s1+$0x18850]  }
0x1e9: {  	v9 =	vld [tilespmem:s1+$0x18800]  }
0x1ea: {  	v11 =	vld [tilespmem:s1+$0x18820]  }
0x1eb: {  	v12 =	vld [tilespmem:s1+$0x18830]  }
0x1ec: {  	v14 =	vld [tilespmem:s1+$0x18840]  }
0x1ed: {  	s31 =	simm.s32 $0x80  }
0x1ee: {  	s10 =	sand.u32 $0x7, s9;
	v54 =	vld [tilespmem:s31+$0x18840]  }
0x1ef: {  	s0 =	sshll.u32 s10, $0x7;
	v53 =	vld [tilespmem:s31+$0x18830];
	v13 =	vshll.u32 v8, $0xA;
	v8 =	vadd.s32 $0xFFFFFFCF, v8;
	v15 =	vshll.u32 v9, $0xA  }
0x1f0: {  	v49 =	vshll.u32 v11, $0xA;
	v50 =	vshll.u32 v12, $0xA;
	v13 =	vor.u32 s0, v13  }
0x1f1: {  	v51 =	vshll.u32 v14, $0xA;
	vm0 =	vlt.u32 v8, $0x31;
	v8 =	vor.u32 v5, v13  }
0x1f2: {  	v10 =	vld [tilespmem:s1+$0x18810];
	v9 =	vadd.s32 $0xFFFFFFCF, v9;
	v11 =	vadd.s32 $0xFFFFFFCF, v11;
	v8 =	vadd.s32 $0xFFFF3C00, v8  }
0x1f3: {  	v12 =	vadd.s32 $0xFFFFFFCF, v12;
	v14 =	vadd.s32 $0xFFFFFFCF, v14;
	v58 =	vshll.u32 v54, $0xA  }
0x1f4: {  	v62 =	vadd.s32 $0xFFFFFFCF, v53;
	v63 =	vadd.s32 $0xFFFFFFCF, v54;
	v16 =	vor.u32 s0, v49  }
0x1f5: {  	v52 =	vld [tilespmem:s31+$0x18850];
	v17 =	vor.u32 s0, v50;
	vm2 =	vlt.u32 v11, $0x31;
	v16 =	vor.u32 v2, v16  }
0x1f6: {  	vm3 =	vlt.u32 v12, $0x31;
	v17 =	vor.u32 v3, v17;
	v16 =	vadd.s32 $0xFFFF3C00, v16  }
0x1f7: {  	v13 =	vor.u32 s0, v15;
	v15 =	vshll.u32 v10, $0xA;
	v17 =	vadd.s32 $0xFFFF3C00, v17;
	v8 =	vld.idx.msk [tilespmem:v8+s15+$0x0], vm0  }
0x1f8: {  	v10 =	vadd.s32 $0xFFFFFFCF, v10;
	v15 =	vor.u32 s0, v15;
	vm0 =	vlt.u32 v9, $0x31;
	v9 =	vld [tilespmem:s31+$0x18800]  }
0x1f9: {  	v18 =	vor.u32 s0, v51;
	vm1 =	vlt.u32 v10, $0x31;
	v10 =	vld [tilespmem:s31+$0x18810];
	s0 =	simm.s32 $0x1;
	v15 =	vor.u32 v1, v15  }
0x1fa: {  	v11 =	vld [tilespmem:s31+$0x18820];
	v12 =	vshll.u32 v52, $0xA;
	vm4 =	vlt.u32 v14, $0x31;
	s11 =	sand.u32 $0x7, s0;
	v15 =	vadd.s32 $0xFFFF3C00, v15  }
0x1fb: {  	v14 =	vadd.s32 $0xFFFFFFCF, v52;
	v18 =	vor.u32 v4, v18;
	v13 =	vor.u32 v0, v13;
	s8 =	sshll.u32 s11, $0x7;
	v16 =	vld.idx.msk [tilespmem:v16+s15+$0x0], vm2  }
0x1fc: {  	vm5 =	vlt.u32 v14, $0x31;
	v13 =	vadd.s32 $0xFFFF3C00, v13;
	v12 =	vor.u32 s8, v12;
	v17 =	vld.idx.msk [tilespmem:v17+s15+$0x0], vm3  }
0x1fd: {  	v18 =	vadd.s32 $0xFFFF3C00, v18;
	v12 =	vor.u32 v5, v12;
	[tilespmem:s1+$0x1AC50] =	vst.add.f32.msk $0xffff, v8;
	v8 =	vshll.u32 v9, $0xA  }
0x1fe: {  	v14 =	vshll.u32 v10, $0xA;
	v12 =	vadd.s32 $0xFFFF3C00, v12;
	v8 =	vor.u32 s8, v8  }
0x1ff: {  	v15 =	vld.idx.msk [tilespmem:v15+s15+$0x0], vm1;
	v55 =	vor.u32 v0, v8;
	v8 =	vor.u32 s8, v14;
	v14 =	vshll.u32 v11, $0xA  }
0x200: {  	[tilespmem:s1+$0x1AC20] =	vst.add.f32.msk $0xffff, v16;
	v56 =	vor.u32 v1, v8;
	v8 =	vor.u32 s8, v14;
	v14 =	vshll.u32 v53, $0xA  }
0x201: {  	v60 =	vadd.s32 $0xFFFFFFCF, v11;
	v10 =	vadd.s32 $0xFFFFFFCF, v10;
	v13 =	vld.idx.msk [tilespmem:v13+s15+$0x0], vm0;
	v14 =	vor.u32 s8, v14  }
0x202: {  	v59 =	vadd.s32 $0xFFFFFFCF, v9;
	[tilespmem:s1+$0x1AC30] =	vst.add.f32.msk $0xffff, v17;
	v9 =	vor.u32 v3, v14;
	v14 =	vor.u32 s8, v58  }
0x203: {  	vm3 =	vlt.u32 v60, $0x31;
	vm2 =	vlt.u32 v10, $0x31;
	v61 =	vor.u32 v4, v14;
	v14 =	vld.idx.msk [tilespmem:v12+s15+$0x0], vm5  }
0x204: {  	vm1 =	vlt.u32 v62, $0x31;
	vm0 =	vlt.u32 v63, $0x31;
	[tilespmem:s1+$0x1AC10] =	vst.add.f32.msk $0xffff, v15;
	v57 =	vor.u32 v2, v8  }
0x205: {  	v8 =	vld.idx.msk [tilespmem:v18+s15+$0x0], vm4;
	vm4 =	vlt.u32 v59, $0x31;
	v11 =	vadd.s32 $0xFFFF3C00, v57;
	v12 =	vadd.s32 $0xFFFF3C00, v55  }
0x206: {  	s10 =	simm.s32 $0x100;
	s8 =	simm.s32 $0x600;
	[tilespmem:s1+$0x1AC00] =	vst.add.f32.msk $0xffff, v13;
	v13 =	vadd.s32 $0xFFFF3C00, v56;
	v9 =	vadd.s32 $0xFFFF3C00, v9;
	v10 =	vadd.s32 $0xFFFF3C00, v61  }
.LBB2_16:
0x207: {  	p1 =	sne.s32 s8, $0x8E00;
	v15 =	vld [tilespmem:s10+$0x18850]  }
0x208: {  	[tilespmem:s31+$0x1AC50] =	vst.add.f32.msk $0xffff, v14  }
0x209: {  	v14 =	vld [tilespmem:s10+$0x18800]  }
0x20a: {  	s0 =	sadd.s32 $0x1, s0;
	v16 =	vld [tilespmem:s10+$0x18810]  }
0x20b: {  	s9 =	sand.u32 $0x7, s0;
	v17 =	vld [tilespmem:s10+$0x18820]  }
0x20c: {  	s9 =	sshll.u32 s9, $0x7;
	v18 =	vld [tilespmem:s10+$0x18830];
	v19 =	vshll.u32 v15, $0xA  }
0x20d: {  	v15 =	vadd.s32 $0xFFFFFFCF, v15;
	v20 =	vld [tilespmem:s10+$0x18840];
	v19 =	vor.u32 s9, v19  }
0x20e: {  	vm5 =	vlt.u32 v15, $0x31;
	v21 =	vshll.u32 v14, $0xA;
	v15 =	vor.u32 v5, v19;
	v19 =	vld.idx.msk [tilespmem:v12+s15+$0x0], vm4  }
0x20f: {  	v12 =	vor.u32 s9, v21;
	v21 =	vshll.u32 v16, $0xA;
	v15 =	vadd.s32 $0xFFFF3C00, v15;
	v22 =	vld.idx.msk [tilespmem:v13+s15+$0x0], vm2  }
0x210: {  	v12 =	vor.u32 v0, v12;
	v13 =	vor.u32 s9, v21;
	v21 =	vshll.u32 v17, $0xA;
	v23 =	vld.idx.msk [tilespmem:v11+s15+$0x0], vm3  }
0x211: {  	v11 =	vor.u32 v1, v13;
	v13 =	vor.u32 s9, v21;
	v21 =	vshll.u32 v18, $0xA;
	v24 =	vld.idx.msk [tilespmem:v9+s15+$0x0], vm1  }
0x212: {  	v9 =	vor.u32 v2, v13;
	v13 =	vor.u32 s9, v21;
	v21 =	vshll.u32 v20, $0xA;
	v25 =	vld.idx.msk [tilespmem:v10+s15+$0x0], vm0  }
0x213: {  	v10 =	vadd.s32 $0xFFFFFFCF, v14;
	v26 =	vor.u32 v3, v13;
	v13 =	vor.u32 s9, v21;
	[tilespmem:s1+$0x1AC40] =	vst.add.f32.msk $0xffff, v8;
	s1 =	smov.u32 s31;
	s31 =	smov.u32 s10  }
.Ltmp10:
0x214: {  	v8 =	vadd.s32 $0xFFFFFFCF, v16;
	v16 =	vadd.s32 $0xFFFFFFCF, v17;
	v17 =	vor.u32 v4, v13;
	v14 =	vld.idx.msk [tilespmem:v15+s15+$0x0], vm5;
	(pc) =	sbr.rel @p1 .LBB2_16-.Ltmp10, $4  }
0x215: {  	v12 =	vadd.s32 $0xFFFF3C00, v12;
	v15 =	vadd.s32 $0xFFFFFFCF, v18;
	v18 =	vadd.s32 $0xFFFFFFCF, v20;
	[tilespmem:s1+$0x1AC00] =	vst.add.f32.msk $0xffff, v19  }
0x216: {  	v13 =	vadd.s32 $0xFFFF3C00, v11;
	v11 =	vadd.s32 $0xFFFF3C00, v9;
	v9 =	vadd.s32 $0xFFFF3C00, v26;
	[tilespmem:s1+$0x1AC10] =	vst.add.f32.msk $0xffff, v22  }
0x217: {  	vm4 =	vlt.u32 v10, $0x31;
	vm2 =	vlt.u32 v8, $0x31;
	v10 =	vadd.s32 $0xFFFF3C00, v17;
	[tilespmem:s1+$0x1AC20] =	vst.add.f32.msk $0xffff, v23  }
0x218: {  	s10 =	sshra.s32 s8, $0x2;
	s8 =	sadd.s32 $0x200, s8;
	vm3 =	vlt.u32 v16, $0x31;
	vm1 =	vlt.u32 v15, $0x31;
	vm0 =	vlt.u32 v18, $0x31;
	v8 =	vmovc v25;
	[tilespmem:s1+$0x1AC30] =	vst.add.f32.msk $0xffff, v24  }
0x219: {  	v15 =	vld [tilespmem:s10+$0x18850]  }
0x21a: {  	[tilespmem:s31+$0x1AC50] =	vst.add.f32.msk $0xffff, v14  }
0x21b: {  	v14 =	vld [tilespmem:s10+$0x18800]  }
0x21c: {  	v16 =	vld [tilespmem:s10+$0x18810]  }
0x21d: {  	v17 =	vld [tilespmem:s10+$0x18820]  }
0x21e: {  	v18 =	vld [tilespmem:s10+$0x18830]  }
0x21f: {  	v20 =	vld [tilespmem:s10+$0x18840]  }
0x220: {  	v12 =	vld.idx.msk [tilespmem:v12+s15+$0x0], vm4  }
0x221: {  	v13 =	vld.idx.msk [tilespmem:v13+s15+$0x0], vm2;
	_ =	sdelay $0x1  }
0x222: {  	v19 =	vshll.u32 v15, $0xA;
	v15 =	vadd.s32 $0xFFFFFFCF, v15  }
0x223: {  	s0 =	sadd.s32 $0x1, s0;
	[tilespmem:s1+$0x1AC40] =	vst.add.f32.msk $0xffff, v8;
	v21 =	vshll.u32 v14, $0xA;
	v47 =	vshll.u32 v16, $0xA;
	v22 =	vshll.u32 v17, $0xA  }
0x224: {  	s0 =	sand.u32 $0x7, s0;
	v23 =	vshll.u32 v18, $0xA;
	v24 =	vshll.u32 v20, $0xA;
	v14 =	vadd.s32 $0xFFFFFFCF, v14;
	[tilespmem:s31+$0x1AC00] =	vst.add.f32.msk $0xffff, v12  }
0x225: {  	s0 =	sshll.u32 s0, $0x7;
	v16 =	vadd.s32 $0xFFFFFFCF, v16;
	v12 =	vadd.s32 $0xFFFFFFCF, v18;
	[tilespmem:s31+$0x1AC10] =	vst.add.f32.msk $0xffff, v13;
	v13 =	vadd.s32 $0xFFFFFFCF, v20  }
0x226: {  	v11 =	vld.idx.msk [tilespmem:v11+s15+$0x0], vm3;
	v19 =	vor.u32 s0, v19;
	vm5 =	vlt.u32 v15, $0x31;
	v46 =	vor.u32 s0, v21  }
0x227: {  	v9 =	vld.idx.msk [tilespmem:v9+s15+$0x0], vm1;
	v21 =	vor.u32 s0, v47;
	v22 =	vor.u32 s0, v22;
	v23 =	vor.u32 s0, v23  }
0x228: {  	v10 =	vld.idx.msk [tilespmem:v10+s15+$0x0], vm0;
	v8 =	vor.u32 s0, v24;
	vm0 =	vlt.u32 v14, $0x31;
	v15 =	vor.u32 v5, v19  }
0x229: {  	v14 =	vadd.s32 $0xFFFFFFCF, v17;
	v19 =	vor.u32 v0, v46;
	v15 =	vadd.s32 $0xFFFF3C00, v15  }
0x22a: {  	vm1 =	vlt.u32 v16, $0x31;
	v21 =	vor.u32 v1, v21;
	v48 =	vadd.s32 $0xFFFF3C00, v19  }
0x22b: {  	v22 =	vor.u32 v2, v22;
	vm2 =	vlt.u32 v14, $0x31;
	v49 =	vadd.s32 $0xFFFF3C00, v21  }
0x22c: {  	[tilespmem:s31+$0x1AC20] =	vst.add.f32.msk $0xffff, v11;
	vm3 =	vlt.u32 v12, $0x31;
	v23 =	vor.u32 v3, v23;
	v14 =	vadd.s32 $0xFFFF3C00, v22  }
0x22d: {  	[tilespmem:s31+$0x1AC30] =	vst.add.f32.msk $0xffff, v9;
	vm4 =	vlt.u32 v13, $0x31;
	v8 =	vor.u32 v4, v8;
	v11 =	vadd.s32 $0xFFFF3C00, v23  }
0x22e: {  	v8 =	vadd.s32 $0xFFFF3C00, v8;
	v15 =	vld.idx.msk [tilespmem:v15+s15+$0x0], vm5  }
0x22f: {  	v9 =	vld.idx.msk [tilespmem:v48+s15+$0x0], vm0  }
0x230: {  	v12 =	vld.idx.msk [tilespmem:v49+s15+$0x0], vm1  }
0x231: {  	v13 =	vld.idx.msk [tilespmem:v14+s15+$0x0], vm2  }
0x232: {  	v11 =	vld.idx.msk [tilespmem:v11+s15+$0x0], vm3  }
0x233: {  	v8 =	vld.idx.msk [tilespmem:v8+s15+$0x0], vm4  }
0x234: {  	[tilespmem:s10+$0x1AC50] =	vst.add.f32.msk $0xffff, v15  }
0x235: {  	[tilespmem:s31+$0x1AC40] =	vst.add.f32.msk $0xffff, v10  }
0x236: {  	[tilespmem:s10+$0x1AC00] =	vst.add.f32.msk $0xffff, v9  }
0x237: {  	[tilespmem:s10+$0x1AC10] =	vst.add.f32.msk $0xffff, v12  }
0x238: {  	[tilespmem:s10+$0x1AC20] =	vst.add.f32.msk $0xffff, v13  }
0x239: {  	[tilespmem:s10+$0x1AC30] =	vst.add.f32.msk $0xffff, v11  }
0x23a: {  	s9 =	sadd.s32 $0x101400, s30;
	[tilespmem:s10+$0x1AC40] =	vst.add.f32.msk $0xffff, v8  }
0x23b: {  	[tilespmem:s15], [sflag:$0x2] =	stream.strided.gather [hbm4b:s9+s13], $0xC400, s14, s13, $0x38;
	[tilespmem:$0x1D000] =	vst v63  }
0x23c: {  	_ =	swait.ge [sflag:s18], $0xC400  }
0x23d: {  	[sflag:s18] =	ssyncset.done $0x0  }
0x23e: {  	s31 =	simm.s32 $0x0;
	[sflag:s18] =	ssyncadd.s32 $0xFFFF3C00  }
0x23f: {  	v8 =	vld [tilespmem:s31+$0x18850]  }
0x240: {  	v9 =	vld [tilespmem:s31+$0x18800]  }
0x241: {  	v11 =	vld [tilespmem:s31+$0x18820]  }
0x242: {  	v12 =	vld [tilespmem:s31+$0x18830]  }
0x243: {  	v14 =	vld [tilespmem:s31+$0x18840]  }
0x244: {  	s30 =	simm.s32 $0x80;
	s10 =	simm.s32 $0x0  }
0x245: {  	s0 =	sand.u32 $0x7, s10;
	v55 =	vld [tilespmem:s30+$0x18840]  }
0x246: {  	s0 =	sshll.u32 s0, $0x7;
	v54 =	vld [tilespmem:s30+$0x18830];
	v13 =	vshll.u32 v8, $0xA;
	v8 =	vadd.s32 $0xFFFFFF9E, v8;
	v15 =	vshll.u32 v9, $0xA  }
0x247: {  	v50 =	vshll.u32 v11, $0xA;
	v51 =	vshll.u32 v12, $0xA;
	v13 =	vor.u32 s0, v13  }
0x248: {  	v52 =	vshll.u32 v14, $0xA;
	vm0 =	vlt.u32 v8, $0x31;
	v8 =	vor.u32 v5, v13  }
0x249: {  	v10 =	vld [tilespmem:s31+$0x18810];
	v9 =	vadd.s32 $0xFFFFFF9E, v9;
	v11 =	vadd.s32 $0xFFFFFF9E, v11;
	v8 =	vadd.s32 $0xFFFE7800, v8  }
0x24a: {  	v12 =	vadd.s32 $0xFFFFFF9E, v12;
	v14 =	vadd.s32 $0xFFFFFF9E, v14;
	v59 =	vshll.u32 v55, $0xA  }
0x24b: {  	v62 =	vadd.s32 $0xFFFFFF9E, v54;
	v63 =	vadd.s32 $0xFFFFFF9E, v55;
	v16 =	vor.u32 s0, v50  }
0x24c: {  	v53 =	vld [tilespmem:s30+$0x18850];
	v17 =	vor.u32 s0, v51;
	vm2 =	vlt.u32 v11, $0x31;
	v16 =	vor.u32 v2, v16  }
0x24d: {  	vm3 =	vlt.u32 v12, $0x31;
	v17 =	vor.u32 v3, v17;
	v16 =	vadd.s32 $0xFFFE7800, v16  }
0x24e: {  	v13 =	vor.u32 s0, v15;
	v15 =	vshll.u32 v10, $0xA;
	v17 =	vadd.s32 $0xFFFE7800, v17;
	v8 =	vld.idx.msk [tilespmem:v8+s6+$0x0], vm0  }
0x24f: {  	v10 =	vadd.s32 $0xFFFFFF9E, v10;
	v15 =	vor.u32 s0, v15;
	vm0 =	vlt.u32 v9, $0x31;
	v9 =	vld [tilespmem:s30+$0x18800]  }
0x250: {  	v18 =	vor.u32 s0, v52;
	vm1 =	vlt.u32 v10, $0x31;
	v10 =	vld [tilespmem:s30+$0x18810];
	s0 =	simm.s32 $0x1;
	v15 =	vor.u32 v1, v15  }
0x251: {  	v11 =	vld [tilespmem:s30+$0x18820];
	v12 =	vshll.u32 v53, $0xA;
	vm4 =	vlt.u32 v14, $0x31;
	s11 =	sand.u32 $0x7, s0;
	v15 =	vadd.s32 $0xFFFE7800, v15  }
0x252: {  	v14 =	vadd.s32 $0xFFFFFF9E, v53;
	v18 =	vor.u32 v4, v18;
	v13 =	vor.u32 v0, v13;
	s1 =	sshll.u32 s11, $0x7;
	v16 =	vld.idx.msk [tilespmem:v16+s6+$0x0], vm2  }
0x253: {  	vm5 =	vlt.u32 v14, $0x31;
	v13 =	vadd.s32 $0xFFFE7800, v13;
	v12 =	vor.u32 s1, v12;
	v17 =	vld.idx.msk [tilespmem:v17+s6+$0x0], vm3  }
0x254: {  	v18 =	vadd.s32 $0xFFFE7800, v18;
	v12 =	vor.u32 v5, v12;
	[tilespmem:s31+$0x1AC50] =	vst.add.f32.msk $0xffff, v8;
	v8 =	vshll.u32 v9, $0xA  }
0x255: {  	v14 =	vshll.u32 v10, $0xA;
	v12 =	vadd.s32 $0xFFFE7800, v12;
	v8 =	vor.u32 s1, v8  }
0x256: {  	v15 =	vld.idx.msk [tilespmem:v15+s6+$0x0], vm1;
	v56 =	vor.u32 v0, v8;
	v8 =	vor.u32 s1, v14;
	v14 =	vshll.u32 v11, $0xA  }
0x257: {  	[tilespmem:s31+$0x1AC20] =	vst.add.f32.msk $0xffff, v16;
	v57 =	vor.u32 v1, v8;
	v8 =	vor.u32 s1, v14;
	v14 =	vshll.u32 v54, $0xA  }
0x258: {  	v61 =	vadd.s32 $0xFFFFFF9E, v11;
	v10 =	vadd.s32 $0xFFFFFF9E, v10;
	v13 =	vld.idx.msk [tilespmem:v13+s6+$0x0], vm0;
	v14 =	vor.u32 s1, v14  }
0x259: {  	v60 =	vadd.s32 $0xFFFFFF9E, v9;
	[tilespmem:s31+$0x1AC30] =	vst.add.f32.msk $0xffff, v17;
	v9 =	vor.u32 v3, v14;
	v14 =	vor.u32 s1, v59  }
0x25a: {  	vm3 =	vlt.u32 v61, $0x31;
	vm2 =	vlt.u32 v10, $0x31;
	v25 =	vor.u32 v4, v14;
	v14 =	vld.idx.msk [tilespmem:v12+s6+$0x0], vm5  }
0x25b: {  	vm1 =	vlt.u32 v62, $0x31;
	vm0 =	vlt.u32 v63, $0x31;
	[tilespmem:s31+$0x1AC10] =	vst.add.f32.msk $0xffff, v15;
	v58 =	vor.u32 v2, v8  }
0x25c: {  	v8 =	vld.idx.msk [tilespmem:v18+s6+$0x0], vm4;
	vm4 =	vlt.u32 v60, $0x31;
	v11 =	vadd.s32 $0xFFFE7800, v58;
	v12 =	vadd.s32 $0xFFFE7800, v56  }
0x25d: {  	s8 =	simm.s32 $0x600;
	s1 =	simm.s32 $0x100;
	[tilespmem:s31+$0x1AC00] =	vst.add.f32.msk $0xffff, v13;
	v13 =	vadd.s32 $0xFFFE7800, v57;
	v9 =	vadd.s32 $0xFFFE7800, v9;
	v10 =	vadd.s32 $0xFFFE7800, v25  }
.LBB2_18:
0x25e: {  	p1 =	sne.s32 s8, $0x8E00;
	v15 =	vld [tilespmem:s1+$0x18850]  }
0x25f: {  	[tilespmem:s30+$0x1AC50] =	vst.add.f32.msk $0xffff, v14  }
0x260: {  	v14 =	vld [tilespmem:s1+$0x18800]  }
0x261: {  	s0 =	sadd.s32 $0x1, s0;
	v16 =	vld [tilespmem:s1+$0x18810]  }
0x262: {  	s9 =	sand.u32 $0x7, s0;
	v17 =	vld [tilespmem:s1+$0x18820]  }
0x263: {  	s9 =	sshll.u32 s9, $0x7;
	v18 =	vld [tilespmem:s1+$0x18830];
	v19 =	vshll.u32 v15, $0xA  }
0x264: {  	v15 =	vadd.s32 $0xFFFFFF9E, v15;
	v20 =	vld [tilespmem:s1+$0x18840];
	v19 =	vor.u32 s9, v19  }
0x265: {  	vm5 =	vlt.u32 v15, $0x31;
	v21 =	vshll.u32 v14, $0xA;
	v15 =	vor.u32 v5, v19;
	v19 =	vld.idx.msk [tilespmem:v12+s6+$0x0], vm4  }
0x266: {  	v12 =	vor.u32 s9, v21;
	v21 =	vshll.u32 v16, $0xA;
	v15 =	vadd.s32 $0xFFFE7800, v15;
	v22 =	vld.idx.msk [tilespmem:v13+s6+$0x0], vm2  }
0x267: {  	v12 =	vor.u32 v0, v12;
	v13 =	vor.u32 s9, v21;
	v21 =	vshll.u32 v17, $0xA;
	v23 =	vld.idx.msk [tilespmem:v11+s6+$0x0], vm3  }
0x268: {  	v11 =	vor.u32 v1, v13;
	v13 =	vor.u32 s9, v21;
	v21 =	vshll.u32 v18, $0xA;
	v24 =	vld.idx.msk [tilespmem:v9+s6+$0x0], vm1  }
0x269: {  	v9 =	vor.u32 v2, v13;
	v13 =	vor.u32 s9, v21;
	v21 =	vshll.u32 v20, $0xA;
	v25 =	vld.idx.msk [tilespmem:v10+s6+$0x0], vm0  }
0x26a: {  	v10 =	vadd.s32 $0xFFFFFF9E, v14;
	v26 =	vor.u32 v3, v13;
	v13 =	vor.u32 s9, v21;
	[tilespmem:s31+$0x1AC40] =	vst.add.f32.msk $0xffff, v8;
	s31 =	smov.u32 s30;
	s30 =	smov.u32 s1  }
.Ltmp11:
0x26b: {  	v8 =	vadd.s32 $0xFFFFFF9E, v16;
	v16 =	vadd.s32 $0xFFFFFF9E, v17;
	v17 =	vor.u32 v4, v13;
	v14 =	vld.idx.msk [tilespmem:v15+s6+$0x0], vm5;
	(pc) =	sbr.rel @p1 .LBB2_18-.Ltmp11, $4  }
0x26c: {  	v12 =	vadd.s32 $0xFFFE7800, v12;
	v15 =	vadd.s32 $0xFFFFFF9E, v18;
	v18 =	vadd.s32 $0xFFFFFF9E, v20;
	[tilespmem:s31+$0x1AC00] =	vst.add.f32.msk $0xffff, v19  }
0x26d: {  	v13 =	vadd.s32 $0xFFFE7800, v11;
	v11 =	vadd.s32 $0xFFFE7800, v9;
	v9 =	vadd.s32 $0xFFFE7800, v26;
	[tilespmem:s31+$0x1AC10] =	vst.add.f32.msk $0xffff, v22  }
0x26e: {  	vm4 =	vlt.u32 v10, $0x31;
	vm2 =	vlt.u32 v8, $0x31;
	v10 =	vadd.s32 $0xFFFE7800, v17;
	[tilespmem:s31+$0x1AC20] =	vst.add.f32.msk $0xffff, v23  }
0x26f: {  	s1 =	sshra.s32 s8, $0x2;
	s8 =	sadd.s32 $0x200, s8;
	vm3 =	vlt.u32 v16, $0x31;
	vm1 =	vlt.u32 v15, $0x31;
	vm0 =	vlt.u32 v18, $0x31;
	v8 =	vmovc v25;
	[tilespmem:s31+$0x1AC30] =	vst.add.f32.msk $0xffff, v24  }
0x270: {  	v15 =	vld [tilespmem:s1+$0x18850]  }
0x271: {  	[tilespmem:s30+$0x1AC50] =	vst.add.f32.msk $0xffff, v14  }
0x272: {  	v14 =	vld [tilespmem:s1+$0x18800]  }
0x273: {  	v16 =	vld [tilespmem:s1+$0x18810]  }
0x274: {  	v17 =	vld [tilespmem:s1+$0x18820]  }
0x275: {  	v18 =	vld [tilespmem:s1+$0x18830]  }
0x276: {  	v20 =	vld [tilespmem:s1+$0x18840]  }
0x277: {  	v12 =	vld.idx.msk [tilespmem:v12+s6+$0x0], vm4  }
0x278: {  	v13 =	vld.idx.msk [tilespmem:v13+s6+$0x0], vm2;
	_ =	sdelay $0x1  }
0x279: {  	v19 =	vshll.u32 v15, $0xA;
	v15 =	vadd.s32 $0xFFFFFF9E, v15  }
0x27a: {  	s0 =	sadd.s32 $0x1, s0;
	[tilespmem:s31+$0x1AC40] =	vst.add.f32.msk $0xffff, v8;
	v21 =	vshll.u32 v14, $0xA;
	v47 =	vshll.u32 v16, $0xA;
	v22 =	vshll.u32 v17, $0xA  }
0x27b: {  	s0 =	sand.u32 $0x7, s0;
	v23 =	vshll.u32 v18, $0xA;
	v24 =	vshll.u32 v20, $0xA;
	v14 =	vadd.s32 $0xFFFFFF9E, v14;
	[tilespmem:s30+$0x1AC00] =	vst.add.f32.msk $0xffff, v12  }
0x27c: {  	s0 =	sshll.u32 s0, $0x7;
	v16 =	vadd.s32 $0xFFFFFF9E, v16;
	v12 =	vadd.s32 $0xFFFFFF9E, v18;
	[tilespmem:s30+$0x1AC10] =	vst.add.f32.msk $0xffff, v13;
	v13 =	vadd.s32 $0xFFFFFF9E, v20  }
0x27d: {  	v11 =	vld.idx.msk [tilespmem:v11+s6+$0x0], vm3;
	v19 =	vor.u32 s0, v19;
	vm5 =	vlt.u32 v15, $0x31;
	v46 =	vor.u32 s0, v21  }
0x27e: {  	v9 =	vld.idx.msk [tilespmem:v9+s6+$0x0], vm1;
	v21 =	vor.u32 s0, v47;
	v22 =	vor.u32 s0, v22;
	v23 =	vor.u32 s0, v23  }
0x27f: {  	v10 =	vld.idx.msk [tilespmem:v10+s6+$0x0], vm0;
	v8 =	vor.u32 s0, v24;
	vm0 =	vlt.u32 v14, $0x31;
	v15 =	vor.u32 v5, v19  }
0x280: {  	v14 =	vadd.s32 $0xFFFFFF9E, v17;
	v19 =	vor.u32 v0, v46;
	v15 =	vadd.s32 $0xFFFE7800, v15  }
0x281: {  	vm1 =	vlt.u32 v16, $0x31;
	v21 =	vor.u32 v1, v21;
	v48 =	vadd.s32 $0xFFFE7800, v19  }
0x282: {  	v22 =	vor.u32 v2, v22;
	vm2 =	vlt.u32 v14, $0x31;
	v49 =	vadd.s32 $0xFFFE7800, v21  }
0x283: {  	[tilespmem:s30+$0x1AC20] =	vst.add.f32.msk $0xffff, v11;
	vm3 =	vlt.u32 v12, $0x31;
	v23 =	vor.u32 v3, v23;
	v14 =	vadd.s32 $0xFFFE7800, v22  }
0x284: {  	[tilespmem:s30+$0x1AC30] =	vst.add.f32.msk $0xffff, v9;
	vm4 =	vlt.u32 v13, $0x31;
	v8 =	vor.u32 v4, v8;
	v11 =	vadd.s32 $0xFFFE7800, v23  }
0x285: {  	v8 =	vadd.s32 $0xFFFE7800, v8;
	v15 =	vld.idx.msk [tilespmem:v15+s6+$0x0], vm5  }
0x286: {  	v9 =	vld.idx.msk [tilespmem:v48+s6+$0x0], vm0  }
0x287: {  	v12 =	vld.idx.msk [tilespmem:v49+s6+$0x0], vm1  }
0x288: {  	v13 =	vld.idx.msk [tilespmem:v14+s6+$0x0], vm2  }
0x289: {  	v11 =	vld.idx.msk [tilespmem:v11+s6+$0x0], vm3  }
0x28a: {  	v8 =	vld.idx.msk [tilespmem:v8+s6+$0x0], vm4  }
0x28b: {  	[tilespmem:s1+$0x1AC50] =	vst.add.f32.msk $0xffff, v15  }
0x28c: {  	p1 =	seq.s32 s26, $0x6;
	[tilespmem:s30+$0x1AC40] =	vst.add.f32.msk $0xffff, v10  }
0x28d: {  	s0 =	smul.u32 @!p1 $0xAB8000, s28;
	[tilespmem:s1+$0x1AC00] =	vst.add.f32.msk $0xffff, v9  }
0x28e: {  	[tilespmem:s1+$0x1AC10] =	vst.add.f32.msk $0xffff, v12  }
0x28f: {  	s0 =	sadd.s32 @!p1 s29, s0;
	[tilespmem:s1+$0x1AC20] =	vst.add.f32.msk $0xffff, v13  }
0x290: {  	s8 =	simm.s32 @!p1 $0xE000;
	s26 =	sshrl.u32 @!p1 s0, $0x3;
	[tilespmem:s1+$0x1AC30] =	vst.add.f32.msk $0xffff, v11  }
0x291: {  	s9 =	simm.s32 @!p1 $0x0;
	s0 =	sadd.s32 @!p1 s26, s7;
	[tilespmem:s1+$0x1AC40] =	vst.add.f32.msk $0xffff, v8;
	s1 =	simm.s32 @!p1 $0x400  }
0x292: {  	[tilespmem:s9], [sflag:$0x1] =	stream.strided.gather @!p1 [hbm4b:s0+s1], $0xC400, s8, s1, $0x38;
	[tilespmem:$0x1D000] =	vst v63  }
0x293: {  	_ =	swait.ge [sflag:s19], $0xC400  }
0x294: {  	[sflag:s19] =	ssyncset.done $0x0  }
0x295: {  	s29 =	simm.s32 $0x0;
	[sflag:s19] =	ssyncadd.s32 $0xFFFF3C00  }
0x296: {  	v8 =	vld [tilespmem:s29+$0x18850]  }
0x297: {  	v9 =	vld [tilespmem:s29+$0x18800]  }
0x298: {  	v11 =	vld [tilespmem:s29+$0x18820]  }
0x299: {  	v12 =	vld [tilespmem:s29+$0x18830]  }
0x29a: {  	v14 =	vld [tilespmem:s29+$0x18840]  }
0x29b: {  	s28 =	simm.s32 $0x80;
	s30 =	simm.s32 $0x0  }
0x29c: {  	s0 =	sand.u32 $0x7, s30;
	v55 =	vld [tilespmem:s28+$0x18840]  }
0x29d: {  	s0 =	sshll.u32 s0, $0x7;
	v54 =	vld [tilespmem:s28+$0x18830];
	v13 =	vshll.u32 v8, $0xA;
	v8 =	vadd.s32 $0xFFFFFF6D, v8;
	v15 =	vshll.u32 v9, $0xA  }
0x29e: {  	v50 =	vshll.u32 v11, $0xA;
	v51 =	vshll.u32 v12, $0xA;
	v13 =	vor.u32 s0, v13  }
0x29f: {  	v52 =	vshll.u32 v14, $0xA;
	vm0 =	vlt.u32 v8, $0x31;
	v8 =	vor.u32 v5, v13  }
0x2a0: {  	v10 =	vld [tilespmem:s29+$0x18810];
	v9 =	vadd.s32 $0xFFFFFF6D, v9;
	v11 =	vadd.s32 $0xFFFFFF6D, v11;
	v8 =	vadd.s32 $0xFFFDB400, v8  }
0x2a1: {  	v12 =	vadd.s32 $0xFFFFFF6D, v12;
	v14 =	vadd.s32 $0xFFFFFF6D, v14;
	v59 =	vshll.u32 v55, $0xA  }
0x2a2: {  	v62 =	vadd.s32 $0xFFFFFF6D, v54;
	v63 =	vadd.s32 $0xFFFFFF6D, v55;
	v16 =	vor.u32 s0, v50  }
0x2a3: {  	v53 =	vld [tilespmem:s28+$0x18850];
	v17 =	vor.u32 s0, v51;
	vm2 =	vlt.u32 v11, $0x31;
	v16 =	vor.u32 v2, v16  }
0x2a4: {  	vm3 =	vlt.u32 v12, $0x31;
	v17 =	vor.u32 v3, v17;
	v16 =	vadd.s32 $0xFFFDB400, v16  }
0x2a5: {  	v13 =	vor.u32 s0, v15;
	v15 =	vshll.u32 v10, $0xA;
	v17 =	vadd.s32 $0xFFFDB400, v17;
	v8 =	vld.idx.msk [tilespmem:v8+s15+$0x0], vm0  }
0x2a6: {  	v10 =	vadd.s32 $0xFFFFFF6D, v10;
	v15 =	vor.u32 s0, v15;
	vm0 =	vlt.u32 v9, $0x31;
	v9 =	vld [tilespmem:s28+$0x18800]  }
0x2a7: {  	v18 =	vor.u32 s0, v52;
	vm1 =	vlt.u32 v10, $0x31;
	v10 =	vld [tilespmem:s28+$0x18810];
	s0 =	simm.s32 $0x1;
	v15 =	vor.u32 v1, v15  }
0x2a8: {  	v11 =	vld [tilespmem:s28+$0x18820];
	v12 =	vshll.u32 v53, $0xA;
	vm4 =	vlt.u32 v14, $0x31;
	s31 =	sand.u32 $0x7, s0;
	v15 =	vadd.s32 $0xFFFDB400, v15  }
0x2a9: {  	v14 =	vadd.s32 $0xFFFFFF6D, v53;
	v18 =	vor.u32 v4, v18;
	v13 =	vor.u32 v0, v13;
	s1 =	sshll.u32 s31, $0x7;
	v16 =	vld.idx.msk [tilespmem:v16+s15+$0x0], vm2  }
0x2aa: {  	vm5 =	vlt.u32 v14, $0x31;
	v13 =	vadd.s32 $0xFFFDB400, v13;
	v12 =	vor.u32 s1, v12;
	v17 =	vld.idx.msk [tilespmem:v17+s15+$0x0], vm3  }
0x2ab: {  	v18 =	vadd.s32 $0xFFFDB400, v18;
	v12 =	vor.u32 v5, v12;
	[tilespmem:s29+$0x1AC50] =	vst.add.f32.msk $0xffff, v8;
	v8 =	vshll.u32 v9, $0xA  }
0x2ac: {  	v14 =	vshll.u32 v10, $0xA;
	v12 =	vadd.s32 $0xFFFDB400, v12;
	v8 =	vor.u32 s1, v8  }
0x2ad: {  	v15 =	vld.idx.msk [tilespmem:v15+s15+$0x0], vm1;
	v56 =	vor.u32 v0, v8;
	v8 =	vor.u32 s1, v14;
	v14 =	vshll.u32 v11, $0xA  }
0x2ae: {  	[tilespmem:s29+$0x1AC20] =	vst.add.f32.msk $0xffff, v16;
	v57 =	vor.u32 v1, v8;
	v8 =	vor.u32 s1, v14;
	v14 =	vshll.u32 v54, $0xA  }
0x2af: {  	v61 =	vadd.s32 $0xFFFFFF6D, v11;
	v10 =	vadd.s32 $0xFFFFFF6D, v10;
	v13 =	vld.idx.msk [tilespmem:v13+s15+$0x0], vm0;
	v14 =	vor.u32 s1, v14  }
0x2b0: {  	v60 =	vadd.s32 $0xFFFFFF6D, v9;
	[tilespmem:s29+$0x1AC30] =	vst.add.f32.msk $0xffff, v17;
	v9 =	vor.u32 v3, v14;
	v14 =	vor.u32 s1, v59  }
0x2b1: {  	vm3 =	vlt.u32 v61, $0x31;
	vm2 =	vlt.u32 v10, $0x31;
	v25 =	vor.u32 v4, v14;
	v14 =	vld.idx.msk [tilespmem:v12+s15+$0x0], vm5  }
0x2b2: {  	vm1 =	vlt.u32 v62, $0x31;
	vm0 =	vlt.u32 v63, $0x31;
	[tilespmem:s29+$0x1AC10] =	vst.add.f32.msk $0xffff, v15;
	v58 =	vor.u32 v2, v8  }
0x2b3: {  	v8 =	vld.idx.msk [tilespmem:v18+s15+$0x0], vm4;
	vm4 =	vlt.u32 v60, $0x31;
	v11 =	vadd.s32 $0xFFFDB400, v58;
	v12 =	vadd.s32 $0xFFFDB400, v56  }
0x2b4: {  	s8 =	simm.s32 $0x600;
	s1 =	simm.s32 $0x100;
	[tilespmem:s29+$0x1AC00] =	vst.add.f32.msk $0xffff, v13;
	v13 =	vadd.s32 $0xFFFDB400, v57;
	v9 =	vadd.s32 $0xFFFDB400, v9;
	v10 =	vadd.s32 $0xFFFDB400, v25  }
.LBB2_20:
0x2b5: {  	p2 =	sne.s32 s8, $0x8E00;
	v15 =	vld [tilespmem:s1+$0x18850]  }
0x2b6: {  	[tilespmem:s28+$0x1AC50] =	vst.add.f32.msk $0xffff, v14  }
0x2b7: {  	v14 =	vld [tilespmem:s1+$0x18800]  }
0x2b8: {  	s0 =	sadd.s32 $0x1, s0;
	v16 =	vld [tilespmem:s1+$0x18810]  }
0x2b9: {  	s9 =	sand.u32 $0x7, s0;
	v17 =	vld [tilespmem:s1+$0x18820]  }
0x2ba: {  	s9 =	sshll.u32 s9, $0x7;
	v18 =	vld [tilespmem:s1+$0x18830];
	v19 =	vshll.u32 v15, $0xA  }
0x2bb: {  	v15 =	vadd.s32 $0xFFFFFF6D, v15;
	v20 =	vld [tilespmem:s1+$0x18840];
	v19 =	vor.u32 s9, v19  }
0x2bc: {  	vm5 =	vlt.u32 v15, $0x31;
	v21 =	vshll.u32 v14, $0xA;
	v15 =	vor.u32 v5, v19;
	v19 =	vld.idx.msk [tilespmem:v12+s15+$0x0], vm4  }
0x2bd: {  	v12 =	vor.u32 s9, v21;
	v21 =	vshll.u32 v16, $0xA;
	v15 =	vadd.s32 $0xFFFDB400, v15;
	v22 =	vld.idx.msk [tilespmem:v13+s15+$0x0], vm2  }
0x2be: {  	v12 =	vor.u32 v0, v12;
	v13 =	vor.u32 s9, v21;
	v21 =	vshll.u32 v17, $0xA;
	v23 =	vld.idx.msk [tilespmem:v11+s15+$0x0], vm3  }
0x2bf: {  	v11 =	vor.u32 v1, v13;
	v13 =	vor.u32 s9, v21;
	v21 =	vshll.u32 v18, $0xA;
	v24 =	vld.idx.msk [tilespmem:v9+s15+$0x0], vm1  }
0x2c0: {  	v9 =	vor.u32 v2, v13;
	v13 =	vor.u32 s9, v21;
	v21 =	vshll.u32 v20, $0xA;
	v25 =	vld.idx.msk [tilespmem:v10+s15+$0x0], vm0  }
0x2c1: {  	v10 =	vadd.s32 $0xFFFFFF6D, v14;
	v26 =	vor.u32 v3, v13;
	v13 =	vor.u32 s9, v21;
	[tilespmem:s29+$0x1AC40] =	vst.add.f32.msk $0xffff, v8;
	s29 =	smov.u32 s28;
	s28 =	smov.u32 s1  }
.Ltmp12:
0x2c2: {  	v8 =	vadd.s32 $0xFFFFFF6D, v16;
	v16 =	vadd.s32 $0xFFFFFF6D, v17;
	v17 =	vor.u32 v4, v13;
	v14 =	vld.idx.msk [tilespmem:v15+s15+$0x0], vm5;
	(pc) =	sbr.rel @p2 .LBB2_20-.Ltmp12, $4  }
0x2c3: {  	v12 =	vadd.s32 $0xFFFDB400, v12;
	v15 =	vadd.s32 $0xFFFFFF6D, v18;
	v18 =	vadd.s32 $0xFFFFFF6D, v20;
	[tilespmem:s29+$0x1AC00] =	vst.add.f32.msk $0xffff, v19  }
0x2c4: {  	v13 =	vadd.s32 $0xFFFDB400, v11;
	v11 =	vadd.s32 $0xFFFDB400, v9;
	v9 =	vadd.s32 $0xFFFDB400, v26;
	[tilespmem:s29+$0x1AC10] =	vst.add.f32.msk $0xffff, v22  }
0x2c5: {  	vm4 =	vlt.u32 v10, $0x31;
	vm2 =	vlt.u32 v8, $0x31;
	v10 =	vadd.s32 $0xFFFDB400, v17;
	[tilespmem:s29+$0x1AC20] =	vst.add.f32.msk $0xffff, v23  }
0x2c6: {  	s1 =	sshra.s32 s8, $0x2;
	s8 =	sadd.s32 $0x200, s8;
	vm3 =	vlt.u32 v16, $0x31;
	vm1 =	vlt.u32 v15, $0x31;
	vm0 =	vlt.u32 v18, $0x31;
	v8 =	vmovc v25;
	[tilespmem:s29+$0x1AC30] =	vst.add.f32.msk $0xffff, v24  }
0x2c7: {  	v15 =	vld [tilespmem:s1+$0x18850]  }
0x2c8: {  	v50 =	vld [tilespmem:s1+$0x18800]  }
0x2c9: {  	v16 =	vld [tilespmem:s1+$0x18810]  }
0x2ca: {  	v17 =	vld [tilespmem:s1+$0x18820]  }
0x2cb: {  	v18 =	vld [tilespmem:s1+$0x18830]  }
0x2cc: {  	v20 =	vld [tilespmem:s1+$0x18840];
	_ =	sdelay $0x2  }
0x2cd: {  	v19 =	vshll.u32 v15, $0xA;
	v15 =	vadd.s32 $0xFFFFFF6D, v15  }
0x2ce: {  	[tilespmem:s28+$0x1AC50] =	vst.add.f32.msk $0xffff, v14;
	s0 =	sadd.s32 $0x1, s0;
	v21 =	vshll.u32 v50, $0xA;
	v53 =	vshll.u32 v16, $0xA;
	v22 =	vshll.u32 v17, $0xA  }
0x2cf: {  	v12 =	vld.idx.msk [tilespmem:v12+s15+$0x0], vm4;
	s0 =	sand.u32 $0x7, s0;
	v23 =	vshll.u32 v18, $0xA;
	v24 =	vshll.u32 v20, $0xA;
	v14 =	vadd.s32 $0xFFFFFF6D, v50  }
0x2d0: {  	v13 =	vld.idx.msk [tilespmem:v13+s15+$0x0], vm2;
	s0 =	sshll.u32 s0, $0x7;
	v16 =	vadd.s32 $0xFFFFFF6D, v16;
	v54 =	vadd.s32 $0xFFFFFF6D, v17;
	v56 =	vadd.s32 $0xFFFFFF6D, v18  }
0x2d1: {  	v11 =	vld.idx.msk [tilespmem:v11+s15+$0x0], vm3;
	v58 =	vadd.s32 $0xFFFFFF6D, v20;
	v19 =	vor.u32 s0, v19;
	vm5 =	vlt.u32 v15, $0x31  }
0x2d2: {  	v9 =	vld.idx.msk [tilespmem:v9+s15+$0x0], vm1;
	v52 =	vor.u32 s0, v21;
	v21 =	vor.u32 s0, v53;
	v22 =	vor.u32 s0, v22  }
0x2d3: {  	[tilespmem:s29+$0x1AC40] =	vst.add.f32.msk $0xffff, v8;
	v23 =	vor.u32 s0, v23;
	v8 =	vor.u32 s0, v24;
	v51 =	vor.u32 v5, v19  }
0x2d4: {  	v10 =	vld.idx.msk [tilespmem:v10+s15+$0x0], vm0;
	vm11 =	vlt.u32 v14, $0x31;
	v19 =	vor.u32 v0, v52;
	v15 =	vadd.s32 $0xFFFDB400, v51  }
0x2d5: {  	[tilespmem:s28+$0x1AC00] =	vst.add.f32.msk $0xffff, v12;
	vm12 =	vlt.u32 v16, $0x31;
	v21 =	vor.u32 v1, v21;
	v55 =	vadd.s32 $0xFFFDB400, v19  }
0x2d6: {  	[tilespmem:s28+$0x1AC10] =	vst.add.f32.msk $0xffff, v13;
	vm13 =	vlt.u32 v54, $0x31;
	v22 =	vor.u32 v2, v22;
	v57 =	vadd.s32 $0xFFFDB400, v21  }
0x2d7: {  	[tilespmem:s28+$0x1AC20] =	vst.add.f32.msk $0xffff, v11;
	vm14 =	vlt.u32 v56, $0x31;
	v23 =	vor.u32 v3, v23;
	v59 =	vadd.s32 $0xFFFDB400, v22  }
0x2d8: {  	[tilespmem:s28+$0x1AC30] =	vst.add.f32.msk $0xffff, v9;
	vm15 =	vlt.u32 v58, $0x31;
	v8 =	vor.u32 v4, v8;
	v60 =	vadd.s32 $0xFFFDB400, v23  }
0x2d9: {  	v8 =	vadd.s32 $0xFFFDB400, v8;
	v15 =	vld.idx.msk [tilespmem:v15+s15+$0x0], vm5  }
0x2da: {  	v61 =	vld.idx.msk [tilespmem:v55+s15+$0x0], vm11  }
0x2db: {  	v62 =	vld.idx.msk [tilespmem:v57+s15+$0x0], vm12  }
0x2dc: {  	v63 =	vld.idx.msk [tilespmem:v59+s15+$0x0], vm13  }
0x2dd: {  	v11 =	vld.idx.msk [tilespmem:v60+s15+$0x0], vm14  }
0x2de: {  	v8 =	vld.idx.msk [tilespmem:v8+s15+$0x0], vm15  }
0x2df: {  	[tilespmem:s1+$0x1AC50] =	vst.add.f32.msk $0xffff, v15  }
0x2e0: {  	[tilespmem:s28+$0x1AC40] =	vst.add.f32.msk $0xffff, v10  }
0x2e1: {  	[tilespmem:s1+$0x1AC00] =	vst.add.f32.msk $0xffff, v61  }
0x2e2: {  	[tilespmem:s1+$0x1AC10] =	vst.add.f32.msk $0xffff, v62  }
0x2e3: {  	[tilespmem:s1+$0x1AC20] =	vst.add.f32.msk $0xffff, v63  }
0x2e4: {  	s8 =	simm.s32 @!p1 $0xE000;
	s0 =	sadd.s32 @!p1 s7, s26;
	[tilespmem:s1+$0x1AC30] =	vst.add.f32.msk $0xffff, v11  }
0x2e5: {  	s9 =	simm.s32 @!p1 $0xC400;
	s0 =	sadd.s32 @!p1 $0x55C00, s0;
	[tilespmem:s1+$0x1AC40] =	vst.add.f32.msk $0xffff, v8;
	s1 =	simm.s32 @!p1 $0x400  }
0x2e6: {  	[tilespmem:s9], [sflag:$0x2] =	stream.strided.gather @!p1 [hbm4b:s0+s1], $0xC400, s8, s1, $0x38;
	[tilespmem:$0x1D000] =	vst v63  }
0x2e7: {  	p1 =	sne.s32 s25, $0x7  }
.Ltmp13:
0x2e8: {  	_ = 	snop;
	(pc) =	sbr.rel @p1 .LBB2_13-.Ltmp13, $4  }
.Ltmp14:
0x2e9: {  	_ = 	snop;
	(pc) =	sbr.rel @!p1 .LBB2_22-.Ltmp14, $4  }
0x2ea: {  	_ = 	snop  }
0x2eb: {  	s31 =	sadd.s32 s5, s24;
	s26 =	smov.u32 s25  }
0x2ec: {  	[hbm4b:s31+s13] =	stream.strided.scatter [tilespmem:s20], [sflag:$0x3], $0x2400, s14, s13, $0x38;
	[tilespmem:$0x1D000] =	vst v63  }
0x2ed: {  	_ = 	snop  }
.LBB2_23:
0x2ee: {  	_ =	sfence.sel $0x180000  }
0x2ef: {  	[bflag:$0x0] =	sbarrier.arrive $0xFFFF  }
0x2f0: {  	_ =	strace $0x90000047  }
0x2f1: {  	s0 =	stileid.u32;
	[bflag:$0x2] =	sbarrier.arrive $0xFFFF  }
0x2f2: {  	p0 =	sne.s32 s0, $0x0;
	s0 =	rddreg [dreg:$0x3]  }
0x2f3: {  	s0 =	sadd.s32 @!p0 $0x100000, s0  }
0x2f4: {  	[sflag:s0] =	ssyncadd.tile.s32 @!p0 $0x1;
	_ =	shalt  }
.Lfunc_end2:
_tile_overlayer_lowered:
.L_overlay_start_2:
0x2f5: {  	(tag) =	ssettag $0x2  }
0x2f6: {  	s0 =	rddreg [dreg:$0x0];
	s2 =	stileid.u32  }
0x2f7: {  	s1 =	rddreg [dreg:$0x1];
	p0 =	sne.s32 s2, $0x0  }
0x2f8: {  	s3 =	rddreg [dreg:$0x2];
	[bflag:$0x3] =	sbarrier.arrive $0xFFFF;
	s2 =	simm.s32 @!p0 $0x1C01  }
0x2f9: {  	[timem:s3], [sflag:s2] =	dma.local @!p0 [hbm:s0], s1  }
0x2fa: {  	s0 =	simm.s32 @!p0 $0x1  }
0x2fb: {  	_ =	swait.ge @!p0 [sflag:s0], s1  }
0x2fc: {  	s1 =	ssub.s32 @!p0 $0x0, s1;
	[sflag:s0] =	ssyncset.done @!p0 $0x0  }
0x2fd: {  	[sflag:s0] =	ssyncadd.s32 @!p0 s1  }
0x2fe: {  	[bflag:$0x3] =	sbarrier.arrive $0xFFFF  }
0x2ff: {  	_ =	shalt  }

</sc_bundles>
